<compile_context>
chip_gen: v7x
topology: tpu7x:2x2x1
jax: 0.10.2.dev20260603
libtpu: 0.0.44.dev20260713+nightly
codegen_flags: <defaults>
</compile_context>

<pallas_src>
import functools

import jax
import jax.numpy as jnp
from jax import lax
from jax.experimental import pallas as pl
from jax.experimental.pallas import tpu as pltpu
from jax.experimental.pallas import tpu_sc as plsc

NSUB = 16
NCORE = 2
CHUNK = 128
GRP = 16


def _make_sc_scatter(n_tab, acc_rows, rpt, chunks, hw):
    mesh = plsc.VectorSubcoreMesh(core_axis_name="c", subcore_axis_name="s")

    @functools.partial(
        pl.kernel,
        mesh=mesh,
        out_type=jax.ShapeDtypeStruct((NCORE, acc_rows, hw), jnp.float32),
        scratch_types=[
            pltpu.VMEM((GRP, CHUNK), jnp.int32),
            pltpu.VMEM((GRP, CHUNK), jnp.int32),
            pltpu.VMEM((CHUNK, hw), jnp.float32),
            pltpu.VMEM((CHUNK, hw), jnp.float32),
            pltpu.VMEM_SHARED((acc_rows, hw), jnp.float32),
            pltpu.SemaphoreType.DMA,
            pltpu.SemaphoreType.DMA,
            pltpu.SemaphoreType.DMA,
            pltpu.SemaphoreType.DMA,
        ],
    )
    def scat(table, srcix, dstix, zeros, out, srcv, dstv, rows_a, rows_b,
             acc, sga, sgb, ssa, ssb):
        c = lax.axis_index("c")
        s = lax.axis_index("s")
        pltpu.sync_copy(zeros, acc.at[pl.ds(s * rpt, rpt)])
        plsc.subcore_barrier()

        def group(g, carry):
            pltpu.sync_copy(srcix.at[c, s, pl.ds(g * GRP, GRP)], srcv)
            pltpu.sync_copy(dstix.at[s, pl.ds(g * GRP, GRP)], dstv)
            pltpu.async_copy(table.at[srcv.at[0]], rows_a, sga)
            pltpu.async_copy(table.at[srcv.at[1]], rows_b, sgb)

            def pair(p, carry2):
                j0 = 2 * p
                j1 = j0 + 1
                pltpu.make_async_copy(table.at[srcv.at[j0]], rows_a, sga).wait()
                pltpu.async_copy(rows_a, acc.at[dstv.at[j0]], ssa, add=True)
                pltpu.make_async_copy(table.at[srcv.at[j1]], rows_b, sgb).wait()
                pltpu.async_copy(rows_b, acc.at[dstv.at[j1]], ssb, add=True)
                pltpu.make_async_copy(rows_a, acc.at[dstv.at[j0]], ssa).wait()
                pltpu.async_copy(table.at[srcv.at[j0 + 2]], rows_a, sga)
                pltpu.make_async_copy(rows_b, acc.at[dstv.at[j1]], ssb).wait()
                pltpu.async_copy(table.at[srcv.at[j1 + 2]], rows_b, sgb)
                return carry2

            lax.fori_loop(0, GRP // 2 - 1, pair, 0)
            pltpu.make_async_copy(table.at[srcv.at[GRP - 2]], rows_a, sga).wait()
            pltpu.async_copy(rows_a, acc.at[dstv.at[GRP - 2]], ssa, add=True)
            pltpu.make_async_copy(table.at[srcv.at[GRP - 1]], rows_b, sgb).wait()
            pltpu.async_copy(rows_b, acc.at[dstv.at[GRP - 1]], ssb, add=True)
            pltpu.make_async_copy(rows_a, acc.at[dstv.at[GRP - 2]], ssa).wait()
            pltpu.make_async_copy(rows_b, acc.at[dstv.at[GRP - 1]], ssb).wait()
            return carry

        lax.fori_loop(0, chunks // GRP, group, 0)
        plsc.subcore_barrier()
        pltpu.sync_copy(acc.at[pl.ds(s * rpt, rpt)],
                        out.at[c, pl.ds(s * rpt, rpt)])

    return scat


def _make_sc_scatter_esplit(n_tab, acc_rows, rpt, chunks, hw):
    mesh = plsc.VectorSubcoreMesh(core_axis_name="c", subcore_axis_name="s")
    half = chunks // NCORE

    @functools.partial(
        pl.kernel,
        mesh=mesh,
        out_type=jax.ShapeDtypeStruct((NCORE, acc_rows, hw), jnp.float32),
        scratch_types=[
            pltpu.VMEM((GRP, CHUNK), jnp.int32),
            pltpu.VMEM((GRP, CHUNK), jnp.int32),
            pltpu.VMEM((CHUNK, hw), jnp.float32),
            pltpu.VMEM((CHUNK, hw), jnp.float32),
            pltpu.VMEM_SHARED((acc_rows, hw), jnp.float32),
            pltpu.SemaphoreType.DMA,
            pltpu.SemaphoreType.DMA,
            pltpu.SemaphoreType.DMA,
            pltpu.SemaphoreType.DMA,
        ],
    )
    def scat(table, srcix, dstix, zeros, out, srcv, dstv, rows_a, rows_b,
             acc, sga, sgb, ssa, ssb):
        c = lax.axis_index("c")
        s = lax.axis_index("s")
        pltpu.sync_copy(zeros, acc.at[pl.ds(s * rpt, rpt)])
        plsc.subcore_barrier()

        def group(g, carry):
            base = c * half + g * GRP
            pltpu.sync_copy(srcix.at[c, s, pl.ds(base, GRP)], srcv)
            pltpu.sync_copy(dstix.at[s, pl.ds(base, GRP)], dstv)
            pltpu.async_copy(table.at[srcv.at[0]], rows_a, sga)
            pltpu.async_copy(table.at[srcv.at[1]], rows_b, sgb)

            def pair(p, carry2):
                j0 = 2 * p
                j1 = j0 + 1
                pltpu.make_async_copy(table.at[srcv.at[j0]], rows_a, sga).wait()
                pltpu.async_copy(rows_a, acc.at[dstv.at[j0]], ssa, add=True)
                pltpu.make_async_copy(table.at[srcv.at[j1]], rows_b, sgb).wait()
                pltpu.async_copy(rows_b, acc.at[dstv.at[j1]], ssb, add=True)
                pltpu.make_async_copy(rows_a, acc.at[dstv.at[j0]], ssa).wait()
                pltpu.async_copy(table.at[srcv.at[j0 + 2]], rows_a, sga)
                pltpu.make_async_copy(rows_b, acc.at[dstv.at[j1]], ssb).wait()
                pltpu.async_copy(table.at[srcv.at[j1 + 2]], rows_b, sgb)
                return carry2

            lax.fori_loop(0, GRP // 2 - 1, pair, 0)
            pltpu.make_async_copy(table.at[srcv.at[GRP - 2]], rows_a, sga).wait()
            pltpu.async_copy(rows_a, acc.at[dstv.at[GRP - 2]], ssa, add=True)
            pltpu.make_async_copy(table.at[srcv.at[GRP - 1]], rows_b, sgb).wait()
            pltpu.async_copy(rows_b, acc.at[dstv.at[GRP - 1]], ssb, add=True)
            pltpu.make_async_copy(rows_a, acc.at[dstv.at[GRP - 2]], ssa).wait()
            pltpu.make_async_copy(rows_b, acc.at[dstv.at[GRP - 1]], ssb).wait()
            return carry

        lax.fori_loop(0, half // GRP, group, 0)
        plsc.subcore_barrier()
        pltpu.sync_copy(acc.at[pl.ds(s * rpt, rpt)],
                        out.at[c, pl.ds(s * rpt, rpt)])

    return scat


def _make_sc_degree(acc_rows, rpt, chunks, hw):
    mesh = plsc.VectorSubcoreMesh(core_axis_name="c", subcore_axis_name="s")
    half = chunks // NCORE

    @functools.partial(
        pl.kernel,
        mesh=mesh,
        out_type=jax.ShapeDtypeStruct((NCORE, acc_rows, hw), jnp.float32),
        scratch_types=[
            pltpu.VMEM((GRP, CHUNK), jnp.int32),
            pltpu.VMEM((CHUNK, hw), jnp.float32),
            pltpu.VMEM_SHARED((acc_rows, hw), jnp.float32),
            pltpu.SemaphoreType.DMA,
        ],
    )
    def degk(dstix, ones, zeros, out, dstv, ones_v, acc, sem):
        c = lax.axis_index("c")
        s = lax.axis_index("s")
        pltpu.sync_copy(zeros, acc.at[pl.ds(s * rpt, rpt)])
        pltpu.sync_copy(ones, ones_v)
        plsc.subcore_barrier()

        def group(g, carry):
            pltpu.sync_copy(dstix.at[s, pl.ds(c * half + g * GRP, GRP)], dstv)

            def fire(j, c2):
                pltpu.async_copy(ones_v, acc.at[dstv.at[j]], sem, add=True)
                return c2

            lax.fori_loop(0, GRP, fire, 0)

            def drain(j, c2):
                pltpu.make_async_copy(ones_v, acc.at[dstv.at[j]], sem).wait()
                return c2

            lax.fori_loop(0, GRP, drain, 0)
            return carry

        lax.fori_loop(0, half // GRP, group, 0)
        plsc.subcore_barrier()
        pltpu.sync_copy(acc.at[pl.ds(s * rpt, rpt)],
                        out.at[c, pl.ds(s * rpt, rpt)])

    return degk


def _tc0(x, deg, bn):
    n, d = x.shape
    nb = n // bn

    def body(x_ref, deg_ref, z_ref):
        dinv = 1.0 / jnp.sqrt(deg_ref[0] + deg_ref[1] + 1.0)
        z_ref[...] = dinv * x_ref[...]

    return pl.pallas_call(
        body,
        grid=(2, nb),
        in_specs=[
            pl.BlockSpec((bn, d), lambda h, r: (r, 0)),
            pl.BlockSpec((2, bn, 1), lambda h, r: (0, r, 0)),
        ],
        out_specs=pl.BlockSpec((bn, d), lambda h, r: (h * nb + r, 0)),
        out_shape=jax.ShapeDtypeStruct((2 * n, d), jnp.float32),
    )(x, deg)


def _tc1(sp, z, deg, w1, b1, bn):
    n, d = z.shape
    hw = w1.shape[1] // 2

    def body(s_ref, z_ref, deg_ref, w_ref, b_ref, o_ref):
        dinv = 1.0 / jnp.sqrt(deg_ref[0] + deg_ref[1] + 1.0)
        u = dinv * (s_ref[0] + s_ref[1] + z_ref[...])
        b = jnp.where(pl.program_id(0) == 0, b_ref[0], b_ref[1])
        h1 = jnp.maximum(
            jnp.dot(u, w_ref[...], preferred_element_type=jnp.float32)
            + b, 0.0)
        o_ref[...] = (dinv * h1)[None]

    return pl.pallas_call(
        body,
        grid=(2, n // bn),
        in_specs=[
            pl.BlockSpec((2, bn, d), lambda h, r: (0, r, 0)),
            pl.BlockSpec((bn, d), lambda h, r: (r, 0)),
            pl.BlockSpec((2, bn, 1), lambda h, r: (0, r, 0)),
            pl.BlockSpec((d, hw), lambda h, r: (0, h)),
            pl.BlockSpec((2, hw), lambda h, r: (0, 0)),
        ],
        out_specs=pl.BlockSpec((1, bn, hw), lambda h, r: (h, r, 0)),
        out_shape=jax.ShapeDtypeStruct((2, n, hw), jnp.float32),
    )(sp, z, deg, w1, b1)


def _tc2(s2, z2, deg, w2, b2, wfc, bfc, bn):
    n = z2.shape[1]
    hw = z2.shape[2]

    def body(s_ref, z_ref, deg_ref, w_ref, b_ref, wfc_ref, bfc_ref, o_ref):
        dinv = 1.0 / jnp.sqrt(deg_ref[0] + deg_ref[1] + 1.0)
        u0 = dinv * (s_ref[0] + z_ref[0].astype(jnp.float32))
        u1 = dinv * (s_ref[1] + z_ref[1].astype(jnp.float32))
        w = w_ref[...]
        h2 = jnp.maximum(
            jnp.dot(u0, w[:hw], preferred_element_type=jnp.float32)
            + jnp.dot(u1, w[hw:], preferred_element_type=jnp.float32)
            + b_ref[0], 0.0)
        logit = jnp.sum(h2 * wfc_ref[0], axis=1, keepdims=True) + bfc_ref[0]
        o_ref[...] = jax.nn.sigmoid(logit)

    return pl.pallas_call(
        body,
        grid=(n // bn,),
        in_specs=[
            pl.BlockSpec((2, bn, hw), lambda r: (0, r, 0)),
            pl.BlockSpec((2, bn, hw), lambda r: (0, r, 0)),
            pl.BlockSpec((2, bn, 1), lambda r: (0, r, 0)),
            pl.BlockSpec((2 * hw, 2 * hw), lambda r: (0, 0)),
            pl.BlockSpec((1, 2 * hw), lambda r: (0, 0)),
            pl.BlockSpec((1, 2 * hw), lambda r: (0, 0)),
            pl.BlockSpec(memory_space=pltpu.SMEM),
        ],
        out_specs=pl.BlockSpec((bn, 1), lambda r: (r, 0)),
        out_shape=jax.ShapeDtypeStruct((n, 1), jnp.float32),
    )(s2, z2, deg, w2, b2, wfc, bfc)


def kernel(x, edge_index, batch, W1, b1, W2, b2, Wfc, bfc):
    n, d = x.shape
    h = W1.shape[1]
    e = edge_index.shape[1]
    hw = h // 2
    bn = 1000

    chunks = NCORE * GRP * (-(-e // (NSUB * CHUNK * GRP * NCORE)))
    e_pad = NSUB * chunks * CHUNK
    rpt = 8 * (-(-(n + 1) // (NSUB * 8)))
    acc_rows = NSUB * rpt

    src = edge_index[0]
    dst = edge_index[1]
    pad = e_pad - e
    src_p = jnp.concatenate([src, jnp.zeros((pad,), jnp.int32)])
    dst_p = jnp.concatenate([dst, jnp.full((pad,), n, jnp.int32)])
    dstix = dst_p.reshape(NSUB, chunks, CHUNK)
    srcix2 = jnp.stack([src_p, src_p + n]).reshape(NCORE, NSUB, chunks, CHUNK)
    zeros_hw = jnp.zeros((rpt, hw), jnp.float32)
    ones_hbm = jnp.ones((CHUNK, hw), jnp.float32)

    scat_x = _make_sc_scatter_esplit(2 * n, acc_rows, rpt, chunks, d)
    scat_row = _make_sc_scatter(2 * n, acc_rows, rpt, chunks, hw)
    deg_k = _make_sc_degree(acc_rows, rpt, chunks, hw)

    degw = deg_k(dstix, ones_hbm, zeros_hw)
    deg = degw[:, :n, 0:1]

    zz = _tc0(x, deg, bn)
    sp = scat_x(zz, srcix2, dstix, zeros_hw)
    z2 = _tc1(sp[:, :n], zz[:n], deg, W1, b1.reshape(2, hw), bn)
    s2 = scat_row(z2.reshape(2 * n, hw), srcix2, dstix, zeros_hw)

    out = _tc2(s2[:, :n], z2, deg, W2, b2.reshape(1, h),
               Wfc[:, 0].reshape(1, h), bfc, bn)
    return out

# --- scband reference (transcript-rebuilt; emitter-appended) ---
"""Pipeline reference for scband-gcnmodel-52682068853153 (READ-ONLY COPY).

The authoritative reference and input builder live on the scoring server;
editing this copy changes nothing except your own understanding.
"""

import jax, jax.numpy as jnp
import numpy as np

N = 10000
E = 320000
D = 128
H = 256


def setup_inputs(seed: int = 0) -> dict:
    key = jax.random.key(seed)
    ks = jax.random.split(key, 9)
    x = jax.random.normal(ks[0], (N, D), dtype=jnp.float32)
    edge_index = jax.random.randint(ks[1], (2, E), 0, N, dtype=jnp.int32)
    batch = jnp.sort(jax.random.randint(ks[2], (N,), 0, 64, dtype=jnp.int32))
    W1 = jax.random.normal(ks[3], (D, H), dtype=jnp.float32) * (1.0 / np.sqrt(D))
    b1 = jnp.zeros((H,), dtype=jnp.float32)
    W2 = jax.random.normal(ks[4], (H, H), dtype=jnp.float32) * (1.0 / np.sqrt(H))
    b2 = jnp.zeros((H,), dtype=jnp.float32)
    Wfc = jax.random.normal(ks[5], (H, 1), dtype=jnp.float32) * (1.0 / np.sqrt(H))
    bfc = jnp.zeros((1,), dtype=jnp.float32)
    return {"x": x, "edge_index": edge_index, "batch": batch,
            "W1": W1, "b1": b1, "W2": W2, "b2": b2, "Wfc": Wfc, "bfc": bfc}


def _gcn_conv(x, edge_index, W, b):
    # PyG GCNConv: add self-loops, symmetric normalization, x@W, scatter-add, + bias
    n = x.shape[0]
    loops = jnp.arange(n, dtype=edge_index.dtype)
    src = jnp.concatenate([edge_index[0], loops])
    dst = jnp.concatenate([edge_index[1], loops])
    deg = jnp.zeros((n,), dtype=x.dtype).at[dst].add(1.0)
    dinv = jnp.where(deg > 0, 1.0 / jnp.sqrt(deg), 0.0)
    norm = dinv[src] * dinv[dst]
    xw = x @ W
    msg = xw[src] * norm[:, None]
    out = jnp.zeros((n, W.shape[1]), dtype=x.dtype).at[dst].add(msg)
    return out + b


def reference(x, edge_index, batch, W1, b1, W2, b2, Wfc, bfc):
    # eval mode: F.dropout(training=False) is identity
    h = jax.nn.relu(_gcn_conv(x, edge_index, W1, b1))
    h = jax.nn.relu(_gcn_conv(h, edge_index, W2, b2))
    out = h @ Wfc + bfc
    return jax.nn.sigmoid(out)

if __name__ == "__main__":
    import jax
    _d = setup_inputs()
    print(jax.jit(kernel)(*tuple(_d.values())))

</pallas_src>

<mosaic_0001>
#map = affine_map<(d0, d1) -> (0, 0, 0)>
#map1 = affine_map<(d0, d1) -> (0, 0)>
module attributes {stable_mosaic.version = 14 : i64} {
  func.func @degk(%arg0: i32, %arg1: i32, %arg2: memref<16x160x128xi32, #tpu.memory_space<hbm>>, %arg3: memref<128x128xf32, #tpu.memory_space<hbm>>, %arg4: memref<632x128xf32, #tpu.memory_space<hbm>>, %arg5: memref<2x10112x128xf32, #tpu.memory_space<hbm>>, %arg6: memref<16x128xi32, #tpu.memory_space<vmem>>, %arg7: memref<128x128xf32, #tpu.memory_space<vmem>>, %arg8: memref<10112x128xf32, #tpu.memory_space<vmem_shared>>, %arg9: memref<!tpu.dma_semaphore, #tpu.memory_space<semaphore_mem>>) attributes {dimension_semantics = [#tpu.dimension_semantics<core_parallel>, #tpu.dimension_semantics<subcore_parallel>], iteration_bounds = array<i64: 2, 16>, scalar_prefetch = 0 : i64, scratch_operands = 4 : i64, tpu.core_type = #tpu.core_type<sc_vector_subcore>, window_params = [{transform_indices = #map}, {transform_indices = #map1}, {transform_indices = #map1}, {transform_indices = #map}]} {
    %mul3A = arith.constant 632 : i32
    %mul3A_0 = arith.muli %arg1, %mul3A : i32
    "tpu.region"() ({
      %run_scoped3A = tpu.sem_alloc : memref<!tpu.dma_semaphore, #tpu.memory_space<semaphore_mem>>
      %dma_start3A = arith.constant 0 : i32
      %dma_start3A_11 = tpu.memref_slice %arg8[%mul3A_0, %dma_start3A] : memref<10112x128xf32, #tpu.memory_space<vmem_shared>> -> memref<632x128xf32, #tpu.memory_space<vmem_shared>>
      tpu.enqueue_dma source(%arg4 : memref<632x128xf32, #tpu.memory_space<hbm>>) target(%dma_start3A_11 : memref<632x128xf32, #tpu.memory_space<vmem_shared>>) target_semaphore(%run_scoped3A : memref<!tpu.dma_semaphore, #tpu.memory_space<semaphore_mem>>)
      %dma_wait3A = arith.constant 0 : i32
      %dma_wait3A_12 = tpu.memref_slice %arg8[%mul3A_0, %dma_wait3A] : memref<10112x128xf32, #tpu.memory_space<vmem_shared>> -> memref<632x128xf32, #tpu.memory_space<vmem_shared>>
      tpu.wait_dma2 semaphore(%run_scoped3A : memref<!tpu.dma_semaphore, #tpu.memory_space<semaphore_mem>>) src(%arg4 : memref<632x128xf32, #tpu.memory_space<hbm>>) dst(%dma_wait3A_12 : memref<632x128xf32, #tpu.memory_space<vmem_shared>>)
      tpu.yield
    }) : () -> ()
    "tpu.region"() ({
      %run_scoped3A = tpu.sem_alloc : memref<!tpu.dma_semaphore, #tpu.memory_space<semaphore_mem>>
      tpu.enqueue_dma source(%arg3 : memref<128x128xf32, #tpu.memory_space<hbm>>) target(%arg7 : memref<128x128xf32, #tpu.memory_space<vmem>>) target_semaphore(%run_scoped3A : memref<!tpu.dma_semaphore, #tpu.memory_space<semaphore_mem>>)
      tpu.wait_dma2 semaphore(%run_scoped3A : memref<!tpu.dma_semaphore, #tpu.memory_space<semaphore_mem>>) src(%arg3 : memref<128x128xf32, #tpu.memory_space<hbm>>) dst(%arg7 : memref<128x128xf32, #tpu.memory_space<vmem>>)
      tpu.yield
    }) : () -> ()
    %barrier3A = arith.constant 0 : index
    tpu.barrier barrier_id(%barrier3A)
    %scan3A = arith.constant 0 : i32
    %scan3A_1 = arith.constant 0 : i32
    %scan3A_2 = arith.constant 5 : i32
    %scan3A_3 = arith.addi %scan3A_1, %scan3A_2 : i32
    %scan3A_4 = arith.constant 1 : i32
    scf.for %scan3A_11 = %scan3A_1 to %scan3A_3 step %scan3A_4  : i32 {
      %mul3A_12 = arith.constant 80 : i32
      %mul3A_13 = arith.muli %arg0, %mul3A_12 : i32
      %mul3A_14 = arith.constant 16 : i32
      %mul3A_15 = arith.muli %scan3A_11, %mul3A_14 : i32
      %add3A = arith.addi %mul3A_13, %mul3A_15 : i32
      "tpu.region"() ({
        %run_scoped3A = tpu.sem_alloc : memref<!tpu.dma_semaphore, #tpu.memory_space<semaphore_mem>>
        %dma_start3A = arith.constant 0 : i32
        %dma_start3A_28 = tpu.memref_slice %arg2[%arg1, %add3A, %dma_start3A] : memref<16x160x128xi32, #tpu.memory_space<hbm>> -> memref<1x16x128xi32, #tpu.memory_space<hbm>>
        %dma_start3A_29 = tpu.memref_squeeze %dma_start3A_28 : memref<1x16x128xi32, #tpu.memory_space<hbm>> -> memref<16x128xi32, #tpu.memory_space<hbm>>
        %dma_start3A_30 = arith.constant 0 : i32
        %dma_start3A_31 = tpu.memref_slice %arg2[%arg1, %add3A, %dma_start3A_30] : memref<16x160x128xi32, #tpu.memory_space<hbm>> -> memref<1x16x128xi32, #tpu.memory_space<hbm>>
        %dma_start3A_32 = tpu.memref_squeeze %dma_start3A_31 : memref<1x16x128xi32, #tpu.memory_space<hbm>> -> memref<16x128xi32, #tpu.memory_space<hbm>>
        tpu.enqueue_dma source(%dma_start3A_32 : memref<16x128xi32, #tpu.memory_space<hbm>>) target(%arg6 : memref<16x128xi32, #tpu.memory_space<vmem>>) target_semaphore(%run_scoped3A : memref<!tpu.dma_semaphore, #tpu.memory_space<semaphore_mem>>)
        %dma_wait3A = arith.constant 0 : i32
        %dma_wait3A_33 = tpu.memref_slice %arg2[%arg1, %add3A, %dma_wait3A] : memref<16x160x128xi32, #tpu.memory_space<hbm>> -> memref<1x16x128xi32, #tpu.memory_space<hbm>>
        %dma_wait3A_34 = tpu.memref_squeeze %dma_wait3A_33 : memref<1x16x128xi32, #tpu.memory_space<hbm>> -> memref<16x128xi32, #tpu.memory_space<hbm>>
        %dma_wait3A_35 = arith.constant 0 : i32
        %dma_wait3A_36 = tpu.memref_slice %arg2[%arg1, %add3A, %dma_wait3A_35] : memref<16x160x128xi32, #tpu.memory_space<hbm>> -> memref<1x16x128xi32, #tpu.memory_space<hbm>>
        %dma_wait3A_37 = tpu.memref_squeeze %dma_wait3A_36 : memref<1x16x128xi32, #tpu.memory_space<hbm>> -> memref<16x128xi32, #tpu.memory_space<hbm>>
        tpu.wait_dma2 semaphore(%run_scoped3A : memref<!tpu.dma_semaphore, #tpu.memory_space<semaphore_mem>>) src(%dma_wait3A_37 : memref<16x128xi32, #tpu.memory_space<hbm>>) dst(%arg6 : memref<16x128xi32, #tpu.memory_space<vmem>>)
        tpu.yield
      }) : () -> ()
      %scan3A_16 = arith.constant 0 : i32
      %scan3A_17 = arith.constant 0 : i32
      %scan3A_18 = arith.constant 16 : i32
      %scan3A_19 = arith.addi %scan3A_17, %scan3A_18 : i32
      %scan3A_20 = arith.constant 1 : i32
      scf.for %scan3A_28 = %scan3A_17 to %scan3A_19 step %scan3A_20  : i32 {
        %dma_start3A = arith.constant 0 : i32
        %dma_start3A_29 = tpu.memref_slice %arg6[%scan3A_28, %dma_start3A] : memref<16x128xi32, #tpu.memory_space<vmem>> -> memref<1x128xi32, #tpu.memory_space<vmem>>
        %dma_start3A_30 = tpu.memref_squeeze %dma_start3A_29 : memref<1x128xi32, #tpu.memory_space<vmem>> -> memref<128xi32, #tpu.memory_space<vmem>>
        %dma_start3A_31 = arith.constant 0 : i32
        %dma_start3A_32 = arith.constant 0 : i32
        %dma_start3A_33 = tpu.memref_slice %arg8[%dma_start3A_31, %dma_start3A_32] : memref<10112x128xf32, #tpu.memory_space<vmem_shared>> -> memref<10112x128xf32, #tpu.memory_space<vmem_shared>>
        tpu.enqueue_indirect_dma source(%arg7 : memref<128x128xf32, #tpu.memory_space<vmem>>) target(%dma_start3A_33 : memref<10112x128xf32, #tpu.memory_space<vmem_shared>>) offsets(%dma_start3A_30 : memref<128xi32, #tpu.memory_space<vmem>>) semaphore(%arg9 : memref<!tpu.dma_semaphore, #tpu.memory_space<semaphore_mem>>) {add = true}
      }
      %scan3A_21 = arith.constant 16 : i32
      %scan3A_22 = arith.constant 0 : i32
      %scan3A_23 = arith.constant 0 : i32
      %scan3A_24 = arith.constant 16 : i32
      %scan3A_25 = arith.addi %scan3A_23, %scan3A_24 : i32
      %scan3A_26 = arith.constant 1 : i32
      scf.for %scan3A_28 = %scan3A_23 to %scan3A_25 step %scan3A_26  : i32 {
        %dma_wait3A = arith.constant 0 : i32
        %dma_wait3A_29 = tpu.memref_slice %arg6[%scan3A_28, %dma_wait3A] : memref<16x128xi32, #tpu.memory_space<vmem>> -> memref<1x128xi32, #tpu.memory_space<vmem>>
        %dma_wait3A_30 = tpu.memref_squeeze %dma_wait3A_29 : memref<1x128xi32, #tpu.memory_space<vmem>> -> memref<128xi32, #tpu.memory_space<vmem>>
        %dma_wait3A_31 = arith.constant 0 : i32
        %dma_wait3A_32 = arith.constant 0 : i32
        %dma_wait3A_33 = tpu.memref_slice %arg8[%dma_wait3A_31, %dma_wait3A_32] : memref<10112x128xf32, #tpu.memory_space<vmem_shared>> -> memref<10112x128xf32, #tpu.memory_space<vmem_shared>>
        tpu.wait_indirect_dma semaphore(%arg9 : memref<!tpu.dma_semaphore, #tpu.memory_space<semaphore_mem>>) src(%arg7 : memref<128x128xf32, #tpu.memory_space<vmem>>) dst(%dma_wait3A_33 : memref<10112x128xf32, #tpu.memory_space<vmem_shared>>)
      }
      %scan3A_27 = arith.constant 16 : i32
    }
    %scan3A_5 = arith.constant 5 : i32
    %barrier3A_6 = arith.constant 0 : index
    tpu.barrier barrier_id(%barrier3A_6)
    %mul3A_7 = arith.constant 632 : i32
    %mul3A_8 = arith.muli %arg1, %mul3A_7 : i32
    %mul3A_9 = arith.constant 632 : i32
    %mul3A_10 = arith.muli %arg1, %mul3A_9 : i32
    "tpu.region"() ({
      %run_scoped3A = tpu.sem_alloc : memref<!tpu.dma_semaphore, #tpu.memory_space<semaphore_mem>>
      %dma_start3A = arith.constant 0 : i32
      %dma_start3A_11 = tpu.memref_slice %arg5[%arg0, %mul3A_10, %dma_start3A] : memref<2x10112x128xf32, #tpu.memory_space<hbm>> -> memref<1x632x128xf32, #tpu.memory_space<hbm>>
      %dma_start3A_12 = tpu.memref_squeeze %dma_start3A_11 : memref<1x632x128xf32, #tpu.memory_space<hbm>> -> memref<632x128xf32, #tpu.memory_space<hbm>>
      %dma_start3A_13 = arith.constant 0 : i32
      %dma_start3A_14 = tpu.memref_slice %arg8[%mul3A_8, %dma_start3A_13] : memref<10112x128xf32, #tpu.memory_space<vmem_shared>> -> memref<632x128xf32, #tpu.memory_space<vmem_shared>>
      tpu.enqueue_dma source(%dma_start3A_14 : memref<632x128xf32, #tpu.memory_space<vmem_shared>>) target(%dma_start3A_12 : memref<632x128xf32, #tpu.memory_space<hbm>>) target_semaphore(%run_scoped3A : memref<!tpu.dma_semaphore, #tpu.memory_space<semaphore_mem>>)
      %dma_wait3A = arith.constant 0 : i32
      %dma_wait3A_15 = tpu.memref_slice %arg5[%arg0, %mul3A_10, %dma_wait3A] : memref<2x10112x128xf32, #tpu.memory_space<hbm>> -> memref<1x632x128xf32, #tpu.memory_space<hbm>>
      %dma_wait3A_16 = tpu.memref_squeeze %dma_wait3A_15 : memref<1x632x128xf32, #tpu.memory_space<hbm>> -> memref<632x128xf32, #tpu.memory_space<hbm>>
      %dma_wait3A_17 = arith.constant 0 : i32
      %dma_wait3A_18 = tpu.memref_slice %arg8[%mul3A_8, %dma_wait3A_17] : memref<10112x128xf32, #tpu.memory_space<vmem_shared>> -> memref<632x128xf32, #tpu.memory_space<vmem_shared>>
      tpu.wait_dma2 semaphore(%run_scoped3A : memref<!tpu.dma_semaphore, #tpu.memory_space<semaphore_mem>>) src(%dma_wait3A_18 : memref<632x128xf32, #tpu.memory_space<vmem_shared>>) dst(%dma_wait3A_16 : memref<632x128xf32, #tpu.memory_space<hbm>>)
      tpu.yield
    }) : () -> ()
    return
  }
}

#map = affine_map<(d0, d1) -> (0, 0)>
#map1 = affine_map<(d0, d1) -> (0, 0, 0, 0)>
#map2 = affine_map<(d0, d1) -> (0, 0, 0)>
module attributes {stable_mosaic.version = 14 : i64} {
  func.func @scat(%arg0: i32, %arg1: i32, %arg2: memref<20000x128xf32, #tpu.memory_space<hbm>>, %arg3: memref<2x16x160x128xi32, #tpu.memory_space<hbm>>, %arg4: memref<16x160x128xi32, #tpu.memory_space<hbm>>, %arg5: memref<632x128xf32, #tpu.memory_space<hbm>>, %arg6: memref<2x10112x128xf32, #tpu.memory_space<hbm>>, %arg7: memref<16x128xi32, #tpu.memory_space<vmem>>, %arg8: memref<16x128xi32, #tpu.memory_space<vmem>>, %arg9: memref<128x128xf32, #tpu.memory_space<vmem>>, %arg10: memref<128x128xf32, #tpu.memory_space<vmem>>, %arg11: memref<10112x128xf32, #tpu.memory_space<vmem_shared>>, %arg12: memref<!tpu.dma_semaphore, #tpu.memory_space<semaphore_mem>>, %arg13: memref<!tpu.dma_semaphore, #tpu.memory_space<semaphore_mem>>, %arg14: memref<!tpu.dma_semaphore, #tpu.memory_space<semaphore_mem>>, %arg15: memref<!tpu.dma_semaphore, #tpu.memory_space<semaphore_mem>>) attributes {dimension_semantics = [#tpu.dimension_semantics<core_parallel>, #tpu.dimension_semantics<subcore_parallel>], iteration_bounds = array<i64: 2, 16>, scalar_prefetch = 0 : i64, scratch_operands = 9 : i64, tpu.core_type = #tpu.core_type<sc_vector_subcore>, window_params = [{transform_indices = #map}, {transform_indices = #map1}, {transform_indices = #map2}, {transform_indices = #map}, {transform_indices = #map2}]} {
    %mul3A = arith.constant 632 : i32
    %mul3A_0 = arith.muli %arg1, %mul3A : i32
    "tpu.region"() ({
      %run_scoped3A = tpu.sem_alloc : memref<!tpu.dma_semaphore, #tpu.memory_space<semaphore_mem>>
      %dma_start3A = arith.constant 0 : i32
      %dma_start3A_11 = tpu.memref_slice %arg11[%mul3A_0, %dma_start3A] : memref<10112x128xf32, #tpu.memory_space<vmem_shared>> -> memref<632x128xf32, #tpu.memory_space<vmem_shared>>
      tpu.enqueue_dma source(%arg5 : memref<632x128xf32, #tpu.memory_space<hbm>>) target(%dma_start3A_11 : memref<632x128xf32, #tpu.memory_space<vmem_shared>>) target_semaphore(%run_scoped3A : memref<!tpu.dma_semaphore, #tpu.memory_space<semaphore_mem>>)
      %dma_wait3A = arith.constant 0 : i32
      %dma_wait3A_12 = tpu.memref_slice %arg11[%mul3A_0, %dma_wait3A] : memref<10112x128xf32, #tpu.memory_space<vmem_shared>> -> memref<632x128xf32, #tpu.memory_space<vmem_shared>>
      tpu.wait_dma2 semaphore(%run_scoped3A : memref<!tpu.dma_semaphore, #tpu.memory_space<semaphore_mem>>) src(%arg5 : memref<632x128xf32, #tpu.memory_space<hbm>>) dst(%dma_wait3A_12 : memref<632x128xf32, #tpu.memory_space<vmem_shared>>)
      tpu.yield
    }) : () -> ()
    %barrier3A = arith.constant 0 : index
    tpu.barrier barrier_id(%barrier3A)
    %scan3A = arith.constant 0 : i32
    %scan3A_1 = arith.constant 0 : i32
    %scan3A_2 = arith.constant 5 : i32
    %scan3A_3 = arith.addi %scan3A_1, %scan3A_2 : i32
    %scan3A_4 = arith.constant 1 : i32
    scf.for %scan3A_11 = %scan3A_1 to %scan3A_3 step %scan3A_4  : i32 {
      %mul3A_12 = arith.constant 80 : i32
      %mul3A_13 = arith.muli %arg0, %mul3A_12 : i32
      %mul3A_14 = arith.constant 16 : i32
      %mul3A_15 = arith.muli %scan3A_11, %mul3A_14 : i32
      %add3A = arith.addi %mul3A_13, %mul3A_15 : i32
      "tpu.region"() ({
        %run_scoped3A = tpu.sem_alloc : memref<!tpu.dma_semaphore, #tpu.memory_space<semaphore_mem>>
        %dma_start3A_76 = arith.constant 0 : i32
        %dma_start3A_77 = tpu.memref_slice %arg3[%arg0, %arg1, %add3A, %dma_start3A_76] : memref<2x16x160x128xi32, #tpu.memory_space<hbm>> -> memref<1x1x16x128xi32, #tpu.memory_space<hbm>>
        %dma_start3A_78 = tpu.memref_squeeze %dma_start3A_77 : memref<1x1x16x128xi32, #tpu.memory_space<hbm>> -> memref<16x128xi32, #tpu.memory_space<hbm>>
        %dma_start3A_79 = arith.constant 0 : i32
        %dma_start3A_80 = tpu.memref_slice %arg3[%arg0, %arg1, %add3A, %dma_start3A_79] : memref<2x16x160x128xi32, #tpu.memory_space<hbm>> -> memref<1x1x16x128xi32, #tpu.memory_space<hbm>>
        %dma_start3A_81 = tpu.memref_squeeze %dma_start3A_80 : memref<1x1x16x128xi32, #tpu.memory_space<hbm>> -> memref<16x128xi32, #tpu.memory_space<hbm>>
        tpu.enqueue_dma source(%dma_start3A_81 : memref<16x128xi32, #tpu.memory_space<hbm>>) target(%arg7 : memref<16x128xi32, #tpu.memory_space<vmem>>) target_semaphore(%run_scoped3A : memref<!tpu.dma_semaphore, #tpu.memory_space<semaphore_mem>>)
        %dma_wait3A_82 = arith.constant 0 : i32
        %dma_wait3A_83 = tpu.memref_slice %arg3[%arg0, %arg1, %add3A, %dma_wait3A_82] : memref<2x16x160x128xi32, #tpu.memory_space<hbm>> -> memref<1x1x16x128xi32, #tpu.memory_space<hbm>>
        %dma_wait3A_84 = tpu.memref_squeeze %dma_wait3A_83 : memref<1x1x16x128xi32, #tpu.memory_space<hbm>> -> memref<16x128xi32, #tpu.memory_space<hbm>>
        %dma_wait3A_85 = arith.constant 0 : i32
        %dma_wait3A_86 = tpu.memref_slice %arg3[%arg0, %arg1, %add3A, %dma_wait3A_85] : memref<2x16x160x128xi32, #tpu.memory_space<hbm>> -> memref<1x1x16x128xi32, #tpu.memory_space<hbm>>
        %dma_wait3A_87 = tpu.memref_squeeze %dma_wait3A_86 : memref<1x1x16x128xi32, #tpu.memory_space<hbm>> -> memref<16x128xi32, #tpu.memory_space<hbm>>
        tpu.wait_dma2 semaphore(%run_scoped3A : memref<!tpu.dma_semaphore, #tpu.memory_space<semaphore_mem>>) src(%dma_wait3A_87 : memref<16x128xi32, #tpu.memory_space<hbm>>) dst(%arg7 : memref<16x128xi32, #tpu.memory_space<vmem>>)
        tpu.yield
      }) : () -> ()
      "tpu.region"() ({
        %run_scoped3A = tpu.sem_alloc : memref<!tpu.dma_semaphore, #tpu.memory_space<semaphore_mem>>
        %dma_start3A_76 = arith.constant 0 : i32
        %dma_start3A_77 = tpu.memref_slice %arg4[%arg1, %add3A, %dma_start3A_76] : memref<16x160x128xi32, #tpu.memory_space<hbm>> -> memref<1x16x128xi32, #tpu.memory_space<hbm>>
        %dma_start3A_78 = tpu.memref_squeeze %dma_start3A_77 : memref<1x16x128xi32, #tpu.memory_space<hbm>> -> memref<16x128xi32, #tpu.memory_space<hbm>>
        %dma_start3A_79 = arith.constant 0 : i32
        %dma_start3A_80 = tpu.memref_slice %arg4[%arg1, %add3A, %dma_start3A_79] : memref<16x160x128xi32, #tpu.memory_space<hbm>> -> memref<1x16x128xi32, #tpu.memory_space<hbm>>
        %dma_start3A_81 = tpu.memref_squeeze %dma_start3A_80 : memref<1x16x128xi32, #tpu.memory_space<hbm>> -> memref<16x128xi32, #tpu.memory_space<hbm>>
        tpu.enqueue_dma source(%dma_start3A_81 : memref<16x128xi32, #tpu.memory_space<hbm>>) target(%arg8 : memref<16x128xi32, #tpu.memory_space<vmem>>) target_semaphore(%run_scoped3A : memref<!tpu.dma_semaphore, #tpu.memory_space<semaphore_mem>>)
        %dma_wait3A_82 = arith.constant 0 : i32
        %dma_wait3A_83 = tpu.memref_slice %arg4[%arg1, %add3A, %dma_wait3A_82] : memref<16x160x128xi32, #tpu.memory_space<hbm>> -> memref<1x16x128xi32, #tpu.memory_space<hbm>>
        %dma_wait3A_84 = tpu.memref_squeeze %dma_wait3A_83 : memref<1x16x128xi32, #tpu.memory_space<hbm>> -> memref<16x128xi32, #tpu.memory_space<hbm>>
        %dma_wait3A_85 = arith.constant 0 : i32
        %dma_wait3A_86 = tpu.memref_slice %arg4[%arg1, %add3A, %dma_wait3A_85] : memref<16x160x128xi32, #tpu.memory_space<hbm>> -> memref<1x16x128xi32, #tpu.memory_space<hbm>>
        %dma_wait3A_87 = tpu.memref_squeeze %dma_wait3A_86 : memref<1x16x128xi32, #tpu.memory_space<hbm>> -> memref<16x128xi32, #tpu.memory_space<hbm>>
        tpu.wait_dma2 semaphore(%run_scoped3A : memref<!tpu.dma_semaphore, #tpu.memory_space<semaphore_mem>>) src(%dma_wait3A_87 : memref<16x128xi32, #tpu.memory_space<hbm>>) dst(%arg8 : memref<16x128xi32, #tpu.memory_space<vmem>>)
        tpu.yield
      }) : () -> ()
      %dma_start3A = arith.constant 0 : i32
      %dma_start3A_16 = arith.constant 0 : i32
      %dma_start3A_17 = tpu.memref_slice %arg7[%dma_start3A, %dma_start3A_16] : memref<16x128xi32, #tpu.memory_space<vmem>> -> memref<1x128xi32, #tpu.memory_space<vmem>>
      %dma_start3A_18 = tpu.memref_squeeze %dma_start3A_17 : memref<1x128xi32, #tpu.memory_space<vmem>> -> memref<128xi32, #tpu.memory_space<vmem>>
      %dma_start3A_19 = arith.constant 0 : i32
      %dma_start3A_20 = arith.constant 0 : i32
      %dma_start3A_21 = tpu.memref_slice %arg2[%dma_start3A_19, %dma_start3A_20] : memref<20000x128xf32, #tpu.memory_space<hbm>> -> memref<20000x128xf32, #tpu.memory_space<hbm>>
      tpu.enqueue_indirect_dma source(%dma_start3A_21 : memref<20000x128xf32, #tpu.memory_space<hbm>>) target(%arg9 : memref<128x128xf32, #tpu.memory_space<vmem>>) offsets(%dma_start3A_18 : memref<128xi32, #tpu.memory_space<vmem>>) semaphore(%arg12 : memref<!tpu.dma_semaphore, #tpu.memory_space<semaphore_mem>>)
      %dma_start3A_22 = arith.constant 1 : i32
      %dma_start3A_23 = arith.constant 0 : i32
      %dma_start3A_24 = tpu.memref_slice %arg7[%dma_start3A_22, %dma_start3A_23] : memref<16x128xi32, #tpu.memory_space<vmem>> -> memref<1x128xi32, #tpu.memory_space<vmem>>
      %dma_start3A_25 = tpu.memref_squeeze %dma_start3A_24 : memref<1x128xi32, #tpu.memory_space<vmem>> -> memref<128xi32, #tpu.memory_space<vmem>>
      %dma_start3A_26 = arith.constant 0 : i32
      %dma_start3A_27 = arith.constant 0 : i32
      %dma_start3A_28 = tpu.memref_slice %arg2[%dma_start3A_26, %dma_start3A_27] : memref<20000x128xf32, #tpu.memory_space<hbm>> -> memref<20000x128xf32, #tpu.memory_space<hbm>>
      tpu.enqueue_indirect_dma source(%dma_start3A_28 : memref<20000x128xf32, #tpu.memory_space<hbm>>) target(%arg10 : memref<128x128xf32, #tpu.memory_space<vmem>>) offsets(%dma_start3A_25 : memref<128xi32, #tpu.memory_space<vmem>>) semaphore(%arg13 : memref<!tpu.dma_semaphore, #tpu.memory_space<semaphore_mem>>)
      %scan3A_29 = arith.constant 0 : i32
      %scan3A_30 = arith.constant 0 : i32
      %scan3A_31 = arith.constant 7 : i32
      %scan3A_32 = arith.addi %scan3A_30, %scan3A_31 : i32
      %scan3A_33 = arith.constant 1 : i32
      scf.for %scan3A_76 = %scan3A_30 to %scan3A_32 step %scan3A_33  : i32 {
        %mul3A_77 = arith.constant 2 : i32
        %mul3A_78 = arith.muli %mul3A_77, %scan3A_76 : i32
        %add3A_79 = arith.constant 1 : i32
        %add3A_80 = arith.addi %mul3A_78, %add3A_79 : i32
        %dma_wait3A_81 = arith.constant 0 : i32
        %dma_wait3A_82 = tpu.memref_slice %arg7[%mul3A_78, %dma_wait3A_81] : memref<16x128xi32, #tpu.memory_space<vmem>> -> memref<1x128xi32, #tpu.memory_space<vmem>>
        %dma_wait3A_83 = tpu.memref_squeeze %dma_wait3A_82 : memref<1x128xi32, #tpu.memory_space<vmem>> -> memref<128xi32, #tpu.memory_space<vmem>>
        %dma_wait3A_84 = arith.constant 0 : i32
        %dma_wait3A_85 = arith.constant 0 : i32
        %dma_wait3A_86 = tpu.memref_slice %arg2[%dma_wait3A_84, %dma_wait3A_85] : memref<20000x128xf32, #tpu.memory_space<hbm>> -> memref<20000x128xf32, #tpu.memory_space<hbm>>
        tpu.wait_indirect_dma semaphore(%arg12 : memref<!tpu.dma_semaphore, #tpu.memory_space<semaphore_mem>>) src(%dma_wait3A_86 : memref<20000x128xf32, #tpu.memory_space<hbm>>) dst(%arg9 : memref<128x128xf32, #tpu.memory_space<vmem>>)
        %dma_start3A_87 = arith.constant 0 : i32
        %dma_start3A_88 = tpu.memref_slice %arg8[%mul3A_78, %dma_start3A_87] : memref<16x128xi32, #tpu.memory_space<vmem>> -> memref<1x128xi32, #tpu.memory_space<vmem>>
        %dma_start3A_89 = tpu.memref_squeeze %dma_start3A_88 : memref<1x128xi32, #tpu.memory_space<vmem>> -> memref<128xi32, #tpu.memory_space<vmem>>
        %dma_start3A_90 = arith.constant 0 : i32
        %dma_start3A_91 = arith.constant 0 : i32
        %dma_start3A_92 = tpu.memref_slice %arg11[%dma_start3A_90, %dma_start3A_91] : memref<10112x128xf32, #tpu.memory_space<vmem_shared>> -> memref<10112x128xf32, #tpu.memory_space<vmem_shared>>
        tpu.enqueue_indirect_dma source(%arg9 : memref<128x128xf32, #tpu.memory_space<vmem>>) target(%dma_start3A_92 : memref<10112x128xf32, #tpu.memory_space<vmem_shared>>) offsets(%dma_start3A_89 : memref<128xi32, #tpu.memory_space<vmem>>) semaphore(%arg14 : memref<!tpu.dma_semaphore, #tpu.memory_space<semaphore_mem>>) {add = true}
        %dma_wait3A_93 = arith.constant 0 : i32
        %dma_wait3A_94 = tpu.memref_slice %arg7[%add3A_80, %dma_wait3A_93] : memref<16x128xi32, #tpu.memory_space<vmem>> -> memref<1x128xi32, #tpu.memory_space<vmem>>
        %dma_wait3A_95 = tpu.memref_squeeze %dma_wait3A_94 : memref<1x128xi32, #tpu.memory_space<vmem>> -> memref<128xi32, #tpu.memory_space<vmem>>
        %dma_wait3A_96 = arith.constant 0 : i32
        %dma_wait3A_97 = arith.constant 0 : i32
        %dma_wait3A_98 = tpu.memref_slice %arg2[%dma_wait3A_96, %dma_wait3A_97] : memref<20000x128xf32, #tpu.memory_space<hbm>> -> memref<20000x128xf32, #tpu.memory_space<hbm>>
        tpu.wait_indirect_dma semaphore(%arg13 : memref<!tpu.dma_semaphore, #tpu.memory_space<semaphore_mem>>) src(%dma_wait3A_98 : memref<20000x128xf32, #tpu.memory_space<hbm>>) dst(%arg10 : memref<128x128xf32, #tpu.memory_space<vmem>>)
        %dma_start3A_99 = arith.constant 0 : i32
        %dma_start3A_100 = tpu.memref_slice %arg8[%add3A_80, %dma_start3A_99] : memref<16x128xi32, #tpu.memory_space<vmem>> -> memref<1x128xi32, #tpu.memory_space<vmem>>
        %dma_start3A_101 = tpu.memref_squeeze %dma_start3A_100 : memref<1x128xi32, #tpu.memory_space<vmem>> -> memref<128xi32, #tpu.memory_space<vmem>>
        %dma_start3A_102 = arith.constant 0 : i32
        %dma_start3A_103 = arith.constant 0 : i32
        %dma_start3A_104 = tpu.memref_slice %arg11[%dma_start3A_102, %dma_start3A_103] : memref<10112x128xf32, #tpu.memory_space<vmem_shared>> -> memref<10112x128xf32, #tpu.memory_space<vmem_shared>>
        tpu.enqueue_indirect_dma source(%arg10 : memref<128x128xf32, #tpu.memory_space<vmem>>) target(%dma_start3A_104 : memref<10112x128xf32, #tpu.memory_space<vmem_shared>>) offsets(%dma_start3A_101 : memref<128xi32, #tpu.memory_space<vmem>>) semaphore(%arg15 : memref<!tpu.dma_semaphore, #tpu.memory_space<semaphore_mem>>) {add = true}
        %dma_wait3A_105 = arith.constant 0 : i32
        %dma_wait3A_106 = tpu.memref_slice %arg8[%mul3A_78, %dma_wait3A_105] : memref<16x128xi32, #tpu.memory_space<vmem>> -> memref<1x128xi32, #tpu.memory_space<vmem>>
        %dma_wait3A_107 = tpu.memref_squeeze %dma_wait3A_106 : memref<1x128xi32, #tpu.memory_space<vmem>> -> memref<128xi32, #tpu.memory_space<vmem>>
        %dma_wait3A_108 = arith.constant 0 : i32
        %dma_wait3A_109 = arith.constant 0 : i32
        %dma_wait3A_110 = tpu.memref_slice %arg11[%dma_wait3A_108, %dma_wait3A_109] : memref<10112x128xf32, #tpu.memory_space<vmem_shared>> -> memref<10112x128xf32, #tpu.memory_space<vmem_shared>>
        tpu.wait_indirect_dma semaphore(%arg14 : memref<!tpu.dma_semaphore, #tpu.memory_space<semaphore_mem>>) src(%arg9 : memref<128x128xf32, #tpu.memory_space<vmem>>) dst(%dma_wait3A_110 : memref<10112x128xf32, #tpu.memory_space<vmem_shared>>)
        %add3A_111 = arith.constant 2 : i32
        %add3A_112 = arith.addi %mul3A_78, %add3A_111 : i32
        %dma_start3A_113 = arith.constant 0 : i32
        %dma_start3A_114 = tpu.memref_slice %arg7[%add3A_112, %dma_start3A_113] : memref<16x128xi32, #tpu.memory_space<vmem>> -> memref<1x128xi32, #tpu.memory_space<vmem>>
        %dma_start3A_115 = tpu.memref_squeeze %dma_start3A_114 : memref<1x128xi32, #tpu.memory_space<vmem>> -> memref<128xi32, #tpu.memory_space<vmem>>
        %dma_start3A_116 = arith.constant 0 : i32
        %dma_start3A_117 = arith.constant 0 : i32
        %dma_start3A_118 = tpu.memref_slice %arg2[%dma_start3A_116, %dma_start3A_117] : memref<20000x128xf32, #tpu.memory_space<hbm>> -> memref<20000x128xf32, #tpu.memory_space<hbm>>
        tpu.enqueue_indirect_dma source(%dma_start3A_118 : memref<20000x128xf32, #tpu.memory_space<hbm>>) target(%arg9 : memref<128x128xf32, #tpu.memory_space<vmem>>) offsets(%dma_start3A_115 : memref<128xi32, #tpu.memory_space<vmem>>) semaphore(%arg12 : memref<!tpu.dma_semaphore, #tpu.memory_space<semaphore_mem>>)
        %dma_wait3A_119 = arith.constant 0 : i32
        %dma_wait3A_120 = tpu.memref_slice %arg8[%add3A_80, %dma_wait3A_119] : memref<16x128xi32, #tpu.memory_space<vmem>> -> memref<1x128xi32, #tpu.memory_space<vmem>>
        %dma_wait3A_121 = tpu.memref_squeeze %dma_wait3A_120 : memref<1x128xi32, #tpu.memory_space<vmem>> -> memref<128xi32, #tpu.memory_space<vmem>>
        %dma_wait3A_122 = arith.constant 0 : i32
        %dma_wait3A_123 = arith.constant 0 : i32
        %dma_wait3A_124 = tpu.memref_slice %arg11[%dma_wait3A_122, %dma_wait3A_123] : memref<10112x128xf32, #tpu.memory_space<vmem_shared>> -> memref<10112x128xf32, #tpu.memory_space<vmem_shared>>
        tpu.wait_indirect_dma semaphore(%arg15 : memref<!tpu.dma_semaphore, #tpu.memory_space<semaphore_mem>>) src(%arg10 : memref<128x128xf32, #tpu.memory_space<vmem>>) dst(%dma_wait3A_124 : memref<10112x128xf32, #tpu.memory_space<vmem_shared>>)
        %add3A_125 = arith.constant 2 : i32
        %add3A_126 = arith.addi %add3A_80, %add3A_125 : i32
        %dma_start3A_127 = arith.constant 0 : i32
        %dma_start3A_128 = tpu.memref_slice %arg7[%add3A_126, %dma_start3A_127] : memref<16x128xi32, #tpu.memory_space<vmem>> -> memref<1x128xi32, #tpu.memory_space<vmem>>
        %dma_start3A_129 = tpu.memref_squeeze %dma_start3A_128 : memref<1x128xi32, #tpu.memory_space<vmem>> -> memref<128xi32, #tpu.memory_space<vmem>>
        %dma_start3A_130 = arith.constant 0 : i32
        %dma_start3A_131 = arith.constant 0 : i32
        %dma_start3A_132 = tpu.memref_slice %arg2[%dma_start3A_130, %dma_start3A_131] : memref<20000x128xf32, #tpu.memory_space<hbm>> -> memref<20000x128xf32, #tpu.memory_space<hbm>>
        tpu.enqueue_indirect_dma source(%dma_start3A_132 : memref<20000x128xf32, #tpu.memory_space<hbm>>) target(%arg10 : memref<128x128xf32, #tpu.memory_space<vmem>>) offsets(%dma_start3A_129 : memref<128xi32, #tpu.memory_space<vmem>>) semaphore(%arg13 : memref<!tpu.dma_semaphore, #tpu.memory_space<semaphore_mem>>)
      }
      %scan3A_34 = arith.constant 7 : i32
      %dma_wait3A = arith.constant 14 : i32
      %dma_wait3A_35 = arith.constant 0 : i32
      %dma_wait3A_36 = tpu.memref_slice %arg7[%dma_wait3A, %dma_wait3A_35] : memref<16x128xi32, #tpu.memory_space<vmem>> -> memref<1x128xi32, #tpu.memory_space<vmem>>
      %dma_wait3A_37 = tpu.memref_squeeze %dma_wait3A_36 : memref<1x128xi32, #tpu.memory_space<vmem>> -> memref<128xi32, #tpu.memory_space<vmem>>
      %dma_wait3A_38 = arith.constant 0 : i32
      %dma_wait3A_39 = arith.constant 0 : i32
      %dma_wait3A_40 = tpu.memref_slice %arg2[%dma_wait3A_38, %dma_wait3A_39] : memref<20000x128xf32, #tpu.memory_space<hbm>> -> memref<20000x128xf32, #tpu.memory_space<hbm>>
      tpu.wait_indirect_dma semaphore(%arg12 : memref<!tpu.dma_semaphore, #tpu.memory_space<semaphore_mem>>) src(%dma_wait3A_40 : memref<20000x128xf32, #tpu.memory_space<hbm>>) dst(%arg9 : memref<128x128xf32, #tpu.memory_space<vmem>>)
      %dma_start3A_41 = arith.constant 14 : i32
      %dma_start3A_42 = arith.constant 0 : i32
      %dma_start3A_43 = tpu.memref_slice %arg8[%dma_start3A_41, %dma_start3A_42] : memref<16x128xi32, #tpu.memory_space<vmem>> -> memref<1x128xi32, #tpu.memory_space<vmem>>
      %dma_start3A_44 = tpu.memref_squeeze %dma_start3A_43 : memref<1x128xi32, #tpu.memory_space<vmem>> -> memref<128xi32, #tpu.memory_space<vmem>>
      %dma_start3A_45 = arith.constant 0 : i32
      %dma_start3A_46 = arith.constant 0 : i32
      %dma_start3A_47 = tpu.memref_slice %arg11[%dma_start3A_45, %dma_start3A_46] : memref<10112x128xf32, #tpu.memory_space<vmem_shared>> -> memref<10112x128xf32, #tpu.memory_space<vmem_shared>>
      tpu.enqueue_indirect_dma source(%arg9 : memref<128x128xf32, #tpu.memory_space<vmem>>) target(%dma_start3A_47 : memref<10112x128xf32, #tpu.memory_space<vmem_shared>>) offsets(%dma_start3A_44 : memref<128xi32, #tpu.memory_space<vmem>>) semaphore(%arg14 : memref<!tpu.dma_semaphore, #tpu.memory_space<semaphore_mem>>) {add = true}
      %dma_wait3A_48 = arith.constant 15 : i32
      %dma_wait3A_49 = arith.constant 0 : i32
      %dma_wait3A_50 = tpu.memref_slice %arg7[%dma_wait3A_48, %dma_wait3A_49] : memref<16x128xi32, #tpu.memory_space<vmem>> -> memref<1x128xi32, #tpu.memory_space<vmem>>
      %dma_wait3A_51 = tpu.memref_squeeze %dma_wait3A_50 : memref<1x128xi32, #tpu.memory_space<vmem>> -> memref<128xi32, #tpu.memory_space<vmem>>
      %dma_wait3A_52 = arith.constant 0 : i32
      %dma_wait3A_53 = arith.constant 0 : i32
      %dma_wait3A_54 = tpu.memref_slice %arg2[%dma_wait3A_52, %dma_wait3A_53] : memref<20000x128xf32, #tpu.memory_space<hbm>> -> memref<20000x128xf32, #tpu.memory_space<hbm>>
      tpu.wait_indirect_dma semaphore(%arg13 : memref<!tpu.dma_semaphore, #tpu.memory_space<semaphore_mem>>) src(%dma_wait3A_54 : memref<20000x128xf32, #tpu.memory_space<hbm>>) dst(%arg10 : memref<128x128xf32, #tpu.memory_space<vmem>>)
      %dma_start3A_55 = arith.constant 15 : i32
      %dma_start3A_56 = arith.constant 0 : i32
      %dma_start3A_57 = tpu.memref_slice %arg8[%dma_start3A_55, %dma_start3A_56] : memref<16x128xi32, #tpu.memory_space<vmem>> -> memref<1x128xi32, #tpu.memory_space<vmem>>
      %dma_start3A_58 = tpu.memref_squeeze %dma_start3A_57 : memref<1x128xi32, #tpu.memory_space<vmem>> -> memref<128xi32, #tpu.memory_space<vmem>>
      %dma_start3A_59 = arith.constant 0 : i32
      %dma_start3A_60 = arith.constant 0 : i32
      %dma_start3A_61 = tpu.memref_slice %arg11[%dma_start3A_59, %dma_start3A_60] : memref<10112x128xf32, #tpu.memory_space<vmem_shared>> -> memref<10112x128xf32, #tpu.memory_space<vmem_shared>>
      tpu.enqueue_indirect_dma source(%arg10 : memref<128x128xf32, #tpu.memory_space<vmem>>) target(%dma_start3A_61 : memref<10112x128xf32, #tpu.memory_space<vmem_shared>>) offsets(%dma_start3A_58 : memref<128xi32, #tpu.memory_space<vmem>>) semaphore(%arg15 : memref<!tpu.dma_semaphore, #tpu.memory_space<semaphore_mem>>) {add = true}
      %dma_wait3A_62 = arith.constant 14 : i32
      %dma_wait3A_63 = arith.constant 0 : i32
      %dma_wait3A_64 = tpu.memref_slice %arg8[%dma_wait3A_62, %dma_wait3A_63] : memref<16x128xi32, #tpu.memory_space<vmem>> -> memref<1x128xi32, #tpu.memory_space<vmem>>
      %dma_wait3A_65 = tpu.memref_squeeze %dma_wait3A_64 : memref<1x128xi32, #tpu.memory_space<vmem>> -> memref<128xi32, #tpu.memory_space<vmem>>
      %dma_wait3A_66 = arith.constant 0 : i32
      %dma_wait3A_67 = arith.constant 0 : i32
      %dma_wait3A_68 = tpu.memref_slice %arg11[%dma_wait3A_66, %dma_wait3A_67] : memref<10112x128xf32, #tpu.memory_space<vmem_shared>> -> memref<10112x128xf32, #tpu.memory_space<vmem_shared>>
      tpu.wait_indirect_dma semaphore(%arg14 : memref<!tpu.dma_semaphore, #tpu.memory_space<semaphore_mem>>) src(%arg9 : memref<128x128xf32, #tpu.memory_space<vmem>>) dst(%dma_wait3A_68 : memref<10112x128xf32, #tpu.memory_space<vmem_shared>>)
      %dma_wait3A_69 = arith.constant 15 : i32
      %dma_wait3A_70 = arith.constant 0 : i32
      %dma_wait3A_71 = tpu.memref_slice %arg8[%dma_wait3A_69, %dma_wait3A_70] : memref<16x128xi32, #tpu.memory_space<vmem>> -> memref<1x128xi32, #tpu.memory_space<vmem>>
      %dma_wait3A_72 = tpu.memref_squeeze %dma_wait3A_71 : memref<1x128xi32, #tpu.memory_space<vmem>> -> memref<128xi32, #tpu.memory_space<vmem>>
      %dma_wait3A_73 = arith.constant 0 : i32
      %dma_wait3A_74 = arith.constant 0 : i32
      %dma_wait3A_75 = tpu.memref_slice %arg11[%dma_wait3A_73, %dma_wait3A_74] : memref<10112x128xf32, #tpu.memory_space<vmem_shared>> -> memref<10112x128xf32, #tpu.memory_space<vmem_shared>>
      tpu.wait_indirect_dma semaphore(%arg15 : memref<!tpu.dma_semaphore, #tpu.memory_space<semaphore_mem>>) src(%arg10 : memref<128x128xf32, #tpu.memory_space<vmem>>) dst(%dma_wait3A_75 : memref<10112x128xf32, #tpu.memory_space<vmem_shared>>)
    }
    %scan3A_5 = arith.constant 5 : i32
    %barrier3A_6 = arith.constant 0 : index
    tpu.barrier barrier_id(%barrier3A_6)
    %mul3A_7 = arith.constant 632 : i32
    %mul3A_8 = arith.muli %arg1, %mul3A_7 : i32
    %mul3A_9 = arith.constant 632 : i32
    %mul3A_10 = arith.muli %arg1, %mul3A_9 : i32
    "tpu.region"() ({
      %run_scoped3A = tpu.sem_alloc : memref<!tpu.dma_semaphore, #tpu.memory_space<semaphore_mem>>
      %dma_start3A = arith.constant 0 : i32
      %dma_start3A_11 = tpu.memref_slice %arg6[%arg0, %mul3A_10, %dma_start3A] : memref<2x10112x128xf32, #tpu.memory_space<hbm>> -> memref<1x632x128xf32, #tpu.memory_space<hbm>>
      %dma_start3A_12 = tpu.memref_squeeze %dma_start3A_11 : memref<1x632x128xf32, #tpu.memory_space<hbm>> -> memref<632x128xf32, #tpu.memory_space<hbm>>
      %dma_start3A_13 = arith.constant 0 : i32
      %dma_start3A_14 = tpu.memref_slice %arg11[%mul3A_8, %dma_start3A_13] : memref<10112x128xf32, #tpu.memory_space<vmem_shared>> -> memref<632x128xf32, #tpu.memory_space<vmem_shared>>
      tpu.enqueue_dma source(%dma_start3A_14 : memref<632x128xf32, #tpu.memory_space<vmem_shared>>) target(%dma_start3A_12 : memref<632x128xf32, #tpu.memory_space<hbm>>) target_semaphore(%run_scoped3A : memref<!tpu.dma_semaphore, #tpu.memory_space<semaphore_mem>>)
      %dma_wait3A = arith.constant 0 : i32
      %dma_wait3A_15 = tpu.memref_slice %arg6[%arg0, %mul3A_10, %dma_wait3A] : memref<2x10112x128xf32, #tpu.memory_space<hbm>> -> memref<1x632x128xf32, #tpu.memory_space<hbm>>
      %dma_wait3A_16 = tpu.memref_squeeze %dma_wait3A_15 : memref<1x632x128xf32, #tpu.memory_space<hbm>> -> memref<632x128xf32, #tpu.memory_space<hbm>>
      %dma_wait3A_17 = arith.constant 0 : i32
      %dma_wait3A_18 = tpu.memref_slice %arg11[%mul3A_8, %dma_wait3A_17] : memref<10112x128xf32, #tpu.memory_space<vmem_shared>> -> memref<632x128xf32, #tpu.memory_space<vmem_shared>>
      tpu.wait_dma2 semaphore(%run_scoped3A : memref<!tpu.dma_semaphore, #tpu.memory_space<semaphore_mem>>) src(%dma_wait3A_18 : memref<632x128xf32, #tpu.memory_space<vmem_shared>>) dst(%dma_wait3A_16 : memref<632x128xf32, #tpu.memory_space<hbm>>)
      tpu.yield
    }) : () -> ()
    return
  }
}

#map = affine_map<(d0, d1) -> (0, 0)>
#map1 = affine_map<(d0, d1) -> (0, 0, 0, 0)>
#map2 = affine_map<(d0, d1) -> (0, 0, 0)>
module attributes {stable_mosaic.version = 14 : i64} {
  func.func @scat(%arg0: i32, %arg1: i32, %arg2: memref<20000x128xf32, #tpu.memory_space<hbm>>, %arg3: memref<2x16x160x128xi32, #tpu.memory_space<hbm>>, %arg4: memref<16x160x128xi32, #tpu.memory_space<hbm>>, %arg5: memref<632x128xf32, #tpu.memory_space<hbm>>, %arg6: memref<2x10112x128xf32, #tpu.memory_space<hbm>>, %arg7: memref<16x128xi32, #tpu.memory_space<vmem>>, %arg8: memref<16x128xi32, #tpu.memory_space<vmem>>, %arg9: memref<128x128xf32, #tpu.memory_space<vmem>>, %arg10: memref<128x128xf32, #tpu.memory_space<vmem>>, %arg11: memref<10112x128xf32, #tpu.memory_space<vmem_shared>>, %arg12: memref<!tpu.dma_semaphore, #tpu.memory_space<semaphore_mem>>, %arg13: memref<!tpu.dma_semaphore, #tpu.memory_space<semaphore_mem>>, %arg14: memref<!tpu.dma_semaphore, #tpu.memory_space<semaphore_mem>>, %arg15: memref<!tpu.dma_semaphore, #tpu.memory_space<semaphore_mem>>) attributes {dimension_semantics = [#tpu.dimension_semantics<core_parallel>, #tpu.dimension_semantics<subcore_parallel>], iteration_bounds = array<i64: 2, 16>, scalar_prefetch = 0 : i64, scratch_operands = 9 : i64, tpu.core_type = #tpu.core_type<sc_vector_subcore>, window_params = [{transform_indices = #map}, {transform_indices = #map1}, {transform_indices = #map2}, {transform_indices = #map}, {transform_indices = #map2}]} {
    %mul3A = arith.constant 632 : i32
    %mul3A_0 = arith.muli %arg1, %mul3A : i32
    "tpu.region"() ({
      %run_scoped3A = tpu.sem_alloc : memref<!tpu.dma_semaphore, #tpu.memory_space<semaphore_mem>>
      %dma_start3A = arith.constant 0 : i32
      %dma_start3A_11 = tpu.memref_slice %arg11[%mul3A_0, %dma_start3A] : memref<10112x128xf32, #tpu.memory_space<vmem_shared>> -> memref<632x128xf32, #tpu.memory_space<vmem_shared>>
      tpu.enqueue_dma source(%arg5 : memref<632x128xf32, #tpu.memory_space<hbm>>) target(%dma_start3A_11 : memref<632x128xf32, #tpu.memory_space<vmem_shared>>) target_semaphore(%run_scoped3A : memref<!tpu.dma_semaphore, #tpu.memory_space<semaphore_mem>>)
      %dma_wait3A = arith.constant 0 : i32
      %dma_wait3A_12 = tpu.memref_slice %arg11[%mul3A_0, %dma_wait3A] : memref<10112x128xf32, #tpu.memory_space<vmem_shared>> -> memref<632x128xf32, #tpu.memory_space<vmem_shared>>
      tpu.wait_dma2 semaphore(%run_scoped3A : memref<!tpu.dma_semaphore, #tpu.memory_space<semaphore_mem>>) src(%arg5 : memref<632x128xf32, #tpu.memory_space<hbm>>) dst(%dma_wait3A_12 : memref<632x128xf32, #tpu.memory_space<vmem_shared>>)
      tpu.yield
    }) : () -> ()
    %barrier3A = arith.constant 0 : index
    tpu.barrier barrier_id(%barrier3A)
    %scan3A = arith.constant 0 : i32
    %scan3A_1 = arith.constant 0 : i32
    %scan3A_2 = arith.constant 10 : i32
    %scan3A_3 = arith.addi %scan3A_1, %scan3A_2 : i32
    %scan3A_4 = arith.constant 1 : i32
    scf.for %scan3A_11 = %scan3A_1 to %scan3A_3 step %scan3A_4  : i32 {
      %mul3A_12 = arith.constant 16 : i32
      %mul3A_13 = arith.muli %scan3A_11, %mul3A_12 : i32
      "tpu.region"() ({
        %run_scoped3A = tpu.sem_alloc : memref<!tpu.dma_semaphore, #tpu.memory_space<semaphore_mem>>
        %dma_start3A_76 = arith.constant 0 : i32
        %dma_start3A_77 = tpu.memref_slice %arg3[%arg0, %arg1, %mul3A_13, %dma_start3A_76] : memref<2x16x160x128xi32, #tpu.memory_space<hbm>> -> memref<1x1x16x128xi32, #tpu.memory_space<hbm>>
        %dma_start3A_78 = tpu.memref_squeeze %dma_start3A_77 : memref<1x1x16x128xi32, #tpu.memory_space<hbm>> -> memref<16x128xi32, #tpu.memory_space<hbm>>
        %dma_start3A_79 = arith.constant 0 : i32
        %dma_start3A_80 = tpu.memref_slice %arg3[%arg0, %arg1, %mul3A_13, %dma_start3A_79] : memref<2x16x160x128xi32, #tpu.memory_space<hbm>> -> memref<1x1x16x128xi32, #tpu.memory_space<hbm>>
        %dma_start3A_81 = tpu.memref_squeeze %dma_start3A_80 : memref<1x1x16x128xi32, #tpu.memory_space<hbm>> -> memref<16x128xi32, #tpu.memory_space<hbm>>
        tpu.enqueue_dma source(%dma_start3A_81 : memref<16x128xi32, #tpu.memory_space<hbm>>) target(%arg7 : memref<16x128xi32, #tpu.memory_space<vmem>>) target_semaphore(%run_scoped3A : memref<!tpu.dma_semaphore, #tpu.memory_space<semaphore_mem>>)
        %dma_wait3A_82 = arith.constant 0 : i32
        %dma_wait3A_83 = tpu.memref_slice %arg3[%arg0, %arg1, %mul3A_13, %dma_wait3A_82] : memref<2x16x160x128xi32, #tpu.memory_space<hbm>> -> memref<1x1x16x128xi32, #tpu.memory_space<hbm>>
        %dma_wait3A_84 = tpu.memref_squeeze %dma_wait3A_83 : memref<1x1x16x128xi32, #tpu.memory_space<hbm>> -> memref<16x128xi32, #tpu.memory_space<hbm>>
        %dma_wait3A_85 = arith.constant 0 : i32
        %dma_wait3A_86 = tpu.memref_slice %arg3[%arg0, %arg1, %mul3A_13, %dma_wait3A_85] : memref<2x16x160x128xi32, #tpu.memory_space<hbm>> -> memref<1x1x16x128xi32, #tpu.memory_space<hbm>>
        %dma_wait3A_87 = tpu.memref_squeeze %dma_wait3A_86 : memref<1x1x16x128xi32, #tpu.memory_space<hbm>> -> memref<16x128xi32, #tpu.memory_space<hbm>>
        tpu.wait_dma2 semaphore(%run_scoped3A : memref<!tpu.dma_semaphore, #tpu.memory_space<semaphore_mem>>) src(%dma_wait3A_87 : memref<16x128xi32, #tpu.memory_space<hbm>>) dst(%arg7 : memref<16x128xi32, #tpu.memory_space<vmem>>)
        tpu.yield
      }) : () -> ()
      %mul3A_14 = arith.constant 16 : i32
      %mul3A_15 = arith.muli %scan3A_11, %mul3A_14 : i32
      "tpu.region"() ({
        %run_scoped3A = tpu.sem_alloc : memref<!tpu.dma_semaphore, #tpu.memory_space<semaphore_mem>>
        %dma_start3A_76 = arith.constant 0 : i32
        %dma_start3A_77 = tpu.memref_slice %arg4[%arg1, %mul3A_15, %dma_start3A_76] : memref<16x160x128xi32, #tpu.memory_space<hbm>> -> memref<1x16x128xi32, #tpu.memory_space<hbm>>
        %dma_start3A_78 = tpu.memref_squeeze %dma_start3A_77 : memref<1x16x128xi32, #tpu.memory_space<hbm>> -> memref<16x128xi32, #tpu.memory_space<hbm>>
        %dma_start3A_79 = arith.constant 0 : i32
        %dma_start3A_80 = tpu.memref_slice %arg4[%arg1, %mul3A_15, %dma_start3A_79] : memref<16x160x128xi32, #tpu.memory_space<hbm>> -> memref<1x16x128xi32, #tpu.memory_space<hbm>>
        %dma_start3A_81 = tpu.memref_squeeze %dma_start3A_80 : memref<1x16x128xi32, #tpu.memory_space<hbm>> -> memref<16x128xi32, #tpu.memory_space<hbm>>
        tpu.enqueue_dma source(%dma_start3A_81 : memref<16x128xi32, #tpu.memory_space<hbm>>) target(%arg8 : memref<16x128xi32, #tpu.memory_space<vmem>>) target_semaphore(%run_scoped3A : memref<!tpu.dma_semaphore, #tpu.memory_space<semaphore_mem>>)
        %dma_wait3A_82 = arith.constant 0 : i32
        %dma_wait3A_83 = tpu.memref_slice %arg4[%arg1, %mul3A_15, %dma_wait3A_82] : memref<16x160x128xi32, #tpu.memory_space<hbm>> -> memref<1x16x128xi32, #tpu.memory_space<hbm>>
        %dma_wait3A_84 = tpu.memref_squeeze %dma_wait3A_83 : memref<1x16x128xi32, #tpu.memory_space<hbm>> -> memref<16x128xi32, #tpu.memory_space<hbm>>
        %dma_wait3A_85 = arith.constant 0 : i32
        %dma_wait3A_86 = tpu.memref_slice %arg4[%arg1, %mul3A_15, %dma_wait3A_85] : memref<16x160x128xi32, #tpu.memory_space<hbm>> -> memref<1x16x128xi32, #tpu.memory_space<hbm>>
        %dma_wait3A_87 = tpu.memref_squeeze %dma_wait3A_86 : memref<1x16x128xi32, #tpu.memory_space<hbm>> -> memref<16x128xi32, #tpu.memory_space<hbm>>
        tpu.wait_dma2 semaphore(%run_scoped3A : memref<!tpu.dma_semaphore, #tpu.memory_space<semaphore_mem>>) src(%dma_wait3A_87 : memref<16x128xi32, #tpu.memory_space<hbm>>) dst(%arg8 : memref<16x128xi32, #tpu.memory_space<vmem>>)
        tpu.yield
      }) : () -> ()
      %dma_start3A = arith.constant 0 : i32
      %dma_start3A_16 = arith.constant 0 : i32
      %dma_start3A_17 = tpu.memref_slice %arg7[%dma_start3A, %dma_start3A_16] : memref<16x128xi32, #tpu.memory_space<vmem>> -> memref<1x128xi32, #tpu.memory_space<vmem>>
      %dma_start3A_18 = tpu.memref_squeeze %dma_start3A_17 : memref<1x128xi32, #tpu.memory_space<vmem>> -> memref<128xi32, #tpu.memory_space<vmem>>
      %dma_start3A_19 = arith.constant 0 : i32
      %dma_start3A_20 = arith.constant 0 : i32
      %dma_start3A_21 = tpu.memref_slice %arg2[%dma_start3A_19, %dma_start3A_20] : memref<20000x128xf32, #tpu.memory_space<hbm>> -> memref<20000x128xf32, #tpu.memory_space<hbm>>
      tpu.enqueue_indirect_dma source(%dma_start3A_21 : memref<20000x128xf32, #tpu.memory_space<hbm>>) target(%arg9 : memref<128x128xf32, #tpu.memory_space<vmem>>) offsets(%dma_start3A_18 : memref<128xi32, #tpu.memory_space<vmem>>) semaphore(%arg12 : memref<!tpu.dma_semaphore, #tpu.memory_space<semaphore_mem>>)
      %dma_start3A_22 = arith.constant 1 : i32
      %dma_start3A_23 = arith.constant 0 : i32
      %dma_start3A_24 = tpu.memref_slice %arg7[%dma_start3A_22, %dma_start3A_23] : memref<16x128xi32, #tpu.memory_space<vmem>> -> memref<1x128xi32, #tpu.memory_space<vmem>>
      %dma_start3A_25 = tpu.memref_squeeze %dma_start3A_24 : memref<1x128xi32, #tpu.memory_space<vmem>> -> memref<128xi32, #tpu.memory_space<vmem>>
      %dma_start3A_26 = arith.constant 0 : i32
      %dma_start3A_27 = arith.constant 0 : i32
      %dma_start3A_28 = tpu.memref_slice %arg2[%dma_start3A_26, %dma_start3A_27] : memref<20000x128xf32, #tpu.memory_space<hbm>> -> memref<20000x128xf32, #tpu.memory_space<hbm>>
      tpu.enqueue_indirect_dma source(%dma_start3A_28 : memref<20000x128xf32, #tpu.memory_space<hbm>>) target(%arg10 : memref<128x128xf32, #tpu.memory_space<vmem>>) offsets(%dma_start3A_25 : memref<128xi32, #tpu.memory_space<vmem>>) semaphore(%arg13 : memref<!tpu.dma_semaphore, #tpu.memory_space<semaphore_mem>>)
      %scan3A_29 = arith.constant 0 : i32
      %scan3A_30 = arith.constant 0 : i32
      %scan3A_31 = arith.constant 7 : i32
      %scan3A_32 = arith.addi %scan3A_30, %scan3A_31 : i32
      %scan3A_33 = arith.constant 1 : i32
      scf.for %scan3A_76 = %scan3A_30 to %scan3A_32 step %scan3A_33  : i32 {
        %mul3A_77 = arith.constant 2 : i32
        %mul3A_78 = arith.muli %mul3A_77, %scan3A_76 : i32
        %add3A = arith.constant 1 : i32
        %add3A_79 = arith.addi %mul3A_78, %add3A : i32
        %dma_wait3A_80 = arith.constant 0 : i32
        %dma_wait3A_81 = tpu.memref_slice %arg7[%mul3A_78, %dma_wait3A_80] : memref<16x128xi32, #tpu.memory_space<vmem>> -> memref<1x128xi32, #tpu.memory_space<vmem>>
        %dma_wait3A_82 = tpu.memref_squeeze %dma_wait3A_81 : memref<1x128xi32, #tpu.memory_space<vmem>> -> memref<128xi32, #tpu.memory_space<vmem>>
        %dma_wait3A_83 = arith.constant 0 : i32
        %dma_wait3A_84 = arith.constant 0 : i32
        %dma_wait3A_85 = tpu.memref_slice %arg2[%dma_wait3A_83, %dma_wait3A_84] : memref<20000x128xf32, #tpu.memory_space<hbm>> -> memref<20000x128xf32, #tpu.memory_space<hbm>>
        tpu.wait_indirect_dma semaphore(%arg12 : memref<!tpu.dma_semaphore, #tpu.memory_space<semaphore_mem>>) src(%dma_wait3A_85 : memref<20000x128xf32, #tpu.memory_space<hbm>>) dst(%arg9 : memref<128x128xf32, #tpu.memory_space<vmem>>)
        %dma_start3A_86 = arith.constant 0 : i32
        %dma_start3A_87 = tpu.memref_slice %arg8[%mul3A_78, %dma_start3A_86] : memref<16x128xi32, #tpu.memory_space<vmem>> -> memref<1x128xi32, #tpu.memory_space<vmem>>
        %dma_start3A_88 = tpu.memref_squeeze %dma_start3A_87 : memref<1x128xi32, #tpu.memory_space<vmem>> -> memref<128xi32, #tpu.memory_space<vmem>>
        %dma_start3A_89 = arith.constant 0 : i32
        %dma_start3A_90 = arith.constant 0 : i32
        %dma_start3A_91 = tpu.memref_slice %arg11[%dma_start3A_89, %dma_start3A_90] : memref<10112x128xf32, #tpu.memory_space<vmem_shared>> -> memref<10112x128xf32, #tpu.memory_space<vmem_shared>>
        tpu.enqueue_indirect_dma source(%arg9 : memref<128x128xf32, #tpu.memory_space<vmem>>) target(%dma_start3A_91 : memref<10112x128xf32, #tpu.memory_space<vmem_shared>>) offsets(%dma_start3A_88 : memref<128xi32, #tpu.memory_space<vmem>>) semaphore(%arg14 : memref<!tpu.dma_semaphore, #tpu.memory_space<semaphore_mem>>) {add = true}
        %dma_wait3A_92 = arith.constant 0 : i32
        %dma_wait3A_93 = tpu.memref_slice %arg7[%add3A_79, %dma_wait3A_92] : memref<16x128xi32, #tpu.memory_space<vmem>> -> memref<1x128xi32, #tpu.memory_space<vmem>>
        %dma_wait3A_94 = tpu.memref_squeeze %dma_wait3A_93 : memref<1x128xi32, #tpu.memory_space<vmem>> -> memref<128xi32, #tpu.memory_space<vmem>>
        %dma_wait3A_95 = arith.constant 0 : i32
        %dma_wait3A_96 = arith.constant 0 : i32
        %dma_wait3A_97 = tpu.memref_slice %arg2[%dma_wait3A_95, %dma_wait3A_96] : memref<20000x128xf32, #tpu.memory_space<hbm>> -> memref<20000x128xf32, #tpu.memory_space<hbm>>
        tpu.wait_indirect_dma semaphore(%arg13 : memref<!tpu.dma_semaphore, #tpu.memory_space<semaphore_mem>>) src(%dma_wait3A_97 : memref<20000x128xf32, #tpu.memory_space<hbm>>) dst(%arg10 : memref<128x128xf32, #tpu.memory_space<vmem>>)
        %dma_start3A_98 = arith.constant 0 : i32
        %dma_start3A_99 = tpu.memref_slice %arg8[%add3A_79, %dma_start3A_98] : memref<16x128xi32, #tpu.memory_space<vmem>> -> memref<1x128xi32, #tpu.memory_space<vmem>>
        %dma_start3A_100 = tpu.memref_squeeze %dma_start3A_99 : memref<1x128xi32, #tpu.memory_space<vmem>> -> memref<128xi32, #tpu.memory_space<vmem>>
        %dma_start3A_101 = arith.constant 0 : i32
        %dma_start3A_102 = arith.constant 0 : i32
        %dma_start3A_103 = tpu.memref_slice %arg11[%dma_start3A_101, %dma_start3A_102] : memref<10112x128xf32, #tpu.memory_space<vmem_shared>> -> memref<10112x128xf32, #tpu.memory_space<vmem_shared>>
        tpu.enqueue_indirect_dma source(%arg10 : memref<128x128xf32, #tpu.memory_space<vmem>>) target(%dma_start3A_103 : memref<10112x128xf32, #tpu.memory_space<vmem_shared>>) offsets(%dma_start3A_100 : memref<128xi32, #tpu.memory_space<vmem>>) semaphore(%arg15 : memref<!tpu.dma_semaphore, #tpu.memory_space<semaphore_mem>>) {add = true}
        %dma_wait3A_104 = arith.constant 0 : i32
        %dma_wait3A_105 = tpu.memref_slice %arg8[%mul3A_78, %dma_wait3A_104] : memref<16x128xi32, #tpu.memory_space<vmem>> -> memref<1x128xi32, #tpu.memory_space<vmem>>
        %dma_wait3A_106 = tpu.memref_squeeze %dma_wait3A_105 : memref<1x128xi32, #tpu.memory_space<vmem>> -> memref<128xi32, #tpu.memory_space<vmem>>
        %dma_wait3A_107 = arith.constant 0 : i32
        %dma_wait3A_108 = arith.constant 0 : i32
        %dma_wait3A_109 = tpu.memref_slice %arg11[%dma_wait3A_107, %dma_wait3A_108] : memref<10112x128xf32, #tpu.memory_space<vmem_shared>> -> memref<10112x128xf32, #tpu.memory_space<vmem_shared>>
        tpu.wait_indirect_dma semaphore(%arg14 : memref<!tpu.dma_semaphore, #tpu.memory_space<semaphore_mem>>) src(%arg9 : memref<128x128xf32, #tpu.memory_space<vmem>>) dst(%dma_wait3A_109 : memref<10112x128xf32, #tpu.memory_space<vmem_shared>>)
        %add3A_110 = arith.constant 2 : i32
        %add3A_111 = arith.addi %mul3A_78, %add3A_110 : i32
        %dma_start3A_112 = arith.constant 0 : i32
        %dma_start3A_113 = tpu.memref_slice %arg7[%add3A_111, %dma_start3A_112] : memref<16x128xi32, #tpu.memory_space<vmem>> -> memref<1x128xi32, #tpu.memory_space<vmem>>
        %dma_start3A_114 = tpu.memref_squeeze %dma_start3A_113 : memref<1x128xi32, #tpu.memory_space<vmem>> -> memref<128xi32, #tpu.memory_space<vmem>>
        %dma_start3A_115 = arith.constant 0 : i32
        %dma_start3A_116 = arith.constant 0 : i32
        %dma_start3A_117 = tpu.memref_slice %arg2[%dma_start3A_115, %dma_start3A_116] : memref<20000x128xf32, #tpu.memory_space<hbm>> -> memref<20000x128xf32, #tpu.memory_space<hbm>>
        tpu.enqueue_indirect_dma source(%dma_start3A_117 : memref<20000x128xf32, #tpu.memory_space<hbm>>) target(%arg9 : memref<128x128xf32, #tpu.memory_space<vmem>>) offsets(%dma_start3A_114 : memref<128xi32, #tpu.memory_space<vmem>>) semaphore(%arg12 : memref<!tpu.dma_semaphore, #tpu.memory_space<semaphore_mem>>)
        %dma_wait3A_118 = arith.constant 0 : i32
        %dma_wait3A_119 = tpu.memref_slice %arg8[%add3A_79, %dma_wait3A_118] : memref<16x128xi32, #tpu.memory_space<vmem>> -> memref<1x128xi32, #tpu.memory_space<vmem>>
        %dma_wait3A_120 = tpu.memref_squeeze %dma_wait3A_119 : memref<1x128xi32, #tpu.memory_space<vmem>> -> memref<128xi32, #tpu.memory_space<vmem>>
        %dma_wait3A_121 = arith.constant 0 : i32
        %dma_wait3A_122 = arith.constant 0 : i32
        %dma_wait3A_123 = tpu.memref_slice %arg11[%dma_wait3A_121, %dma_wait3A_122] : memref<10112x128xf32, #tpu.memory_space<vmem_shared>> -> memref<10112x128xf32, #tpu.memory_space<vmem_shared>>
        tpu.wait_indirect_dma semaphore(%arg15 : memref<!tpu.dma_semaphore, #tpu.memory_space<semaphore_mem>>) src(%arg10 : memref<128x128xf32, #tpu.memory_space<vmem>>) dst(%dma_wait3A_123 : memref<10112x128xf32, #tpu.memory_space<vmem_shared>>)
        %add3A_124 = arith.constant 2 : i32
        %add3A_125 = arith.addi %add3A_79, %add3A_124 : i32
        %dma_start3A_126 = arith.constant 0 : i32
        %dma_start3A_127 = tpu.memref_slice %arg7[%add3A_125, %dma_start3A_126] : memref<16x128xi32, #tpu.memory_space<vmem>> -> memref<1x128xi32, #tpu.memory_space<vmem>>
        %dma_start3A_128 = tpu.memref_squeeze %dma_start3A_127 : memref<1x128xi32, #tpu.memory_space<vmem>> -> memref<128xi32, #tpu.memory_space<vmem>>
        %dma_start3A_129 = arith.constant 0 : i32
        %dma_start3A_130 = arith.constant 0 : i32
        %dma_start3A_131 = tpu.memref_slice %arg2[%dma_start3A_129, %dma_start3A_130] : memref<20000x128xf32, #tpu.memory_space<hbm>> -> memref<20000x128xf32, #tpu.memory_space<hbm>>
        tpu.enqueue_indirect_dma source(%dma_start3A_131 : memref<20000x128xf32, #tpu.memory_space<hbm>>) target(%arg10 : memref<128x128xf32, #tpu.memory_space<vmem>>) offsets(%dma_start3A_128 : memref<128xi32, #tpu.memory_space<vmem>>) semaphore(%arg13 : memref<!tpu.dma_semaphore, #tpu.memory_space<semaphore_mem>>)
      }
      %scan3A_34 = arith.constant 7 : i32
      %dma_wait3A = arith.constant 14 : i32
      %dma_wait3A_35 = arith.constant 0 : i32
      %dma_wait3A_36 = tpu.memref_slice %arg7[%dma_wait3A, %dma_wait3A_35] : memref<16x128xi32, #tpu.memory_space<vmem>> -> memref<1x128xi32, #tpu.memory_space<vmem>>
      %dma_wait3A_37 = tpu.memref_squeeze %dma_wait3A_36 : memref<1x128xi32, #tpu.memory_space<vmem>> -> memref<128xi32, #tpu.memory_space<vmem>>
      %dma_wait3A_38 = arith.constant 0 : i32
      %dma_wait3A_39 = arith.constant 0 : i32
      %dma_wait3A_40 = tpu.memref_slice %arg2[%dma_wait3A_38, %dma_wait3A_39] : memref<20000x128xf32, #tpu.memory_space<hbm>> -> memref<20000x128xf32, #tpu.memory_space<hbm>>
      tpu.wait_indirect_dma semaphore(%arg12 : memref<!tpu.dma_semaphore, #tpu.memory_space<semaphore_mem>>) src(%dma_wait3A_40 : memref<20000x128xf32, #tpu.memory_space<hbm>>) dst(%arg9 : memref<128x128xf32, #tpu.memory_space<vmem>>)
      %dma_start3A_41 = arith.constant 14 : i32
      %dma_start3A_42 = arith.constant 0 : i32
      %dma_start3A_43 = tpu.memref_slice %arg8[%dma_start3A_41, %dma_start3A_42] : memref<16x128xi32, #tpu.memory_space<vmem>> -> memref<1x128xi32, #tpu.memory_space<vmem>>
      %dma_start3A_44 = tpu.memref_squeeze %dma_start3A_43 : memref<1x128xi32, #tpu.memory_space<vmem>> -> memref<128xi32, #tpu.memory_space<vmem>>
      %dma_start3A_45 = arith.constant 0 : i32
      %dma_start3A_46 = arith.constant 0 : i32
      %dma_start3A_47 = tpu.memref_slice %arg11[%dma_start3A_45, %dma_start3A_46] : memref<10112x128xf32, #tpu.memory_space<vmem_shared>> -> memref<10112x128xf32, #tpu.memory_space<vmem_shared>>
      tpu.enqueue_indirect_dma source(%arg9 : memref<128x128xf32, #tpu.memory_space<vmem>>) target(%dma_start3A_47 : memref<10112x128xf32, #tpu.memory_space<vmem_shared>>) offsets(%dma_start3A_44 : memref<128xi32, #tpu.memory_space<vmem>>) semaphore(%arg14 : memref<!tpu.dma_semaphore, #tpu.memory_space<semaphore_mem>>) {add = true}
      %dma_wait3A_48 = arith.constant 15 : i32
      %dma_wait3A_49 = arith.constant 0 : i32
      %dma_wait3A_50 = tpu.memref_slice %arg7[%dma_wait3A_48, %dma_wait3A_49] : memref<16x128xi32, #tpu.memory_space<vmem>> -> memref<1x128xi32, #tpu.memory_space<vmem>>
      %dma_wait3A_51 = tpu.memref_squeeze %dma_wait3A_50 : memref<1x128xi32, #tpu.memory_space<vmem>> -> memref<128xi32, #tpu.memory_space<vmem>>
      %dma_wait3A_52 = arith.constant 0 : i32
      %dma_wait3A_53 = arith.constant 0 : i32
      %dma_wait3A_54 = tpu.memref_slice %arg2[%dma_wait3A_52, %dma_wait3A_53] : memref<20000x128xf32, #tpu.memory_space<hbm>> -> memref<20000x128xf32, #tpu.memory_space<hbm>>
      tpu.wait_indirect_dma semaphore(%arg13 : memref<!tpu.dma_semaphore, #tpu.memory_space<semaphore_mem>>) src(%dma_wait3A_54 : memref<20000x128xf32, #tpu.memory_space<hbm>>) dst(%arg10 : memref<128x128xf32, #tpu.memory_space<vmem>>)
      %dma_start3A_55 = arith.constant 15 : i32
      %dma_start3A_56 = arith.constant 0 : i32
      %dma_start3A_57 = tpu.memref_slice %arg8[%dma_start3A_55, %dma_start3A_56] : memref<16x128xi32, #tpu.memory_space<vmem>> -> memref<1x128xi32, #tpu.memory_space<vmem>>
      %dma_start3A_58 = tpu.memref_squeeze %dma_start3A_57 : memref<1x128xi32, #tpu.memory_space<vmem>> -> memref<128xi32, #tpu.memory_space<vmem>>
      %dma_start3A_59 = arith.constant 0 : i32
      %dma_start3A_60 = arith.constant 0 : i32
      %dma_start3A_61 = tpu.memref_slice %arg11[%dma_start3A_59, %dma_start3A_60] : memref<10112x128xf32, #tpu.memory_space<vmem_shared>> -> memref<10112x128xf32, #tpu.memory_space<vmem_shared>>
      tpu.enqueue_indirect_dma source(%arg10 : memref<128x128xf32, #tpu.memory_space<vmem>>) target(%dma_start3A_61 : memref<10112x128xf32, #tpu.memory_space<vmem_shared>>) offsets(%dma_start3A_58 : memref<128xi32, #tpu.memory_space<vmem>>) semaphore(%arg15 : memref<!tpu.dma_semaphore, #tpu.memory_space<semaphore_mem>>) {add = true}
      %dma_wait3A_62 = arith.constant 14 : i32
      %dma_wait3A_63 = arith.constant 0 : i32
      %dma_wait3A_64 = tpu.memref_slice %arg8[%dma_wait3A_62, %dma_wait3A_63] : memref<16x128xi32, #tpu.memory_space<vmem>> -> memref<1x128xi32, #tpu.memory_space<vmem>>
      %dma_wait3A_65 = tpu.memref_squeeze %dma_wait3A_64 : memref<1x128xi32, #tpu.memory_space<vmem>> -> memref<128xi32, #tpu.memory_space<vmem>>
      %dma_wait3A_66 = arith.constant 0 : i32
      %dma_wait3A_67 = arith.constant 0 : i32
      %dma_wait3A_68 = tpu.memref_slice %arg11[%dma_wait3A_66, %dma_wait3A_67] : memref<10112x128xf32, #tpu.memory_space<vmem_shared>> -> memref<10112x128xf32, #tpu.memory_space<vmem_shared>>
      tpu.wait_indirect_dma semaphore(%arg14 : memref<!tpu.dma_semaphore, #tpu.memory_space<semaphore_mem>>) src(%arg9 : memref<128x128xf32, #tpu.memory_space<vmem>>) dst(%dma_wait3A_68 : memref<10112x128xf32, #tpu.memory_space<vmem_shared>>)
      %dma_wait3A_69 = arith.constant 15 : i32
      %dma_wait3A_70 = arith.constant 0 : i32
      %dma_wait3A_71 = tpu.memref_slice %arg8[%dma_wait3A_69, %dma_wait3A_70] : memref<16x128xi32, #tpu.memory_space<vmem>> -> memref<1x128xi32, #tpu.memory_space<vmem>>
      %dma_wait3A_72 = tpu.memref_squeeze %dma_wait3A_71 : memref<1x128xi32, #tpu.memory_space<vmem>> -> memref<128xi32, #tpu.memory_space<vmem>>
      %dma_wait3A_73 = arith.constant 0 : i32
      %dma_wait3A_74 = arith.constant 0 : i32
      %dma_wait3A_75 = tpu.memref_slice %arg11[%dma_wait3A_73, %dma_wait3A_74] : memref<10112x128xf32, #tpu.memory_space<vmem_shared>> -> memref<10112x128xf32, #tpu.memory_space<vmem_shared>>
      tpu.wait_indirect_dma semaphore(%arg15 : memref<!tpu.dma_semaphore, #tpu.memory_space<semaphore_mem>>) src(%arg10 : memref<128x128xf32, #tpu.memory_space<vmem>>) dst(%dma_wait3A_75 : memref<10112x128xf32, #tpu.memory_space<vmem_shared>>)
    }
    %scan3A_5 = arith.constant 10 : i32
    %barrier3A_6 = arith.constant 0 : index
    tpu.barrier barrier_id(%barrier3A_6)
    %mul3A_7 = arith.constant 632 : i32
    %mul3A_8 = arith.muli %arg1, %mul3A_7 : i32
    %mul3A_9 = arith.constant 632 : i32
    %mul3A_10 = arith.muli %arg1, %mul3A_9 : i32
    "tpu.region"() ({
      %run_scoped3A = tpu.sem_alloc : memref<!tpu.dma_semaphore, #tpu.memory_space<semaphore_mem>>
      %dma_start3A = arith.constant 0 : i32
      %dma_start3A_11 = tpu.memref_slice %arg6[%arg0, %mul3A_10, %dma_start3A] : memref<2x10112x128xf32, #tpu.memory_space<hbm>> -> memref<1x632x128xf32, #tpu.memory_space<hbm>>
      %dma_start3A_12 = tpu.memref_squeeze %dma_start3A_11 : memref<1x632x128xf32, #tpu.memory_space<hbm>> -> memref<632x128xf32, #tpu.memory_space<hbm>>
      %dma_start3A_13 = arith.constant 0 : i32
      %dma_start3A_14 = tpu.memref_slice %arg11[%mul3A_8, %dma_start3A_13] : memref<10112x128xf32, #tpu.memory_space<vmem_shared>> -> memref<632x128xf32, #tpu.memory_space<vmem_shared>>
      tpu.enqueue_dma source(%dma_start3A_14 : memref<632x128xf32, #tpu.memory_space<vmem_shared>>) target(%dma_start3A_12 : memref<632x128xf32, #tpu.memory_space<hbm>>) target_semaphore(%run_scoped3A : memref<!tpu.dma_semaphore, #tpu.memory_space<semaphore_mem>>)
      %dma_wait3A = arith.constant 0 : i32
      %dma_wait3A_15 = tpu.memref_slice %arg6[%arg0, %mul3A_10, %dma_wait3A] : memref<2x10112x128xf32, #tpu.memory_space<hbm>> -> memref<1x632x128xf32, #tpu.memory_space<hbm>>
      %dma_wait3A_16 = tpu.memref_squeeze %dma_wait3A_15 : memref<1x632x128xf32, #tpu.memory_space<hbm>> -> memref<632x128xf32, #tpu.memory_space<hbm>>
      %dma_wait3A_17 = arith.constant 0 : i32
      %dma_wait3A_18 = tpu.memref_slice %arg11[%mul3A_8, %dma_wait3A_17] : memref<10112x128xf32, #tpu.memory_space<vmem_shared>> -> memref<632x128xf32, #tpu.memory_space<vmem_shared>>
      tpu.wait_dma2 semaphore(%run_scoped3A : memref<!tpu.dma_semaphore, #tpu.memory_space<semaphore_mem>>) src(%dma_wait3A_18 : memref<632x128xf32, #tpu.memory_space<vmem_shared>>) dst(%dma_wait3A_16 : memref<632x128xf32, #tpu.memory_space<hbm>>)
      tpu.yield
    }) : () -> ()
    return
  }
}

module attributes {stable_mosaic.version = 14 : i64} {
  func.func @body(%arg0: i32, %arg1: i32, %arg2: memref<1000x128xf32, #tpu.memory_space<vmem>>, %arg3: memref<2x1000x1xf32, #tpu.memory_space<vmem>>, %arg4: memref<1000x128xf32, #tpu.memory_space<vmem>>) attributes {dimension_semantics = [#tpu.dimension_semantics<arbitrary>, #tpu.dimension_semantics<arbitrary>], iteration_bounds = array<i64: 2, 10>, scalar_prefetch = 0 : i64, scratch_operands = 0 : i64, tpu.core_type = #tpu.core_type<tc>, window_params = [{transform_indices = @transform_0, window_bounds = array<i64: 1000, 128>}, {transform_indices = @transform_1, window_bounds = array<i64: 2, 1000, 1>}, {transform_indices = @transform_2, window_bounds = array<i64: 1000, 128>}]} {
    %get3A = arith.constant 0 : index
    %get3A_0 = arith.constant 0 : index
    %get3A_1 = arith.constant 0 : index
    %get3A_2 = vector.load %arg3[%get3A, %get3A_0, %get3A_1] : memref<2x1000x1xf32, #tpu.memory_space<vmem>>, vector<1x1000x1xf32>
    %get3A_3 = vector.shape_cast %get3A_2 : vector<1x1000x1xf32> to vector<1000x1xf32>
    %get3A_4 = arith.constant 1 : index
    %get3A_5 = arith.constant 0 : index
    %get3A_6 = arith.constant 0 : index
    %get3A_7 = vector.load %arg3[%get3A_4, %get3A_5, %get3A_6] : memref<2x1000x1xf32, #tpu.memory_space<vmem>>, vector<1x1000x1xf32>
    %get3A_8 = vector.shape_cast %get3A_7 : vector<1x1000x1xf32> to vector<1000x1xf32>
    %add3A = arith.addf %get3A_3, %get3A_8 : vector<1000x1xf32>
    %add3A_9 = arith.constant 1.000000e+00 : f32
    %add3A_10 = vector.broadcast %add3A_9 : f32 to vector<1000x1xf32>
    %add3A_11 = arith.addf %add3A, %add3A_10 : vector<1000x1xf32>
    %sqrt3A = math.sqrt %add3A_11 : vector<1000x1xf32>
    %div3A = arith.constant 1.000000e+00 : f32
    %div3A_12 = vector.broadcast %div3A : f32 to vector<1000x1xf32>
    %div3A_13 = arith.divf %div3A_12, %sqrt3A : vector<1000x1xf32>
    %get3A_14 = arith.constant 0 : index
    %get3A_15 = arith.constant 0 : index
    %get3A_16 = vector.load %arg2[%get3A_14, %get3A_15] : memref<1000x128xf32, #tpu.memory_space<vmem>>, vector<1000x128xf32>
    %mul3A = vector.broadcast %div3A_13 : vector<1000x1xf32> to vector<1000x128xf32>
    %mul3A_17 = arith.mulf %mul3A, %get3A_16 : vector<1000x128xf32>
    %swap3A = arith.constant 0 : index
    %swap3A_18 = arith.constant 0 : index
    %swap3A_19 = vector.load %arg4[%swap3A, %swap3A_18] : memref<1000x128xf32, #tpu.memory_space<vmem>>, vector<1000x128xf32>
    tpu.vector_store %arg4[%swap3A, %swap3A_18], %mul3A_17 {strides = array<i32>} : memref<1000x128xf32, #tpu.memory_space<vmem>>, vector<1000x128xf32>,
    return
  }
  func.func @transform_0(%arg0: i32, %arg1: i32) -> (i32, i32) {
    %c0_i32 = arith.constant 0 : i32
    %c0_i32_0 = arith.constant 0 : i32
    return %arg1, %c0_i32 : i32, i32
  }
  func.func @transform_1(%arg0: i32, %arg1: i32) -> (i32, i32, i32) {
    %c0_i32 = arith.constant 0 : i32
    %c0_i32_0 = arith.constant 0 : i32
    %c0_i32_1 = arith.constant 0 : i32
    return %c0_i32, %arg1, %c0_i32_0 : i32, i32, i32
  }
  func.func @transform_2(%arg0: i32, %arg1: i32) -> (i32, i32) {
    %mul3A = arith.constant 10 : i32
    %mul3A_0 = arith.muli %arg0, %mul3A : i32
    %add3A = arith.addi %mul3A_0, %arg1 : i32
    %c0_i32 = arith.constant 0 : i32
    %c0_i32_1 = arith.constant 0 : i32
    return %add3A, %c0_i32 : i32, i32
  }
}

module attributes {stable_mosaic.version = 14 : i64} {
  func.func @body(%arg0: i32, %arg1: i32, %arg2: memref<2x1000x128xf32, #tpu.memory_space<vmem>>, %arg3: memref<1000x128xf32, #tpu.memory_space<vmem>>, %arg4: memref<2x1000x1xf32, #tpu.memory_space<vmem>>, %arg5: memref<128x128xf32, #tpu.memory_space<vmem>>, %arg6: memref<2x128xf32, #tpu.memory_space<vmem>>, %arg7: memref<1x1000x128xf32, #tpu.memory_space<vmem>>) attributes {dimension_semantics = [#tpu.dimension_semantics<arbitrary>, #tpu.dimension_semantics<arbitrary>], iteration_bounds = array<i64: 2, 10>, scalar_prefetch = 0 : i64, scratch_operands = 0 : i64, tpu.core_type = #tpu.core_type<tc>, window_params = [{transform_indices = @transform_0, window_bounds = array<i64: 2, 1000, 128>}, {transform_indices = @transform_1, window_bounds = array<i64: 1000, 128>}, {transform_indices = @transform_2, window_bounds = array<i64: 2, 1000, 1>}, {transform_indices = @transform_3, window_bounds = array<i64: 128, 128>}, {pipeline_mode = #tpu.pipeline_mode<synchronous>, transform_indices = @transform_4, window_bounds = array<i64: 2, 128>}, {transform_indices = @transform_5, window_bounds = array<i64: 1, 1000, 128>}]} {
    %get3A = arith.constant 0 : index
    %get3A_0 = arith.constant 0 : index
    %get3A_1 = arith.constant 0 : index
    %get3A_2 = vector.load %arg4[%get3A, %get3A_0, %get3A_1] : memref<2x1000x1xf32, #tpu.memory_space<vmem>>, vector<1x1000x1xf32>
    %get3A_3 = vector.shape_cast %get3A_2 : vector<1x1000x1xf32> to vector<1000x1xf32>
    %get3A_4 = arith.constant 1 : index
    %get3A_5 = arith.constant 0 : index
    %get3A_6 = arith.constant 0 : index
    %get3A_7 = vector.load %arg4[%get3A_4, %get3A_5, %get3A_6] : memref<2x1000x1xf32, #tpu.memory_space<vmem>>, vector<1x1000x1xf32>
    %get3A_8 = vector.shape_cast %get3A_7 : vector<1x1000x1xf32> to vector<1000x1xf32>
    %add3A = arith.addf %get3A_3, %get3A_8 : vector<1000x1xf32>
    %add3A_9 = arith.constant 1.000000e+00 : f32
    %add3A_10 = vector.broadcast %add3A_9 : f32 to vector<1000x1xf32>
    %add3A_11 = arith.addf %add3A, %add3A_10 : vector<1000x1xf32>
    %sqrt3A = math.sqrt %add3A_11 : vector<1000x1xf32>
    %div3A = arith.constant 1.000000e+00 : f32
    %div3A_12 = vector.broadcast %div3A : f32 to vector<1000x1xf32>
    %div3A_13 = arith.divf %div3A_12, %sqrt3A : vector<1000x1xf32>
    %get3A_14 = arith.constant 0 : index
    %get3A_15 = arith.constant 0 : index
    %get3A_16 = arith.constant 0 : index
    %get3A_17 = vector.load %arg2[%get3A_14, %get3A_15, %get3A_16] : memref<2x1000x128xf32, #tpu.memory_space<vmem>>, vector<1x1000x128xf32>
    %get3A_18 = vector.shape_cast %get3A_17 : vector<1x1000x128xf32> to vector<1000x128xf32>
    %get3A_19 = arith.constant 1 : index
    %get3A_20 = arith.constant 0 : index
    %get3A_21 = arith.constant 0 : index
    %get3A_22 = vector.load %arg2[%get3A_19, %get3A_20, %get3A_21] : memref<2x1000x128xf32, #tpu.memory_space<vmem>>, vector<1x1000x128xf32>
    %get3A_23 = vector.shape_cast %get3A_22 : vector<1x1000x128xf32> to vector<1000x128xf32>
    %add3A_24 = arith.addf %get3A_18, %get3A_23 : vector<1000x128xf32>
    %get3A_25 = arith.constant 0 : index
    %get3A_26 = arith.constant 0 : index
    %get3A_27 = vector.load %arg3[%get3A_25, %get3A_26] : memref<1000x128xf32, #tpu.memory_space<vmem>>, vector<1000x128xf32>
    %add3A_28 = arith.addf %add3A_24, %get3A_27 : vector<1000x128xf32>
    %mul3A = vector.broadcast %div3A_13 : vector<1000x1xf32> to vector<1000x128xf32>
    %mul3A_29 = arith.mulf %mul3A, %add3A_28 : vector<1000x128xf32>
    %eq3A = arith.constant 0 : i32
    %eq3A_30 = arith.cmpi eq, %arg0, %eq3A : i32
    %get3A_31 = arith.constant 0 : index
    %get3A_32 = arith.constant 0 : index
    %get3A_33 = vector.load %arg6[%get3A_31, %get3A_32] : memref<2x128xf32, #tpu.memory_space<vmem>>, vector<1x128xf32>
    %get3A_34 = vector.shape_cast %get3A_33 : vector<1x128xf32> to vector<128xf32>
    %get3A_35 = arith.constant 1 : index
    %get3A_36 = arith.constant 0 : index
    %get3A_37 = vector.load %arg6[%get3A_35, %get3A_36] : memref<2x128xf32, #tpu.memory_space<vmem>>, vector<1x128xf32>
    %get3A_38 = vector.shape_cast %get3A_37 : vector<1x128xf32> to vector<128xf32>
    %select_n3A = arith.select %eq3A_30, %get3A_34, %get3A_38 : vector<128xf32>
    %get3A_39 = arith.constant 0 : index
    %get3A_40 = arith.constant 0 : index
    %get3A_41 = vector.load %arg5[%get3A_39, %get3A_40] : memref<128x128xf32, #tpu.memory_space<vmem>>, vector<128x128xf32>
    %dot_general3A = arith.constant dense<0.000000e+00> : vector<1000x128xf32>
    %dot_general3A_42 = tpu.matmul %mul3A_29, %get3A_41, %dot_general3A {dimension_numbers = #tpu.dot_dimension_numbers<[1], [0], [0], [1], [0, 0, 1, 1], [], []>, transpose_lhs_hint = false} : vector<1000x128xf32>, vector<128x128xf32>, vector<1000x128xf32> -> vector<1000x128xf32>
    %broadcast_in_dim3A = vector.shape_cast %select_n3A : vector<128xf32> to vector<1x128xf32>
    %add3A_43 = vector.broadcast %broadcast_in_dim3A : vector<1x128xf32> to vector<1000x128xf32>
    %add3A_44 = arith.addf %dot_general3A_42, %add3A_43 : vector<1000x128xf32>
    %max3A = arith.constant 0.000000e+00 : f32
    %max3A_45 = vector.broadcast %max3A : f32 to vector<1000x128xf32>
    %max3A_46 = arith.maximumf %add3A_44, %max3A_45 : vector<1000x128xf32>
    %mul3A_47 = vector.broadcast %div3A_13 : vector<1000x1xf32> to vector<1000x128xf32>
    %mul3A_48 = arith.mulf %mul3A_47, %max3A_46 : vector<1000x128xf32>
    %broadcast_in_dim3A_49 = vector.shape_cast %mul3A_48 : vector<1000x128xf32> to vector<1x1000x128xf32>
    %swap3A = arith.constant 0 : index
    %swap3A_50 = arith.constant 0 : index
    %swap3A_51 = arith.constant 0 : index
    %swap3A_52 = vector.load %arg7[%swap3A, %swap3A_50, %swap3A_51] : memref<1x1000x128xf32, #tpu.memory_space<vmem>>, vector<1x1000x128xf32>
    tpu.vector_store %arg7[%swap3A, %swap3A_50, %swap3A_51], %broadcast_in_dim3A_49 {strides = array<i32>} : memref<1x1000x128xf32, #tpu.memory_space<vmem>>, vector<1x1000x128xf32>,
    return
  }
  func.func @transform_0(%arg0: i32, %arg1: i32) -> (i32, i32, i32) {
    %c0_i32 = arith.constant 0 : i32
    %c0_i32_0 = arith.constant 0 : i32
    %c0_i32_1 = arith.constant 0 : i32
    return %c0_i32, %arg1, %c0_i32_0 : i32, i32, i32
  }
  func.func @transform_1(%arg0: i32, %arg1: i32) -> (i32, i32) {
    %c0_i32 = arith.constant 0 : i32
    %c0_i32_0 = arith.constant 0 : i32
    return %arg1, %c0_i32 : i32, i32
  }
  func.func @transform_2(%arg0: i32, %arg1: i32) -> (i32, i32, i32) {
    %c0_i32 = arith.constant 0 : i32
    %c0_i32_0 = arith.constant 0 : i32
    %c0_i32_1 = arith.constant 0 : i32
    return %c0_i32, %arg1, %c0_i32_0 : i32, i32, i32
  }
  func.func @transform_3(%arg0: i32, %arg1: i32) -> (i32, i32) {
    %c0_i32 = arith.constant 0 : i32
    %c0_i32_0 = arith.constant 0 : i32
    return %c0_i32, %arg0 : i32, i32
  }
  func.func @transform_4(%arg0: i32, %arg1: i32) -> (i32, i32) {
    %c0_i32 = arith.constant 0 : i32
    %c0_i32_0 = arith.constant 0 : i32
    %c0_i32_1 = arith.constant 0 : i32
    return %c0_i32, %c0_i32_0 : i32, i32
  }
  func.func @transform_5(%arg0: i32, %arg1: i32) -> (i32, i32, i32) {
    %c0_i32 = arith.constant 0 : i32
    %c0_i32_0 = arith.constant 0 : i32
    return %arg0, %arg1, %c0_i32 : i32, i32, i32
  }
}

module attributes {stable_mosaic.version = 14 : i64} {
  func.func @body(%arg0: i32, %arg1: memref<2x1000x128xf32, #tpu.memory_space<vmem>>, %arg2: memref<2x1000x128xf32, #tpu.memory_space<vmem>>, %arg3: memref<2x1000x1xf32, #tpu.memory_space<vmem>>, %arg4: memref<256x256xf32, #tpu.memory_space<vmem>>, %arg5: memref<1x256xf32, #tpu.memory_space<vmem>>, %arg6: memref<1x256xf32, #tpu.memory_space<vmem>>, %arg7: memref<1xf32, #tpu.memory_space<smem>>, %arg8: memref<1000x1xf32, #tpu.memory_space<vmem>>) attributes {dimension_semantics = [#tpu.dimension_semantics<arbitrary>], iteration_bounds = array<i64: 10>, scalar_prefetch = 0 : i64, scratch_operands = 0 : i64, tpu.core_type = #tpu.core_type<tc>, window_params = [{transform_indices = @transform_0, window_bounds = array<i64: 2, 1000, 128>}, {transform_indices = @transform_1, window_bounds = array<i64: 2, 1000, 128>}, {transform_indices = @transform_2, window_bounds = array<i64: 2, 1000, 1>}, {pipeline_mode = #tpu.pipeline_mode<synchronous>, transform_indices = @transform_3, window_bounds = array<i64: 256, 256>}, {pipeline_mode = #tpu.pipeline_mode<synchronous>, transform_indices = @transform_4, window_bounds = array<i64: 1, 256>}, {pipeline_mode = #tpu.pipeline_mode<synchronous>, transform_indices = @transform_5, window_bounds = array<i64: 1, 256>}, {transform_indices = @transform_6, window_bounds = array<i64: 1>}, {transform_indices = @transform_7, window_bounds = array<i64: 1000, 1>}]} {
    %get3A = arith.constant 0 : index
    %get3A_0 = arith.constant 0 : index
    %get3A_1 = arith.constant 0 : index
    %get3A_2 = vector.load %arg3[%get3A, %get3A_0, %get3A_1] : memref<2x1000x1xf32, #tpu.memory_space<vmem>>, vector<1x1000x1xf32>
    %get3A_3 = vector.shape_cast %get3A_2 : vector<1x1000x1xf32> to vector<1000x1xf32>
    %get3A_4 = arith.constant 1 : index
    %get3A_5 = arith.constant 0 : index
    %get3A_6 = arith.constant 0 : index
    %get3A_7 = vector.load %arg3[%get3A_4, %get3A_5, %get3A_6] : memref<2x1000x1xf32, #tpu.memory_space<vmem>>, vector<1x1000x1xf32>
    %get3A_8 = vector.shape_cast %get3A_7 : vector<1x1000x1xf32> to vector<1000x1xf32>
    %add3A = arith.addf %get3A_3, %get3A_8 : vector<1000x1xf32>
    %add3A_9 = arith.constant 1.000000e+00 : f32
    %add3A_10 = vector.broadcast %add3A_9 : f32 to vector<1000x1xf32>
    %add3A_11 = arith.addf %add3A, %add3A_10 : vector<1000x1xf32>
    %sqrt3A = math.sqrt %add3A_11 : vector<1000x1xf32>
    %div3A = arith.constant 1.000000e+00 : f32
    %div3A_12 = vector.broadcast %div3A : f32 to vector<1000x1xf32>
    %div3A_13 = arith.divf %div3A_12, %sqrt3A : vector<1000x1xf32>
    %get3A_14 = arith.constant 0 : index
    %get3A_15 = arith.constant 0 : index
    %get3A_16 = arith.constant 0 : index
    %get3A_17 = vector.load %arg1[%get3A_14, %get3A_15, %get3A_16] : memref<2x1000x128xf32, #tpu.memory_space<vmem>>, vector<1x1000x128xf32>
    %get3A_18 = vector.shape_cast %get3A_17 : vector<1x1000x128xf32> to vector<1000x128xf32>
    %get3A_19 = arith.constant 0 : index
    %get3A_20 = arith.constant 0 : index
    %get3A_21 = arith.constant 0 : index
    %get3A_22 = vector.load %arg2[%get3A_19, %get3A_20, %get3A_21] : memref<2x1000x128xf32, #tpu.memory_space<vmem>>, vector<1x1000x128xf32>
    %get3A_23 = vector.shape_cast %get3A_22 : vector<1x1000x128xf32> to vector<1000x128xf32>
    %add3A_24 = arith.addf %get3A_18, %get3A_23 : vector<1000x128xf32>
    %mul3A = vector.broadcast %div3A_13 : vector<1000x1xf32> to vector<1000x128xf32>
    %mul3A_25 = arith.mulf %mul3A, %add3A_24 : vector<1000x128xf32>
    %get3A_26 = arith.constant 1 : index
    %get3A_27 = arith.constant 0 : index
    %get3A_28 = arith.constant 0 : index
    %get3A_29 = vector.load %arg1[%get3A_26, %get3A_27, %get3A_28] : memref<2x1000x128xf32, #tpu.memory_space<vmem>>, vector<1x1000x128xf32>
    %get3A_30 = vector.shape_cast %get3A_29 : vector<1x1000x128xf32> to vector<1000x128xf32>
    %get3A_31 = arith.constant 1 : index
    %get3A_32 = arith.constant 0 : index
    %get3A_33 = arith.constant 0 : index
    %get3A_34 = vector.load %arg2[%get3A_31, %get3A_32, %get3A_33] : memref<2x1000x128xf32, #tpu.memory_space<vmem>>, vector<1x1000x128xf32>
    %get3A_35 = vector.shape_cast %get3A_34 : vector<1x1000x128xf32> to vector<1000x128xf32>
    %add3A_36 = arith.addf %get3A_30, %get3A_35 : vector<1000x128xf32>
    %mul3A_37 = vector.broadcast %div3A_13 : vector<1000x1xf32> to vector<1000x128xf32>
    %mul3A_38 = arith.mulf %mul3A_37, %add3A_36 : vector<1000x128xf32>
    %get3A_39 = arith.constant 0 : index
    %get3A_40 = arith.constant 0 : index
    %get3A_41 = vector.load %arg4[%get3A_39, %get3A_40] : memref<256x256xf32, #tpu.memory_space<vmem>>, vector<256x256xf32>
    %slice3A = vector.extract_strided_slice %get3A_41 {offsets = [0, 0], sizes = [128, 256], strides = [1, 1]} : vector<256x256xf32> to vector<128x256xf32>
    %dot_general3A = arith.constant dense<0.000000e+00> : vector<1000x256xf32>
    %dot_general3A_42 = tpu.matmul %mul3A_25, %slice3A, %dot_general3A {dimension_numbers = #tpu.dot_dimension_numbers<[1], [0], [0], [1], [0, 0, 1, 1], [], []>, transpose_lhs_hint = false} : vector<1000x128xf32>, vector<128x256xf32>, vector<1000x256xf32> -> vector<1000x256xf32>
    %slice3A_43 = vector.extract_strided_slice %get3A_41 {offsets = [128, 0], sizes = [128, 256], strides = [1, 1]} : vector<256x256xf32> to vector<128x256xf32>
    %dot_general3A_44 = arith.constant dense<0.000000e+00> : vector<1000x256xf32>
    %dot_general3A_45 = tpu.matmul %mul3A_38, %slice3A_43, %dot_general3A_44 {dimension_numbers = #tpu.dot_dimension_numbers<[1], [0], [0], [1], [0, 0, 1, 1], [], []>, transpose_lhs_hint = false} : vector<1000x128xf32>, vector<128x256xf32>, vector<1000x256xf32> -> vector<1000x256xf32>
    %add3A_46 = arith.addf %dot_general3A_42, %dot_general3A_45 : vector<1000x256xf32>
    %get3A_47 = arith.constant 0 : index
    %get3A_48 = arith.constant 0 : index
    %get3A_49 = vector.load %arg5[%get3A_47, %get3A_48] : memref<1x256xf32, #tpu.memory_space<vmem>>, vector<1x256xf32>
    %get3A_50 = vector.shape_cast %get3A_49 : vector<1x256xf32> to vector<256xf32>
    %broadcast_in_dim3A = vector.shape_cast %get3A_50 : vector<256xf32> to vector<1x256xf32>
    %add3A_51 = vector.broadcast %broadcast_in_dim3A : vector<1x256xf32> to vector<1000x256xf32>
    %add3A_52 = arith.addf %add3A_46, %add3A_51 : vector<1000x256xf32>
    %max3A = arith.constant 0.000000e+00 : f32
    %max3A_53 = vector.broadcast %max3A : f32 to vector<1000x256xf32>
    %max3A_54 = arith.maximumf %add3A_52, %max3A_53 : vector<1000x256xf32>
    %get3A_55 = arith.constant 0 : index
    %get3A_56 = arith.constant 0 : index
    %get3A_57 = vector.load %arg6[%get3A_55, %get3A_56] : memref<1x256xf32, #tpu.memory_space<vmem>>, vector<1x256xf32>
    %get3A_58 = vector.shape_cast %get3A_57 : vector<1x256xf32> to vector<256xf32>
    %broadcast_in_dim3A_59 = vector.shape_cast %get3A_58 : vector<256xf32> to vector<1x256xf32>
    %mul3A_60 = vector.broadcast %broadcast_in_dim3A_59 : vector<1x256xf32> to vector<1000x256xf32>
    %mul3A_61 = arith.mulf %max3A_54, %mul3A_60 : vector<1000x256xf32>
    %reduce_sum3A = arith.constant dense<0.000000e+00> : vector<1000xf32>
    %reduce_sum3A_62 = vector.multi_reduction <add>, %mul3A_61, %reduce_sum3A [1] : vector<1000x256xf32> to vector<1000xf32>
    %broadcast_in_dim3A_63 = vector.shape_cast %reduce_sum3A_62 : vector<1000xf32> to vector<1000x1xf32>
    %get3A_64 = arith.constant 0 : index
    %get3A_65 = memref.load %arg7[%get3A_64] : memref<1xf32, #tpu.memory_space<smem>>
    %add3A_66 = vector.broadcast %get3A_65 : f32 to vector<1000x1xf32>
    %add3A_67 = arith.addf %broadcast_in_dim3A_63, %add3A_66 : vector<1000x1xf32>
    %logistic3A = arith.negf %add3A_67 : vector<1000x1xf32>
    %logistic3A_68 = math.exp %logistic3A : vector<1000x1xf32>
    %logistic3A_69 = arith.constant 1.000000e+00 : f32
    %logistic3A_70 = vector.broadcast %logistic3A_69 : f32 to vector<1000x1xf32>
    %logistic3A_71 = arith.addf %logistic3A_70, %logistic3A_68 : vector<1000x1xf32>
    %logistic3A_72 = arith.divf %logistic3A_70, %logistic3A_71 : vector<1000x1xf32>
    %swap3A = arith.constant 0 : index
    %swap3A_73 = arith.constant 0 : index
    %swap3A_74 = vector.load %arg8[%swap3A, %swap3A_73] : memref<1000x1xf32, #tpu.memory_space<vmem>>, vector<1000x1xf32>
    tpu.vector_store %arg8[%swap3A, %swap3A_73], %logistic3A_72 {strides = array<i32>} : memref<1000x1xf32, #tpu.memory_space<vmem>>, vector<1000x1xf32>,
    return
  }
  func.func @transform_0(%arg0: i32) -> (i32, i32, i32) {
    %c0_i32 = arith.constant 0 : i32
    %c0_i32_0 = arith.constant 0 : i32
    %c0_i32_1 = arith.constant 0 : i32
    return %c0_i32, %arg0, %c0_i32_0 : i32, i32, i32
  }
  func.func @transform_1(%arg0: i32) -> (i32, i32, i32) {
    %c0_i32 = arith.constant 0 : i32
    %c0_i32_0 = arith.constant 0 : i32
    %c0_i32_1 = arith.constant 0 : i32
    return %c0_i32, %arg0, %c0_i32_0 : i32, i32, i32
  }
  func.func @transform_2(%arg0: i32) -> (i32, i32, i32) {
    %c0_i32 = arith.constant 0 : i32
    %c0_i32_0 = arith.constant 0 : i32
    %c0_i32_1 = arith.constant 0 : i32
    return %c0_i32, %arg0, %c0_i32_0 : i32, i32, i32
  }
  func.func @transform_3(%arg0: i32) -> (i32, i32) {
    %c0_i32 = arith.constant 0 : i32
    %c0_i32_0 = arith.constant 0 : i32
    %c0_i32_1 = arith.constant 0 : i32
    return %c0_i32, %c0_i32_0 : i32, i32
  }
  func.func @transform_4(%arg0: i32) -> (i32, i32) {
    %c0_i32 = arith.constant 0 : i32
    %c0_i32_0 = arith.constant 0 : i32
    %c0_i32_1 = arith.constant 0 : i32
    return %c0_i32, %c0_i32_0 : i32, i32
  }
  func.func @transform_5(%arg0: i32) -> (i32, i32) {
    %c0_i32 = arith.constant 0 : i32
    %c0_i32_0 = arith.constant 0 : i32
    %c0_i32_1 = arith.constant 0 : i32
    return %c0_i32, %c0_i32_0 : i32, i32
  }
  func.func @transform_6(%arg0: i32) -> i32 {
    %c0_i32 = arith.constant 0 : i32
    %c0_i32_0 = arith.constant 0 : i32
    return %c0_i32 : i32
  }
  func.func @transform_7(%arg0: i32) -> (i32, i32) {
    %c0_i32 = arith.constant 0 : i32
    %c0_i32_0 = arith.constant 0 : i32
    return %arg0, %c0_i32 : i32, i32
  }
}

</mosaic_0001>

<sc_bundles>
// kernel: kernel.11.cloned.1.call-start
scs
__scs_entry_jumppad:
0x0: {  	(pc) =	sbr.rel $0x88, $3  }
0x1: {  	(tag) =	ssettag $0x0;
	lr =	simm.s32 $0x1  }
0x2: {  	[smem:$0x3F99] =	sst lr;
	_ =	strace $0xD0000000  }
0x3: {  	_ = 	snop  }
0x4: {  	_ = 	snop  }
0x5: {  	_ = 	snop  }
0x6: {  	_ = 	snop  }
0x7: {  	_ = 	snop  }
__scs_overlays_trampoline_lowered:
0x8: {  	[smem:$0x3FA8] =	sst s0  }
0x9: {  	[smem:$0x3FA9] =	sst s1  }
0xa: {  	[smem:$0x3FAA] =	sst s2  }
0xb: {  	[smem:$0x3FAB] =	sst s3  }
0xc: {  	[smem:$0x3FAC] =	sst s4  }
0xd: {  	[smem:$0x3FAD] =	sst s5  }
0xe: {  	[smem:$0x3FAE] =	sst s6  }
0xf: {  	[smem:$0x3FAF] =	sst s7  }
0x10: {  	[smem:$0x3FB0] =	sst s8  }
0x11: {  	[smem:$0x3FB1] =	sst s9;
	s0 =	simm.s32 @!p0 $0x0  }
0x12: {  	s1 =	sld [smem:$0x3F97];
	s0 =	simm.s32 @p0 $0x1  }
0x13: {  	[smem:$0x3FB2] =	sst s0;
	s0 =	simm.s32 @!p1 $0x0  }
0x14: {  	s2 =	sld [smem:$0x3F96];
	s0 =	simm.s32 @p1 $0x1  }
0x15: {  	[smem:$0x3FB3] =	sst s0;
	s0 =	simm.s32 @!p2 $0x0  }
0x16: {  	s3 =	sld [smem:$0x3FDB];
	s0 =	simm.s32 @p2 $0x1  }
0x17: {  	s4 =	simm.s32 $0x1BF5;
	[smem:$0x3FB5] =	sst s0  }
0x18: {  	s0 =	sld [smem:$0x3F98];
	_ =	swait.ge [sflag:s4], $0x0  }
0x19: {  	s7 =	sld [smem:$0x3F99]  }
0x1a: {  	s8 =	sadd.s32 $0xFFFFE003, lr  }
0x1b: {  	s9 =	sadd.s32 $0xFFFFFEF7, lr;
	s5 =	simm.s32 $0xFFFFFFFF;
	p2 =	slt.u32 s8, $0xFFFFF086  }
0x1c: {  	p1 =	slt.u32 s9, $0xF7A;
	s5 =	simm.s32 @!p2 $0x0  }
0x1d: {  	s5 =	simm.s32 @p1 $0x1;
	p0 =	seq.s32 s7, s2  }
0x1e: {  	s7 =	smul.u32 @!p0 $0xF7A, s2;
	p2 =	seq.s32 @!p0 s5, $0x0  }
0x1f: {  	s9 =	smul.u32 $0xF7A, s1;
	s8 =	simm.s32 @!p0 $0x1BF5;
	p2 =	por !p2, p0  }
0x20: {  	[sflag:s8] =	ssyncset.s32 @!p0 $0xFFFFF086;
	s6 =	sadd.s32 @!p0 s3, s7;
	s7 =	simm.s32 @!p0 $0x108  }
0x21: {  	s3 =	sadd.s32 s3, s9;
	s6 =	sadd.s32 @!p0 $0x88, s6;
	s7 =	simm.s32 @p2 $0x1082  }
0x22: {  	[simem:s7], [sflag:s8] =	dma.local @!p0 [hbm:s6], $0xF7A  }
0x23: {  	s9 =	sor.u32 $0xD0000000, s2;
	s6 =	simm.s32 $0x108;
	_ =	swait.ge @!p0 [sflag:s8], $0x0  }
0x24: {  	s3 =	sadd.s32 $0x88, s3;
	s6 =	simm.s32 @!p1 $0x1082;
	[sflag:s4] =	ssyncset.s32 $0xFFFFF086  }
0x25: {  	[simem:s6], [sflag:s4] =	dma.local [hbm:s3], $0xF7A  }
0x26: {  	[smem:$0x3F99] =	sst s1;
	(tag) =	ssettag s2;
	_ =	strace s9  }
0x27: {  	s1 =	sld [smem:$0x3FA9]  }
0x28: {  	s2 =	sld [smem:$0x3FAA]  }
0x29: {  	s4 =	sld [smem:$0x3FAC]  }
0x2a: {  	p0 =	seq.s32 s5, $0x0;
	s5 =	sld [smem:$0x3FAD]  }
0x2b: {  	s6 =	sld [smem:$0x3FAE]  }
0x2c: {  	s7 =	sld [smem:$0x3FAF]  }
0x2d: {  	s3 =	simm.s32 $0x108;
	s8 =	sld [smem:$0x3FB0]  }
0x2e: {  	s3 =	simm.s32 @!p0 $0x1082;
	s9 =	sld [smem:$0x3FB1]  }
0x2f: {  	lr =	sadd.s32 s0, s3;
	s0 =	sld [smem:$0x3FA8]  }
0x30: {  	s3 =	sld [smem:$0x3FAB]  }
0x31: {  	[smem:$0x3FB4] =	sst s10  }
0x32: {  	s10 =	sld [smem:$0x3FB2];
	_ =	sdelay $0x3  }
0x33: {  	p0 =	seq.s32 s10, $0x1;
	s10 =	sld [smem:$0x3FB4];
	_ =	sdelay $0x3  }
0x34: {  	[smem:$0x3FB4] =	sst s10  }
0x35: {  	s10 =	sld [smem:$0x3FB3];
	_ =	sdelay $0x3  }
0x36: {  	p1 =	seq.s32 s10, $0x1;
	s10 =	sld [smem:$0x3FB4];
	_ =	sdelay $0x3  }
0x37: {  	[smem:$0x3FB4] =	sst s10  }
0x38: {  	s10 =	sld [smem:$0x3FB5]  }
0x39: {  	_ = 	snop;
	(pc) =	sbr.ind lr, $3  }
0x3a: {  	_ = 	snop  }
0x3b: {  	_ = 	snop  }
0x3c: {  	p2 =	seq.s32 s10, $0x1;
	s10 =	sld [smem:$0x3FB4]  }
0x3d: {  	_ =	shalt  }
0x3e: {  	_ =	shalt  }
0x3f: {  	_ =	shalt  }
0x40: {  	_ =	shalt  }
0x41: {  	_ =	shalt  }
0x42: {  	_ =	shalt  }
0x43: {  	_ =	shalt  }
0x44: {  	_ =	shalt  }
0x45: {  	_ =	shalt  }
0x46: {  	_ =	shalt  }
0x47: {  	_ =	shalt  }
0x48: {  	_ =	shalt  }
0x49: {  	_ =	shalt  }
0x4a: {  	_ =	shalt  }
0x4b: {  	_ =	shalt  }
0x4c: {  	_ =	shalt  }
0x4d: {  	_ =	shalt  }
0x4e: {  	_ =	shalt  }
0x4f: {  	_ =	shalt  }
0x50: {  	_ =	shalt  }
0x51: {  	_ =	shalt  }
0x52: {  	_ =	shalt  }
0x53: {  	_ =	shalt  }
0x54: {  	_ =	shalt  }
0x55: {  	_ =	shalt  }
0x56: {  	_ =	shalt  }
0x57: {  	_ =	shalt  }
0x58: {  	_ =	shalt  }
0x59: {  	_ =	shalt  }
0x5a: {  	_ =	shalt  }
0x5b: {  	_ =	shalt  }
0x5c: {  	_ =	shalt  }
0x5d: {  	_ =	shalt  }
0x5e: {  	_ =	shalt  }
0x5f: {  	_ =	shalt  }
0x60: {  	_ =	shalt  }
0x61: {  	_ =	shalt  }
0x62: {  	_ =	shalt  }
0x63: {  	_ =	shalt  }
0x64: {  	_ =	shalt  }
0x65: {  	_ =	shalt  }
0x66: {  	_ =	shalt  }
0x67: {  	_ =	shalt  }
0x68: {  	_ =	shalt  }
0x69: {  	_ =	shalt  }
0x6a: {  	_ =	shalt  }
0x6b: {  	_ =	shalt  }
0x6c: {  	_ =	shalt  }
0x6d: {  	_ =	shalt  }
0x6e: {  	_ =	shalt  }
0x6f: {  	_ =	shalt  }
0x70: {  	_ =	shalt  }
0x71: {  	_ =	shalt  }
0x72: {  	_ =	shalt  }
0x73: {  	_ =	shalt  }
0x74: {  	_ =	shalt  }
0x75: {  	_ =	shalt  }
0x76: {  	_ =	shalt  }
0x77: {  	_ =	shalt  }
0x78: {  	_ =	shalt  }
0x79: {  	_ =	shalt  }
0x7a: {  	_ =	shalt  }
0x7b: {  	_ =	shalt  }
0x7c: {  	_ =	shalt  }
0x7d: {  	_ =	shalt  }
0x7e: {  	_ =	shalt  }
0x7f: {  	_ =	shalt  }
0x80: {  	_ =	shalt  }
0x81: {  	_ =	shalt  }
0x82: {  	_ =	shalt  }
0x83: {  	_ =	shalt  }
0x84: {  	_ =	shalt  }
0x85: {  	_ =	shalt  }
0x86: {  	_ =	shalt  }
0x87: {  	_ =	shalt  }
.Lfunc_end0:
.L_simem_size_0:
called_computation.1_lowered:
.L_overlay_start_0:
0x88: {  	s2 =	sld [smem:$0x3FD9]  }
0x89: {  	s3 =	sld [smem:$0x3FFE];
	_ =	sdelay $0x1  }
0x8a: {  	s1 =	srdreg.scid  }
0x8b: {  	s0 =	sand.u32 $0x1, s1  }
0x8c: {  	s16 =	sshll.u32 s0, $0xA;
	s2 =	sadd.s32 s3, s2  }
0x8d: {  	s2 =	sadd.s32 s2, s16  }
0x8e: {  	[smem:$0x3FC0] =	sst s2  }
0x8f: {  	_ = 	snop  }
0x90: {  	(tm) =	ssettm $0x1  }
0x91: {  	s17 =	sld [smem:$0x3FFB];
	_ =	sdelay $0x3  }
0x92: {  	_ =	strace s17  }
0x93: {  	s2 =	sld [smem:$0x3FFC];
	_ =	sdelay $0x3  }
0x94: {  	_ =	strace s2  }
0x95: {  	s2 =	sld [smem:$0x3FFD];
	_ =	sdelay $0x3  }
0x96: {  	_ =	strace s2  }
0x97: {  	_ =	strace $0x8FFFFFFF  }
0x98: {  	s18 =	sld [smem:$0x3FDB];
	_ =	sdelay $0x1  }
0x99: {  	s19 =	simm.s32 $_scs_section_size  }
0x9a: {  	s4 =	simm.s32 $_size__tile_overlayer_lowered;
	s5 =	simm.s32 $_tile_overlayer_lowered  }
0x9b: {  	s22 =	simm.s32 $0x1BFF;
	s21 =	sshll.u32 s5, $0x1;
	s2 =	sadd.s32 s19, s18  }
0x9c: {  	s6 =	simm.s32 $0x0;
	s20 =	sshll.u32 s4, $0x1;
	s4 =	sadd.s32 s21, s2  }
0x9d: {  	[timem:s6], [sflag:s22] =	dma.local [hbm:s4], s20  }
0x9e: {  	_ =	swait.ge [sflag:s22], s20  }
0x9f: {  	s3 =	ssub.s32 $0x0, s20;
	[sflag:s22] =	ssyncset.done $0x0  }
0xa0: {  	[sflag:s22] =	ssyncadd.s32 s3;
	_ =	sdelay $0x1  }
0xa1: {  	s23 =	simm.s32 $0x1B8B  }
0xa2: {  	_ =	swait.ge [sflag:s23], $0x1  }
0xa3: {  	[sflag:s23] =	ssyncset.done $0x0  }
0xa4: {  	s25 =	simm.s32 $0x1B8E;
	s24 =	sld [smem:$0x3FFE];
	[sflag:s23] =	ssyncadd.s32 $0xFFFFFFFF  }
0xa5: {  	s26 =	simm.s32 $execute0_lowered;
	[smem:$0x3FD2] =	sst s25  }
0xa6: {  	s4 =	sshll.u32 s26, $0x1;
	_ =	strace $0x80000049;
	[dreg:$0x1] =	wrdreg $0xFFFFFFFF  }
0xa7: {  	s28 =	simm.s32 $_size_execute0_lowered;
	s2 =	sadd.s32 s2, s4;
	[dreg:$0x0] =	wrdreg $0x0  }
0xa8: {  	s4 =	sshll.u32 s28, $0x1;
	[dreg:$0x2] =	wrdreg s2  }
0xa9: {  	[dreg:$0x3] =	wrdreg s4  }
0xaa: {  	[dreg:$0x4] =	wrdreg $0xC0  }
0xab: {  	_ =	task [dreg:s6], $0x5FFFF  }
0xac: {  	[dreg:$0x1] =	wrdreg $0xFFFFFFFF  }
0xad: {  	[dreg:$0x0] =	wrdreg $0x60  }
0xae: {  	[dreg:$0x2] =	wrdreg s24  }
0xaf: {  	[dreg:$0x3] =	wrdreg $0x90000  }
0xb0: {  	[dreg:$0x4] =	wrdreg $0x9  }
0xb1: {  	_ =	task.clear_ibuf [dreg:s6], $0x5FFFF;
	_ =	strace $0x90000049  }
0xb2: {  	s29 =	simm.s32 $0x9;
	_ =	strace $0x8000004B  }
0xb3: {  	_ =	swait.ge [sflag:s29], $0x1  }
0xb4: {  	[sflag:s29] =	ssyncadd.s32 $0xFFFFFFFF  }
0xb5: {  	_ =	strace $0x9000004B  }
0xb6: {  	_ =	sfence  }
0xb7: {  	s30 =	sld [smem:$0x0];
	_ =	sdelay $0x2  }
0xb8: {  	s31 =	sshll.u32 s1, $0xD;
	s1 =	sshrl.u32 s1, $0x2  }
0xb9: {  	s3 =	sand.u32 $0x4000, s31;
	s1 =	sadd.s32 s1, s30  }
0xba: {  	s0 =	sor.u32 s3, s0;
	s1 =	sshll.u32 s1, $0x11  }
0xbb: {  	s0 =	sor.u32 s1, s0  }
0xbc: {  	s0 =	sadd.s32 $0x8F2B, s0  }
0xbd: {  	[sflag:s0] =	ssyncadd.remote.s32 $0x1  }
0xbe: {  	_ =	sfence.sel $0xFFFF  }
0xbf: {  	[dreg:$0x0] =	wrdreg $0xFFFFFFFF;
	(pc) =	sbr.abs _section_cstart, $3  }
0xc0: {  	[dreg:$0x1] =	wrdreg $0xFFFFFFFF  }
0xc1: {  	_ =	task.clear_ibuf [dreg:s6], $0x2FFFF;
	_ =	strace $0x9FFFFFFF  }
0xc2: {  	(tm) =	ssettm $0x7FFFFFFF  }
0xc3: {  	_ =	shalt  }
tec
execute0_lowered:
.L_overlay_start_1:
0x0: {  	(tag) =	ssettag $0x1  }
0x1: {  	s0 =	rddreg [dreg:$0x0];
	s1 =	srdreg.scid  }
0x2: {  	s10 =	stileid.u32;
	s2 =	rddreg [dreg:$0x1]  }
0x3: {  	s3 =	simm.s32 $0x0;
	s12 =	simm.s32 $0x880;
	s14 =	simm.s32 $0x100  }
0x4: {  	s15 =	simm.s32 $0x180;
	s16 =	simm.s32 $0x900;
	s17 =	simm.s32 $0x980  }
0x5: {  	s18 =	simm.s32 $0x200;
	[smem:$0x7FF] =	sst s3;
	s9 =	sadd.s32 $0xC600, s0  }
0x6: {  	s19 =	simm.s32 $0x280;
	_ =	strace $0x8000004A;
	[dreg:$0x13] =	wrdreg s9  }
0x7: {  	s20 =	simm.s32 $0xA00;
	s21 =	simm.s32 $0xA80;
	[dreg:$0x5] =	wrdreg s12  }
0x8: {  	s22 =	simm.s32 $0x300;
	s23 =	simm.s32 $0x380;
	[dreg:$0x6] =	wrdreg s14  }
0x9: {  	s28 =	simm.s32 $0x680;
	s29 =	simm.s32 $0xE00;
	[dreg:$0x7] =	wrdreg s15  }
0xa: {  	s30 =	simm.s32 $0xE80;
	s4 =	smul.u32 $0x5000, s10;
	[dreg:$0x8] =	wrdreg s16  }
0xb: {  	s31 =	simm.s32 $0x700;
	s8 =	smul.u32 $0x13C00, s10;
	[dreg:$0x9] =	wrdreg s17  }
0xc: {  	s1 =	sand.u32 $0x1, s1;
	s26 =	smul.u32 $0x4F000, s10;
	[dreg:$0xa] =	wrdreg s18  }
0xd: {  	s13 =	sshll.u32 s10, $0x6;
	s5 =	smul.u32 $0x52800, s1;
	[dreg:$0xb] =	wrdreg s19  }
0xe: {  	s10 =	simm.s32 $0x5;
	s6 =	smul.u32 $0x2800, s1;
	[dreg:$0xc] =	wrdreg s20  }
0xf: {  	s24 =	smul.u32 $0x13C000, s1;
	s1 =	ssub.s32 $0x2, s1;
	[dreg:$0xd] =	wrdreg s21  }
0x10: {  	s12 =	simm.s32 $0x80;
	s14 =	simm.s32 $0x5000;
	[dreg:$0xe] =	wrdreg s22  }
0x11: {  	s15 =	simm.s32 $0x1;
	[dreg:$0xf] =	wrdreg s23;
	s16 =	simm.s32 $0x2  }
0x12: {  	s17 =	simm.s32 $0x3;
	s18 =	simm.s32 $0x4;
	s19 =	simm.s32 $0x480  }
0x13: {  	s20 =	simm.s32 $0xC00;
	s21 =	simm.s32 $0xC80;
	s22 =	simm.s32 $0x500  }
0x14: {  	s23 =	simm.s32 $0x580;
	s25 =	sshrl.u32 s1, $0x1;
	s9 =	sshrl.u32 s26, $0x2  }
0x15: {  	s26 =	simm.s32 $0x400;
	s5 =	sadd.s32 s4, s5;
	s4 =	sadd.s32 s6, s4  }
0x16: {  	s6 =	sadd.s32 s8, s24;
	s1 =	ssub.s32 s1, s25;
	s24 =	simm.s32 $0xB00  }
0x17: {  	s25 =	simm.s32 $0xB80;
	[dreg:$0x12] =	wrdreg s26;
	s26 =	simm.s32 $0x600  }
0x18: {  	s5 =	sshrl.u32 s5, $0x3;
	s7 =	sshrl.u32 s4, $0x3;
	s4 =	sadd.s32 $0xEE00, s0  }
0x19: {  	s6 =	sshrl.u32 s6, $0x3;
	s1 =	smax.u32 s1, $0x1;
	[dreg:$0x10] =	wrdreg s24  }
0x1a: {  	[dreg:$0x11] =	wrdreg s25;
	s24 =	simm.s32 $0xD00;
	s25 =	simm.s32 $0xD80  }
0x1b: {  	s5 =	sadd.s32 s5, s0;
	s7 =	sadd.s32 s7, s0;
	s0 =	sadd.s32 s6, s0  }
0x1c: {  	s6 =	sadd.s32 s9, s2;
	[dreg:$0x16] =	wrdreg s1;
	s5 =	sadd.s32 $0x5DE00, s5  }
0x1d: {  	s1 =	simm.s32 $0x780;
	s11 =	sadd.s32 $0x1E00, s7;
	[dreg:$0x3] =	wrdreg s5  }
0x1e: {  	s9 =	simm.s32 $0x0;
	s0 =	sadd.s32 $0xC0000, s0;
	[dreg:$0x4] =	wrdreg s11  }
0x1f: {  	s7 =	sor.u32 $0x1C05, s13;
	s8 =	sshrl.u32 s6, $0x3;
	[dreg:$0x15] =	wrdreg s0  }
0x20: {  	s13 =	simm.s32 $0x1000;
	s11 =	simm.s32 $0x800;
	[dreg:$0x14] =	wrdreg s7  }
0x21: {  	s0 =	simm.s32 $0xF00;
	s5 =	simm.s32 $0xF80;
	[dreg:$0x17] =	wrdreg s8  }
.LBB2_1:
0x22: {  	[dreg:$0x18] =	wrdreg s9  }
0x23: {  	s6 =	rddreg [dreg:$0x13]  }
0x24: {  	[spmem:s8], [sflag:s7] =	dma.local [hbm:s6], $0x2780  }
0x25: {  	_ =	swait.ge [sflag:s10], $0x2780  }
0x26: {  	[sflag:s10] =	ssyncset.done $0x0  }
0x27: {  	[sflag:s10] =	ssyncadd.s32 $0xFFFFD880  }
0x28: {  	[bflag:$0x0] =	sbarrier.arrive $0xFFFF  }
0x29: {  	s9 =	rddreg [dreg:$0x3]  }
0x2a: {  	s6 =	sadd.s32 $0x0, s9  }
0x2b: {  	[tilespmem:s3], [sflag:$0x5] =	stream.linear.gather [hbm4b:s6+s3], $0x800, $0x38;
	[tilespmem:$0x1CC00] =	vst v63  }
0x2c: {  	_ =	swait.ge [sflag:s10], $0x800  }
0x2d: {  	s7 =	rddreg [dreg:$0x4];
	[sflag:s10] =	ssyncset.done $0x0  }
0x2e: {  	[sflag:s10] =	ssyncadd.s32 $0xFFFFF800;
	s6 =	sadd.s32 $0x0, s7  }
0x2f: {  	[tilespmem:s11], [sflag:$0x5] =	stream.linear.gather [hbm4b:s6+s3], $0x800, $0x38;
	[tilespmem:$0x1CC00] =	vst v63  }
0x30: {  	_ =	swait.ge [sflag:s10], $0x800  }
0x31: {  	[sflag:s10] =	ssyncset.done $0x0  }
0x32: {  	[sflag:s10] =	ssyncadd.s32 $0xFFFFF800  }
0x33: {  	[tilespmem:s13], [sflag:$0x1] =	stream.indirect.gather [hbm4b:s4+s12], $0x80, s3, s12, $0xb8;
	[tilespmem:$0x1CC00] =	vst v63  }
0x34: {  	_ = 	snop  }
0x35: {  	[tilespmem:s14], [sflag:$0x2] =	stream.indirect.gather [hbm4b:s4+s12], $0x80, s12, s12, $0xb8;
	[tilespmem:$0x1CC00] =	vst v63  }
0x36: {  	_ =	swait.ge [sflag:s15], $0x4000  }
0x37: {  	[sflag:s15] =	ssyncset.done $0x0  }
0x38: {  	[sflag:s15] =	ssyncadd.s32 $0xFFFFC000  }
0x39: {  	[spmem:s2] =	stream.indirect.scatter.add.f32 [tilespmem:s13], [sflag:$0x3], $0x80, s11, s12, $0xb8;
	[tilespmem:$0x1CC00] =	vst v63  }
0x3a: {  	_ =	swait.ge [sflag:s16], $0x4000  }
0x3b: {  	[sflag:s16] =	ssyncset.done $0x0  }
0x3c: {  	s8 =	rddreg [dreg:$0x5];
	[sflag:s16] =	ssyncadd.s32 $0xFFFFC000  }
0x3d: {  	[spmem:s2] =	stream.indirect.scatter.add.f32 [tilespmem:s14], [sflag:$0x4], $0x80, s8, s12, $0xb8;
	[tilespmem:$0x1CC00] =	vst v63  }
0x3e: {  	_ =	swait.ge [sflag:s17], $0x4000  }
0x3f: {  	[sflag:s17] =	ssyncset.done $0x0  }
0x40: {  	s9 =	rddreg [dreg:$0x6];
	[sflag:s17] =	ssyncadd.s32 $0xFFFFC000  }
0x41: {  	[tilespmem:s13], [sflag:$0x1] =	stream.indirect.gather [hbm4b:s4+s12], $0x80, s9, s12, $0xb8;
	[tilespmem:$0x1CC00] =	vst v63  }
0x42: {  	_ =	swait.ge [sflag:s18], $0x4000  }
0x43: {  	[sflag:s18] =	ssyncset.done $0x0  }
0x44: {  	s7 =	rddreg [dreg:$0x7];
	[sflag:s18] =	ssyncadd.s32 $0xFFFFC000  }
0x45: {  	[tilespmem:s14], [sflag:$0x2] =	stream.indirect.gather [hbm4b:s4+s12], $0x80, s7, s12, $0xb8;
	[tilespmem:$0x1CC00] =	vst v63  }
0x46: {  	_ =	swait.ge [sflag:s15], $0x4000  }
0x47: {  	[sflag:s15] =	ssyncset.done $0x0  }
0x48: {  	s8 =	rddreg [dreg:$0x8];
	[sflag:s15] =	ssyncadd.s32 $0xFFFFC000  }
0x49: {  	[spmem:s2] =	stream.indirect.scatter.add.f32 [tilespmem:s13], [sflag:$0x3], $0x80, s8, s12, $0xb8;
	[tilespmem:$0x1CC00] =	vst v63  }
0x4a: {  	_ =	swait.ge [sflag:s16], $0x4000  }
0x4b: {  	[sflag:s16] =	ssyncset.done $0x0  }
0x4c: {  	s9 =	rddreg [dreg:$0x9];
	[sflag:s16] =	ssyncadd.s32 $0xFFFFC000  }
0x4d: {  	[spmem:s2] =	stream.indirect.scatter.add.f32 [tilespmem:s14], [sflag:$0x4], $0x80, s9, s12, $0xb8;
	[tilespmem:$0x1CC00] =	vst v63  }
0x4e: {  	_ =	swait.ge [sflag:s17], $0x4000  }
0x4f: {  	[sflag:s17] =	ssyncset.done $0x0  }
0x50: {  	s7 =	rddreg [dreg:$0xa];
	[sflag:s17] =	ssyncadd.s32 $0xFFFFC000  }
0x51: {  	[tilespmem:s13], [sflag:$0x1] =	stream.indirect.gather [hbm4b:s4+s12], $0x80, s7, s12, $0xb8;
	[tilespmem:$0x1CC00] =	vst v63  }
0x52: {  	_ =	swait.ge [sflag:s18], $0x4000  }
0x53: {  	[sflag:s18] =	ssyncset.done $0x0  }
0x54: {  	s8 =	rddreg [dreg:$0xb];
	[sflag:s18] =	ssyncadd.s32 $0xFFFFC000  }
0x55: {  	[tilespmem:s14], [sflag:$0x2] =	stream.indirect.gather [hbm4b:s4+s12], $0x80, s8, s12, $0xb8;
	[tilespmem:$0x1CC00] =	vst v63  }
0x56: {  	_ =	swait.ge [sflag:s15], $0x4000  }
0x57: {  	[sflag:s15] =	ssyncset.done $0x0  }
0x58: {  	s9 =	rddreg [dreg:$0xc];
	[sflag:s15] =	ssyncadd.s32 $0xFFFFC000  }
0x59: {  	[spmem:s2] =	stream.indirect.scatter.add.f32 [tilespmem:s13], [sflag:$0x3], $0x80, s9, s12, $0xb8;
	[tilespmem:$0x1CC00] =	vst v63  }
0x5a: {  	_ =	swait.ge [sflag:s16], $0x4000  }
0x5b: {  	[sflag:s16] =	ssyncset.done $0x0  }
0x5c: {  	s7 =	rddreg [dreg:$0xd];
	[sflag:s16] =	ssyncadd.s32 $0xFFFFC000  }
0x5d: {  	[spmem:s2] =	stream.indirect.scatter.add.f32 [tilespmem:s14], [sflag:$0x4], $0x80, s7, s12, $0xb8;
	[tilespmem:$0x1CC00] =	vst v63  }
0x5e: {  	_ =	swait.ge [sflag:s17], $0x4000  }
0x5f: {  	[sflag:s17] =	ssyncset.done $0x0  }
0x60: {  	s8 =	rddreg [dreg:$0xe];
	[sflag:s17] =	ssyncadd.s32 $0xFFFFC000  }
0x61: {  	[tilespmem:s13], [sflag:$0x1] =	stream.indirect.gather [hbm4b:s4+s12], $0x80, s8, s12, $0xb8;
	[tilespmem:$0x1CC00] =	vst v63  }
0x62: {  	_ =	swait.ge [sflag:s18], $0x4000  }
0x63: {  	[sflag:s18] =	ssyncset.done $0x0  }
0x64: {  	s9 =	rddreg [dreg:$0xf];
	[sflag:s18] =	ssyncadd.s32 $0xFFFFC000  }
0x65: {  	[tilespmem:s14], [sflag:$0x2] =	stream.indirect.gather [hbm4b:s4+s12], $0x80, s9, s12, $0xb8;
	[tilespmem:$0x1CC00] =	vst v63  }
0x66: {  	_ =	swait.ge [sflag:s15], $0x4000  }
0x67: {  	[sflag:s15] =	ssyncset.done $0x0  }
0x68: {  	s7 =	rddreg [dreg:$0x10];
	[sflag:s15] =	ssyncadd.s32 $0xFFFFC000  }
0x69: {  	[spmem:s2] =	stream.indirect.scatter.add.f32 [tilespmem:s13], [sflag:$0x3], $0x80, s7, s12, $0xb8;
	[tilespmem:$0x1CC00] =	vst v63  }
0x6a: {  	_ =	swait.ge [sflag:s16], $0x4000  }
0x6b: {  	[sflag:s16] =	ssyncset.done $0x0  }
0x6c: {  	s8 =	rddreg [dreg:$0x11];
	[sflag:s16] =	ssyncadd.s32 $0xFFFFC000  }
0x6d: {  	[spmem:s2] =	stream.indirect.scatter.add.f32 [tilespmem:s14], [sflag:$0x4], $0x80, s8, s12, $0xb8;
	[tilespmem:$0x1CC00] =	vst v63  }
0x6e: {  	_ =	swait.ge [sflag:s17], $0x4000  }
0x6f: {  	[sflag:s17] =	ssyncset.done $0x0  }
0x70: {  	s9 =	rddreg [dreg:$0x12];
	[sflag:s17] =	ssyncadd.s32 $0xFFFFC000  }
0x71: {  	[tilespmem:s13], [sflag:$0x1] =	stream.indirect.gather [hbm4b:s4+s12], $0x80, s9, s12, $0xb8;
	[tilespmem:$0x1CC00] =	vst v63  }
0x72: {  	_ =	swait.ge [sflag:s18], $0x4000  }
0x73: {  	[sflag:s18] =	ssyncset.done $0x0  }
0x74: {  	[sflag:s18] =	ssyncadd.s32 $0xFFFFC000  }
0x75: {  	[tilespmem:s14], [sflag:$0x2] =	stream.indirect.gather [hbm4b:s4+s12], $0x80, s19, s12, $0xb8;
	[tilespmem:$0x1CC00] =	vst v63  }
0x76: {  	_ =	swait.ge [sflag:s15], $0x4000  }
0x77: {  	[sflag:s15] =	ssyncset.done $0x0  }
0x78: {  	[sflag:s15] =	ssyncadd.s32 $0xFFFFC000  }
0x79: {  	[spmem:s2] =	stream.indirect.scatter.add.f32 [tilespmem:s13], [sflag:$0x3], $0x80, s20, s12, $0xb8;
	[tilespmem:$0x1CC00] =	vst v63  }
0x7a: {  	_ =	swait.ge [sflag:s16], $0x4000  }
0x7b: {  	[sflag:s16] =	ssyncset.done $0x0  }
0x7c: {  	[sflag:s16] =	ssyncadd.s32 $0xFFFFC000  }
0x7d: {  	[spmem:s2] =	stream.indirect.scatter.add.f32 [tilespmem:s14], [sflag:$0x4], $0x80, s21, s12, $0xb8;
	[tilespmem:$0x1CC00] =	vst v63  }
0x7e: {  	_ =	swait.ge [sflag:s17], $0x4000  }
0x7f: {  	[sflag:s17] =	ssyncset.done $0x0  }
0x80: {  	[sflag:s17] =	ssyncadd.s32 $0xFFFFC000  }
0x81: {  	[tilespmem:s13], [sflag:$0x1] =	stream.indirect.gather [hbm4b:s4+s12], $0x80, s22, s12, $0xb8;
	[tilespmem:$0x1CC00] =	vst v63  }
0x82: {  	_ =	swait.ge [sflag:s18], $0x4000  }
0x83: {  	[sflag:s18] =	ssyncset.done $0x0  }
0x84: {  	[sflag:s18] =	ssyncadd.s32 $0xFFFFC000  }
0x85: {  	[tilespmem:s14], [sflag:$0x2] =	stream.indirect.gather [hbm4b:s4+s12], $0x80, s23, s12, $0xb8;
	[tilespmem:$0x1CC00] =	vst v63  }
0x86: {  	_ =	swait.ge [sflag:s15], $0x4000  }
0x87: {  	[sflag:s15] =	ssyncset.done $0x0  }
0x88: {  	[sflag:s15] =	ssyncadd.s32 $0xFFFFC000  }
0x89: {  	[spmem:s2] =	stream.indirect.scatter.add.f32 [tilespmem:s13], [sflag:$0x3], $0x80, s24, s12, $0xb8;
	[tilespmem:$0x1CC00] =	vst v63  }
0x8a: {  	_ =	swait.ge [sflag:s16], $0x4000  }
0x8b: {  	[sflag:s16] =	ssyncset.done $0x0  }
0x8c: {  	[sflag:s16] =	ssyncadd.s32 $0xFFFFC000  }
0x8d: {  	[spmem:s2] =	stream.indirect.scatter.add.f32 [tilespmem:s14], [sflag:$0x4], $0x80, s25, s12, $0xb8;
	[tilespmem:$0x1CC00] =	vst v63  }
0x8e: {  	_ =	swait.ge [sflag:s17], $0x4000  }
0x8f: {  	[sflag:s17] =	ssyncset.done $0x0  }
0x90: {  	[sflag:s17] =	ssyncadd.s32 $0xFFFFC000  }
0x91: {  	[tilespmem:s13], [sflag:$0x1] =	stream.indirect.gather [hbm4b:s4+s12], $0x80, s26, s12, $0xb8;
	[tilespmem:$0x1CC00] =	vst v63  }
0x92: {  	_ =	swait.ge [sflag:s18], $0x4000  }
0x93: {  	[sflag:s18] =	ssyncset.done $0x0  }
0x94: {  	[sflag:s18] =	ssyncadd.s32 $0xFFFFC000  }
0x95: {  	[tilespmem:s14], [sflag:$0x2] =	stream.indirect.gather [hbm4b:s4+s12], $0x80, s28, s12, $0xb8;
	[tilespmem:$0x1CC00] =	vst v63  }
0x96: {  	_ =	swait.ge [sflag:s15], $0x4000  }
0x97: {  	[sflag:s15] =	ssyncset.done $0x0  }
0x98: {  	[sflag:s15] =	ssyncadd.s32 $0xFFFFC000  }
0x99: {  	[spmem:s2] =	stream.indirect.scatter.add.f32 [tilespmem:s13], [sflag:$0x3], $0x80, s29, s12, $0xb8;
	[tilespmem:$0x1CC00] =	vst v63  }
0x9a: {  	_ =	swait.ge [sflag:s16], $0x4000  }
0x9b: {  	[sflag:s16] =	ssyncset.done $0x0  }
0x9c: {  	[sflag:s16] =	ssyncadd.s32 $0xFFFFC000  }
0x9d: {  	[spmem:s2] =	stream.indirect.scatter.add.f32 [tilespmem:s14], [sflag:$0x4], $0x80, s30, s12, $0xb8;
	[tilespmem:$0x1CC00] =	vst v63  }
0x9e: {  	_ =	swait.ge [sflag:s17], $0x4000  }
0x9f: {  	[sflag:s17] =	ssyncset.done $0x0  }
0xa0: {  	[sflag:s17] =	ssyncadd.s32 $0xFFFFC000  }
0xa1: {  	[tilespmem:s13], [sflag:$0x1] =	stream.indirect.gather [hbm4b:s4+s12], $0x80, s31, s12, $0xb8;
	[tilespmem:$0x1CC00] =	vst v63  }
0xa2: {  	_ =	swait.ge [sflag:s18], $0x4000  }
0xa3: {  	[sflag:s18] =	ssyncset.done $0x0  }
0xa4: {  	[sflag:s18] =	ssyncadd.s32 $0xFFFFC000  }
0xa5: {  	[tilespmem:s14], [sflag:$0x2] =	stream.indirect.gather [hbm4b:s4+s12], $0x80, s1, s12, $0xb8;
	[tilespmem:$0x1CC00] =	vst v63  }
0xa6: {  	_ =	swait.ge [sflag:s15], $0x4000  }
0xa7: {  	[sflag:s15] =	ssyncset.done $0x0  }
0xa8: {  	[sflag:s15] =	ssyncadd.s32 $0xFFFFC000  }
0xa9: {  	[spmem:s2] =	stream.indirect.scatter.add.f32 [tilespmem:s13], [sflag:$0x3], $0x80, s0, s12, $0xb8;
	[tilespmem:$0x1CC00] =	vst v63  }
0xaa: {  	_ =	swait.ge [sflag:s16], $0x4000  }
0xab: {  	[sflag:s16] =	ssyncset.done $0x0  }
0xac: {  	[sflag:s16] =	ssyncadd.s32 $0xFFFFC000  }
0xad: {  	[spmem:s2] =	stream.indirect.scatter.add.f32 [tilespmem:s14], [sflag:$0x4], $0x80, s5, s12, $0xb8;
	[tilespmem:$0x1CC00] =	vst v63  }
0xae: {  	_ =	swait.ge [sflag:s17], $0x4000  }
0xaf: {  	[sflag:s17] =	ssyncset.done $0x0  }
0xb0: {  	[sflag:s17] =	ssyncadd.s32 $0xFFFFC000  }
0xb1: {  	s6 =	simm.s32 $0x200;
	_ =	swait.ge [sflag:s18], $0x4000  }
0xb2: {  	s8 =	simm.s32 $0x100;
	s9 =	rddreg [dreg:$0x3];
	[sflag:s18] =	ssyncset.done $0x0  }
.LBB2_2:
0xb3: {  	[sflag:s18] =	ssyncadd.s32 $0xFFFFC000;
	s9 =	sadd.s32 s8, s9  }
0xb4: {  	[tilespmem:s3], [sflag:$0x5] =	stream.linear.gather [hbm4b:s9+s3], $0x800, $0x38;
	[tilespmem:$0x1CC00] =	vst v63  }
0xb5: {  	_ =	swait.ge [sflag:s10], $0x800  }
0xb6: {  	s9 =	rddreg [dreg:$0x4];
	[sflag:s10] =	ssyncset.done $0x0  }
0xb7: {  	[sflag:s10] =	ssyncadd.s32 $0xFFFFF800;
	s9 =	sadd.s32 s8, s9  }
0xb8: {  	[tilespmem:s11], [sflag:$0x5] =	stream.linear.gather [hbm4b:s9+s3], $0x800, $0x38;
	[tilespmem:$0x1CC00] =	vst v63  }
0xb9: {  	_ =	swait.ge [sflag:s10], $0x800  }
0xba: {  	[sflag:s10] =	ssyncset.done $0x0  }
0xbb: {  	[sflag:s10] =	ssyncadd.s32 $0xFFFFF800  }
0xbc: {  	[tilespmem:s13], [sflag:$0x1] =	stream.indirect.gather [hbm4b:s4+s12], $0x80, s3, s12, $0xb8;
	[tilespmem:$0x1CC00] =	vst v63  }
0xbd: {  	_ = 	snop  }
0xbe: {  	[tilespmem:s14], [sflag:$0x2] =	stream.indirect.gather [hbm4b:s4+s12], $0x80, s12, s12, $0xb8;
	[tilespmem:$0x1CC00] =	vst v63  }
0xbf: {  	_ =	swait.ge [sflag:s15], $0x4000  }
0xc0: {  	[sflag:s15] =	ssyncset.done $0x0  }
0xc1: {  	[sflag:s15] =	ssyncadd.s32 $0xFFFFC000  }
0xc2: {  	[spmem:s2] =	stream.indirect.scatter.add.f32 [tilespmem:s13], [sflag:$0x3], $0x80, s11, s12, $0xb8;
	[tilespmem:$0x1CC00] =	vst v63  }
0xc3: {  	_ =	swait.ge [sflag:s16], $0x4000  }
0xc4: {  	[sflag:s16] =	ssyncset.done $0x0  }
0xc5: {  	s9 =	rddreg [dreg:$0x5];
	[sflag:s16] =	ssyncadd.s32 $0xFFFFC000  }
0xc6: {  	[spmem:s2] =	stream.indirect.scatter.add.f32 [tilespmem:s14], [sflag:$0x4], $0x80, s9, s12, $0xb8;
	[tilespmem:$0x1CC00] =	vst v63  }
0xc7: {  	_ =	swait.ge [sflag:s17], $0x4000  }
0xc8: {  	[sflag:s17] =	ssyncset.done $0x0  }
0xc9: {  	s9 =	rddreg [dreg:$0x6];
	[sflag:s17] =	ssyncadd.s32 $0xFFFFC000  }
0xca: {  	[tilespmem:s13], [sflag:$0x1] =	stream.indirect.gather [hbm4b:s4+s12], $0x80, s9, s12, $0xb8;
	[tilespmem:$0x1CC00] =	vst v63  }
0xcb: {  	_ =	swait.ge [sflag:s18], $0x4000  }
0xcc: {  	[sflag:s18] =	ssyncset.done $0x0  }
0xcd: {  	s9 =	rddreg [dreg:$0x7];
	[sflag:s18] =	ssyncadd.s32 $0xFFFFC000  }
0xce: {  	[tilespmem:s14], [sflag:$0x2] =	stream.indirect.gather [hbm4b:s4+s12], $0x80, s9, s12, $0xb8;
	[tilespmem:$0x1CC00] =	vst v63  }
0xcf: {  	_ =	swait.ge [sflag:s15], $0x4000  }
0xd0: {  	[sflag:s15] =	ssyncset.done $0x0  }
0xd1: {  	s9 =	rddreg [dreg:$0x8];
	[sflag:s15] =	ssyncadd.s32 $0xFFFFC000  }
0xd2: {  	[spmem:s2] =	stream.indirect.scatter.add.f32 [tilespmem:s13], [sflag:$0x3], $0x80, s9, s12, $0xb8;
	[tilespmem:$0x1CC00] =	vst v63  }
0xd3: {  	_ =	swait.ge [sflag:s16], $0x4000  }
0xd4: {  	[sflag:s16] =	ssyncset.done $0x0  }
0xd5: {  	s9 =	rddreg [dreg:$0x9];
	[sflag:s16] =	ssyncadd.s32 $0xFFFFC000  }
0xd6: {  	[spmem:s2] =	stream.indirect.scatter.add.f32 [tilespmem:s14], [sflag:$0x4], $0x80, s9, s12, $0xb8;
	[tilespmem:$0x1CC00] =	vst v63  }
0xd7: {  	_ =	swait.ge [sflag:s17], $0x4000  }
0xd8: {  	[sflag:s17] =	ssyncset.done $0x0  }
0xd9: {  	s9 =	rddreg [dreg:$0xa];
	[sflag:s17] =	ssyncadd.s32 $0xFFFFC000  }
0xda: {  	[tilespmem:s13], [sflag:$0x1] =	stream.indirect.gather [hbm4b:s4+s12], $0x80, s9, s12, $0xb8;
	[tilespmem:$0x1CC00] =	vst v63  }
0xdb: {  	_ =	swait.ge [sflag:s18], $0x4000  }
0xdc: {  	[sflag:s18] =	ssyncset.done $0x0  }
0xdd: {  	s9 =	rddreg [dreg:$0xb];
	[sflag:s18] =	ssyncadd.s32 $0xFFFFC000  }
0xde: {  	[tilespmem:s14], [sflag:$0x2] =	stream.indirect.gather [hbm4b:s4+s12], $0x80, s9, s12, $0xb8;
	[tilespmem:$0x1CC00] =	vst v63  }
0xdf: {  	_ =	swait.ge [sflag:s15], $0x4000  }
0xe0: {  	[sflag:s15] =	ssyncset.done $0x0  }
0xe1: {  	s9 =	rddreg [dreg:$0xc];
	[sflag:s15] =	ssyncadd.s32 $0xFFFFC000  }
0xe2: {  	[spmem:s2] =	stream.indirect.scatter.add.f32 [tilespmem:s13], [sflag:$0x3], $0x80, s9, s12, $0xb8;
	[tilespmem:$0x1CC00] =	vst v63  }
0xe3: {  	_ =	swait.ge [sflag:s16], $0x4000  }
0xe4: {  	[sflag:s16] =	ssyncset.done $0x0  }
0xe5: {  	s9 =	rddreg [dreg:$0xd];
	[sflag:s16] =	ssyncadd.s32 $0xFFFFC000  }
0xe6: {  	[spmem:s2] =	stream.indirect.scatter.add.f32 [tilespmem:s14], [sflag:$0x4], $0x80, s9, s12, $0xb8;
	[tilespmem:$0x1CC00] =	vst v63  }
0xe7: {  	_ =	swait.ge [sflag:s17], $0x4000  }
0xe8: {  	[sflag:s17] =	ssyncset.done $0x0  }
0xe9: {  	s9 =	rddreg [dreg:$0xe];
	[sflag:s17] =	ssyncadd.s32 $0xFFFFC000  }
0xea: {  	[tilespmem:s13], [sflag:$0x1] =	stream.indirect.gather [hbm4b:s4+s12], $0x80, s9, s12, $0xb8;
	[tilespmem:$0x1CC00] =	vst v63  }
0xeb: {  	_ =	swait.ge [sflag:s18], $0x4000  }
0xec: {  	[sflag:s18] =	ssyncset.done $0x0  }
0xed: {  	s9 =	rddreg [dreg:$0xf];
	[sflag:s18] =	ssyncadd.s32 $0xFFFFC000  }
0xee: {  	[tilespmem:s14], [sflag:$0x2] =	stream.indirect.gather [hbm4b:s4+s12], $0x80, s9, s12, $0xb8;
	[tilespmem:$0x1CC00] =	vst v63  }
0xef: {  	_ =	swait.ge [sflag:s15], $0x4000  }
0xf0: {  	[sflag:s15] =	ssyncset.done $0x0  }
0xf1: {  	s9 =	rddreg [dreg:$0x10];
	[sflag:s15] =	ssyncadd.s32 $0xFFFFC000  }
0xf2: {  	[spmem:s2] =	stream.indirect.scatter.add.f32 [tilespmem:s13], [sflag:$0x3], $0x80, s9, s12, $0xb8;
	[tilespmem:$0x1CC00] =	vst v63  }
0xf3: {  	_ =	swait.ge [sflag:s16], $0x4000  }
0xf4: {  	[sflag:s16] =	ssyncset.done $0x0  }
0xf5: {  	s9 =	rddreg [dreg:$0x11];
	[sflag:s16] =	ssyncadd.s32 $0xFFFFC000  }
0xf6: {  	[spmem:s2] =	stream.indirect.scatter.add.f32 [tilespmem:s14], [sflag:$0x4], $0x80, s9, s12, $0xb8;
	[tilespmem:$0x1CC00] =	vst v63  }
0xf7: {  	_ =	swait.ge [sflag:s17], $0x4000  }
0xf8: {  	[sflag:s17] =	ssyncset.done $0x0  }
0xf9: {  	s9 =	rddreg [dreg:$0x12];
	[sflag:s17] =	ssyncadd.s32 $0xFFFFC000  }
0xfa: {  	[tilespmem:s13], [sflag:$0x1] =	stream.indirect.gather [hbm4b:s4+s12], $0x80, s9, s12, $0xb8;
	[tilespmem:$0x1CC00] =	vst v63  }
0xfb: {  	_ =	swait.ge [sflag:s18], $0x4000  }
0xfc: {  	[sflag:s18] =	ssyncset.done $0x0  }
0xfd: {  	[sflag:s18] =	ssyncadd.s32 $0xFFFFC000  }
0xfe: {  	[tilespmem:s14], [sflag:$0x2] =	stream.indirect.gather [hbm4b:s4+s12], $0x80, s19, s12, $0xb8;
	[tilespmem:$0x1CC00] =	vst v63  }
0xff: {  	_ =	swait.ge [sflag:s15], $0x4000  }
0x100: {  	[sflag:s15] =	ssyncset.done $0x0  }
0x101: {  	[sflag:s15] =	ssyncadd.s32 $0xFFFFC000  }
0x102: {  	[spmem:s2] =	stream.indirect.scatter.add.f32 [tilespmem:s13], [sflag:$0x3], $0x80, s20, s12, $0xb8;
	[tilespmem:$0x1CC00] =	vst v63  }
0x103: {  	_ =	swait.ge [sflag:s16], $0x4000  }
0x104: {  	[sflag:s16] =	ssyncset.done $0x0  }
0x105: {  	[sflag:s16] =	ssyncadd.s32 $0xFFFFC000  }
0x106: {  	[spmem:s2] =	stream.indirect.scatter.add.f32 [tilespmem:s14], [sflag:$0x4], $0x80, s21, s12, $0xb8;
	[tilespmem:$0x1CC00] =	vst v63  }
0x107: {  	_ =	swait.ge [sflag:s17], $0x4000  }
0x108: {  	[sflag:s17] =	ssyncset.done $0x0  }
0x109: {  	[sflag:s17] =	ssyncadd.s32 $0xFFFFC000  }
0x10a: {  	[tilespmem:s13], [sflag:$0x1] =	stream.indirect.gather [hbm4b:s4+s12], $0x80, s22, s12, $0xb8;
	[tilespmem:$0x1CC00] =	vst v63  }
0x10b: {  	_ =	swait.ge [sflag:s18], $0x4000  }
0x10c: {  	[sflag:s18] =	ssyncset.done $0x0  }
0x10d: {  	[sflag:s18] =	ssyncadd.s32 $0xFFFFC000  }
0x10e: {  	[tilespmem:s14], [sflag:$0x2] =	stream.indirect.gather [hbm4b:s4+s12], $0x80, s23, s12, $0xb8;
	[tilespmem:$0x1CC00] =	vst v63  }
0x10f: {  	_ =	swait.ge [sflag:s15], $0x4000  }
0x110: {  	[sflag:s15] =	ssyncset.done $0x0  }
0x111: {  	[sflag:s15] =	ssyncadd.s32 $0xFFFFC000  }
0x112: {  	[spmem:s2] =	stream.indirect.scatter.add.f32 [tilespmem:s13], [sflag:$0x3], $0x80, s24, s12, $0xb8;
	[tilespmem:$0x1CC00] =	vst v63  }
0x113: {  	_ =	swait.ge [sflag:s16], $0x4000  }
0x114: {  	[sflag:s16] =	ssyncset.done $0x0  }
0x115: {  	[sflag:s16] =	ssyncadd.s32 $0xFFFFC000  }
0x116: {  	[spmem:s2] =	stream.indirect.scatter.add.f32 [tilespmem:s14], [sflag:$0x4], $0x80, s25, s12, $0xb8;
	[tilespmem:$0x1CC00] =	vst v63  }
0x117: {  	_ =	swait.ge [sflag:s17], $0x4000  }
0x118: {  	[sflag:s17] =	ssyncset.done $0x0  }
0x119: {  	[sflag:s17] =	ssyncadd.s32 $0xFFFFC000  }
0x11a: {  	[tilespmem:s13], [sflag:$0x1] =	stream.indirect.gather [hbm4b:s4+s12], $0x80, s26, s12, $0xb8;
	[tilespmem:$0x1CC00] =	vst v63  }
0x11b: {  	_ =	swait.ge [sflag:s18], $0x4000  }
0x11c: {  	[sflag:s18] =	ssyncset.done $0x0  }
0x11d: {  	[sflag:s18] =	ssyncadd.s32 $0xFFFFC000  }
0x11e: {  	[tilespmem:s14], [sflag:$0x2] =	stream.indirect.gather [hbm4b:s4+s12], $0x80, s28, s12, $0xb8;
	[tilespmem:$0x1CC00] =	vst v63  }
0x11f: {  	_ =	swait.ge [sflag:s15], $0x4000  }
0x120: {  	[sflag:s15] =	ssyncset.done $0x0  }
0x121: {  	[sflag:s15] =	ssyncadd.s32 $0xFFFFC000  }
0x122: {  	[spmem:s2] =	stream.indirect.scatter.add.f32 [tilespmem:s13], [sflag:$0x3], $0x80, s29, s12, $0xb8;
	[tilespmem:$0x1CC00] =	vst v63  }
0x123: {  	_ =	swait.ge [sflag:s16], $0x4000  }
0x124: {  	[sflag:s16] =	ssyncset.done $0x0  }
0x125: {  	[sflag:s16] =	ssyncadd.s32 $0xFFFFC000  }
0x126: {  	[spmem:s2] =	stream.indirect.scatter.add.f32 [tilespmem:s14], [sflag:$0x4], $0x80, s30, s12, $0xb8;
	[tilespmem:$0x1CC00] =	vst v63  }
0x127: {  	_ =	swait.ge [sflag:s17], $0x4000  }
0x128: {  	[sflag:s17] =	ssyncset.done $0x0  }
0x129: {  	[sflag:s17] =	ssyncadd.s32 $0xFFFFC000  }
0x12a: {  	[tilespmem:s13], [sflag:$0x1] =	stream.indirect.gather [hbm4b:s4+s12], $0x80, s31, s12, $0xb8;
	[tilespmem:$0x1CC00] =	vst v63  }
0x12b: {  	_ =	swait.ge [sflag:s18], $0x4000  }
0x12c: {  	[sflag:s18] =	ssyncset.done $0x0  }
0x12d: {  	[sflag:s18] =	ssyncadd.s32 $0xFFFFC000  }
0x12e: {  	[tilespmem:s14], [sflag:$0x2] =	stream.indirect.gather [hbm4b:s4+s12], $0x80, s1, s12, $0xb8;
	[tilespmem:$0x1CC00] =	vst v63  }
0x12f: {  	_ =	swait.ge [sflag:s15], $0x4000  }
0x130: {  	[sflag:s15] =	ssyncset.done $0x0  }
0x131: {  	[sflag:s15] =	ssyncadd.s32 $0xFFFFC000  }
0x132: {  	[spmem:s2] =	stream.indirect.scatter.add.f32 [tilespmem:s13], [sflag:$0x3], $0x80, s0, s12, $0xb8;
	[tilespmem:$0x1CC00] =	vst v63  }
0x133: {  	_ =	swait.ge [sflag:s16], $0x4000  }
0x134: {  	[sflag:s16] =	ssyncset.done $0x0  }
0x135: {  	p0 =	sne.s32 s6, $0x400;
	[sflag:s16] =	ssyncadd.s32 $0xFFFFC000  }
0x136: {  	[spmem:s2] =	stream.indirect.scatter.add.f32 [tilespmem:s14], [sflag:$0x4], $0x80, s5, s12, $0xb8;
	[tilespmem:$0x1CC00] =	vst v63  }
.Ltmp0:
0x137: {  	_ =	swait.ge [sflag:s17], $0x4000;
	(pc) =	sbr.rel @p0 .LBB2_2-.Ltmp0, $4  }
0x138: {  	[sflag:s17] =	ssyncset.done $0x0  }
0x139: {  	[sflag:s17] =	ssyncadd.s32 $0xFFFFC000  }
0x13a: {  	s7 =	smov.u32 s6;
	s6 =	sadd.s32 $0x100, s6;
	_ =	swait.ge [sflag:s18], $0x4000  }
0x13b: {  	s8 =	smov.u32 s7;
	s9 =	rddreg [dreg:$0x3];
	[sflag:s18] =	ssyncset.done $0x0  }
0x13c: {  	[sflag:s18] =	ssyncadd.s32 $0xFFFFC000;
	s6 =	sadd.s32 s8, s9  }
0x13d: {  	[tilespmem:s3], [sflag:$0x5] =	stream.linear.gather [hbm4b:s6+s3], $0x800, $0x38;
	[tilespmem:$0x1CC00] =	vst v63  }
0x13e: {  	_ =	swait.ge [sflag:s10], $0x800  }
0x13f: {  	s9 =	rddreg [dreg:$0x4];
	[sflag:s10] =	ssyncset.done $0x0  }
0x140: {  	s6 =	sadd.s32 s8, s9;
	[sflag:s10] =	ssyncadd.s32 $0xFFFFF800  }
0x141: {  	[tilespmem:s11], [sflag:$0x5] =	stream.linear.gather [hbm4b:s6+s3], $0x800, $0x38;
	[tilespmem:$0x1CC00] =	vst v63  }
0x142: {  	_ =	swait.ge [sflag:s10], $0x800  }
0x143: {  	[sflag:s10] =	ssyncset.done $0x0  }
0x144: {  	[sflag:s10] =	ssyncadd.s32 $0xFFFFF800  }
0x145: {  	[tilespmem:s13], [sflag:$0x1] =	stream.indirect.gather [hbm4b:s4+s12], $0x80, s3, s12, $0xb8;
	[tilespmem:$0x1CC00] =	vst v63  }
0x146: {  	_ = 	snop  }
0x147: {  	[tilespmem:s14], [sflag:$0x2] =	stream.indirect.gather [hbm4b:s4+s12], $0x80, s12, s12, $0xb8;
	[tilespmem:$0x1CC00] =	vst v63  }
0x148: {  	_ =	swait.ge [sflag:s15], $0x4000  }
0x149: {  	[sflag:s15] =	ssyncset.done $0x0  }
0x14a: {  	[sflag:s15] =	ssyncadd.s32 $0xFFFFC000  }
0x14b: {  	[spmem:s2] =	stream.indirect.scatter.add.f32 [tilespmem:s13], [sflag:$0x3], $0x80, s11, s12, $0xb8;
	[tilespmem:$0x1CC00] =	vst v63  }
0x14c: {  	_ =	swait.ge [sflag:s16], $0x4000  }
0x14d: {  	[sflag:s16] =	ssyncset.done $0x0  }
0x14e: {  	s7 =	rddreg [dreg:$0x5];
	[sflag:s16] =	ssyncadd.s32 $0xFFFFC000  }
0x14f: {  	[spmem:s2] =	stream.indirect.scatter.add.f32 [tilespmem:s14], [sflag:$0x4], $0x80, s7, s12, $0xb8;
	[tilespmem:$0x1CC00] =	vst v63  }
0x150: {  	_ =	swait.ge [sflag:s17], $0x4000  }
0x151: {  	[sflag:s17] =	ssyncset.done $0x0  }
0x152: {  	s8 =	rddreg [dreg:$0x6];
	[sflag:s17] =	ssyncadd.s32 $0xFFFFC000  }
0x153: {  	[tilespmem:s13], [sflag:$0x1] =	stream.indirect.gather [hbm4b:s4+s12], $0x80, s8, s12, $0xb8;
	[tilespmem:$0x1CC00] =	vst v63  }
0x154: {  	_ =	swait.ge [sflag:s18], $0x4000  }
0x155: {  	[sflag:s18] =	ssyncset.done $0x0  }
0x156: {  	s9 =	rddreg [dreg:$0x7];
	[sflag:s18] =	ssyncadd.s32 $0xFFFFC000  }
0x157: {  	[tilespmem:s14], [sflag:$0x2] =	stream.indirect.gather [hbm4b:s4+s12], $0x80, s9, s12, $0xb8;
	[tilespmem:$0x1CC00] =	vst v63  }
0x158: {  	_ =	swait.ge [sflag:s15], $0x4000  }
0x159: {  	[sflag:s15] =	ssyncset.done $0x0  }
0x15a: {  	s7 =	rddreg [dreg:$0x8];
	[sflag:s15] =	ssyncadd.s32 $0xFFFFC000  }
0x15b: {  	[spmem:s2] =	stream.indirect.scatter.add.f32 [tilespmem:s13], [sflag:$0x3], $0x80, s7, s12, $0xb8;
	[tilespmem:$0x1CC00] =	vst v63  }
0x15c: {  	_ =	swait.ge [sflag:s16], $0x4000  }
0x15d: {  	[sflag:s16] =	ssyncset.done $0x0  }
0x15e: {  	s8 =	rddreg [dreg:$0x9];
	[sflag:s16] =	ssyncadd.s32 $0xFFFFC000  }
0x15f: {  	[spmem:s2] =	stream.indirect.scatter.add.f32 [tilespmem:s14], [sflag:$0x4], $0x80, s8, s12, $0xb8;
	[tilespmem:$0x1CC00] =	vst v63  }
0x160: {  	_ =	swait.ge [sflag:s17], $0x4000  }
0x161: {  	[sflag:s17] =	ssyncset.done $0x0  }
0x162: {  	s9 =	rddreg [dreg:$0xa];
	[sflag:s17] =	ssyncadd.s32 $0xFFFFC000  }
0x163: {  	[tilespmem:s13], [sflag:$0x1] =	stream.indirect.gather [hbm4b:s4+s12], $0x80, s9, s12, $0xb8;
	[tilespmem:$0x1CC00] =	vst v63  }
0x164: {  	_ =	swait.ge [sflag:s18], $0x4000  }
0x165: {  	[sflag:s18] =	ssyncset.done $0x0  }
0x166: {  	s7 =	rddreg [dreg:$0xb];
	[sflag:s18] =	ssyncadd.s32 $0xFFFFC000  }
0x167: {  	[tilespmem:s14], [sflag:$0x2] =	stream.indirect.gather [hbm4b:s4+s12], $0x80, s7, s12, $0xb8;
	[tilespmem:$0x1CC00] =	vst v63  }
0x168: {  	_ =	swait.ge [sflag:s15], $0x4000  }
0x169: {  	[sflag:s15] =	ssyncset.done $0x0  }
0x16a: {  	s8 =	rddreg [dreg:$0xc];
	[sflag:s15] =	ssyncadd.s32 $0xFFFFC000  }
0x16b: {  	[spmem:s2] =	stream.indirect.scatter.add.f32 [tilespmem:s13], [sflag:$0x3], $0x80, s8, s12, $0xb8;
	[tilespmem:$0x1CC00] =	vst v63  }
0x16c: {  	_ =	swait.ge [sflag:s16], $0x4000  }
0x16d: {  	[sflag:s16] =	ssyncset.done $0x0  }
0x16e: {  	s9 =	rddreg [dreg:$0xd];
	[sflag:s16] =	ssyncadd.s32 $0xFFFFC000  }
0x16f: {  	[spmem:s2] =	stream.indirect.scatter.add.f32 [tilespmem:s14], [sflag:$0x4], $0x80, s9, s12, $0xb8;
	[tilespmem:$0x1CC00] =	vst v63  }
0x170: {  	_ =	swait.ge [sflag:s17], $0x4000  }
0x171: {  	[sflag:s17] =	ssyncset.done $0x0  }
0x172: {  	s7 =	rddreg [dreg:$0xe];
	[sflag:s17] =	ssyncadd.s32 $0xFFFFC000  }
0x173: {  	[tilespmem:s13], [sflag:$0x1] =	stream.indirect.gather [hbm4b:s4+s12], $0x80, s7, s12, $0xb8;
	[tilespmem:$0x1CC00] =	vst v63  }
0x174: {  	_ =	swait.ge [sflag:s18], $0x4000  }
0x175: {  	[sflag:s18] =	ssyncset.done $0x0  }
0x176: {  	s8 =	rddreg [dreg:$0xf];
	[sflag:s18] =	ssyncadd.s32 $0xFFFFC000  }
0x177: {  	[tilespmem:s14], [sflag:$0x2] =	stream.indirect.gather [hbm4b:s4+s12], $0x80, s8, s12, $0xb8;
	[tilespmem:$0x1CC00] =	vst v63  }
0x178: {  	_ =	swait.ge [sflag:s15], $0x4000  }
0x179: {  	[sflag:s15] =	ssyncset.done $0x0  }
0x17a: {  	s9 =	rddreg [dreg:$0x10];
	[sflag:s15] =	ssyncadd.s32 $0xFFFFC000  }
0x17b: {  	[spmem:s2] =	stream.indirect.scatter.add.f32 [tilespmem:s13], [sflag:$0x3], $0x80, s9, s12, $0xb8;
	[tilespmem:$0x1CC00] =	vst v63  }
0x17c: {  	_ =	swait.ge [sflag:s16], $0x4000  }
0x17d: {  	[sflag:s16] =	ssyncset.done $0x0  }
0x17e: {  	s7 =	rddreg [dreg:$0x11];
	[sflag:s16] =	ssyncadd.s32 $0xFFFFC000  }
0x17f: {  	[spmem:s2] =	stream.indirect.scatter.add.f32 [tilespmem:s14], [sflag:$0x4], $0x80, s7, s12, $0xb8;
	[tilespmem:$0x1CC00] =	vst v63  }
0x180: {  	_ =	swait.ge [sflag:s17], $0x4000  }
0x181: {  	[sflag:s17] =	ssyncset.done $0x0  }
0x182: {  	s8 =	rddreg [dreg:$0x12];
	[sflag:s17] =	ssyncadd.s32 $0xFFFFC000  }
0x183: {  	[tilespmem:s13], [sflag:$0x1] =	stream.indirect.gather [hbm4b:s4+s12], $0x80, s8, s12, $0xb8;
	[tilespmem:$0x1CC00] =	vst v63  }
0x184: {  	_ =	swait.ge [sflag:s18], $0x4000  }
0x185: {  	[sflag:s18] =	ssyncset.done $0x0  }
0x186: {  	[sflag:s18] =	ssyncadd.s32 $0xFFFFC000  }
0x187: {  	[tilespmem:s14], [sflag:$0x2] =	stream.indirect.gather [hbm4b:s4+s12], $0x80, s19, s12, $0xb8;
	[tilespmem:$0x1CC00] =	vst v63  }
0x188: {  	_ =	swait.ge [sflag:s15], $0x4000  }
0x189: {  	[sflag:s15] =	ssyncset.done $0x0  }
0x18a: {  	[sflag:s15] =	ssyncadd.s32 $0xFFFFC000  }
0x18b: {  	[spmem:s2] =	stream.indirect.scatter.add.f32 [tilespmem:s13], [sflag:$0x3], $0x80, s20, s12, $0xb8;
	[tilespmem:$0x1CC00] =	vst v63  }
0x18c: {  	_ =	swait.ge [sflag:s16], $0x4000  }
0x18d: {  	[sflag:s16] =	ssyncset.done $0x0  }
0x18e: {  	[sflag:s16] =	ssyncadd.s32 $0xFFFFC000  }
0x18f: {  	[spmem:s2] =	stream.indirect.scatter.add.f32 [tilespmem:s14], [sflag:$0x4], $0x80, s21, s12, $0xb8;
	[tilespmem:$0x1CC00] =	vst v63  }
0x190: {  	_ =	swait.ge [sflag:s17], $0x4000  }
0x191: {  	[sflag:s17] =	ssyncset.done $0x0  }
0x192: {  	[sflag:s17] =	ssyncadd.s32 $0xFFFFC000  }
0x193: {  	[tilespmem:s13], [sflag:$0x1] =	stream.indirect.gather [hbm4b:s4+s12], $0x80, s22, s12, $0xb8;
	[tilespmem:$0x1CC00] =	vst v63  }
0x194: {  	_ =	swait.ge [sflag:s18], $0x4000  }
0x195: {  	[sflag:s18] =	ssyncset.done $0x0  }
0x196: {  	[sflag:s18] =	ssyncadd.s32 $0xFFFFC000  }
0x197: {  	[tilespmem:s14], [sflag:$0x2] =	stream.indirect.gather [hbm4b:s4+s12], $0x80, s23, s12, $0xb8;
	[tilespmem:$0x1CC00] =	vst v63  }
0x198: {  	_ =	swait.ge [sflag:s15], $0x4000  }
0x199: {  	[sflag:s15] =	ssyncset.done $0x0  }
0x19a: {  	[sflag:s15] =	ssyncadd.s32 $0xFFFFC000  }
0x19b: {  	[spmem:s2] =	stream.indirect.scatter.add.f32 [tilespmem:s13], [sflag:$0x3], $0x80, s24, s12, $0xb8;
	[tilespmem:$0x1CC00] =	vst v63  }
0x19c: {  	_ =	swait.ge [sflag:s16], $0x4000  }
0x19d: {  	[sflag:s16] =	ssyncset.done $0x0  }
0x19e: {  	[sflag:s16] =	ssyncadd.s32 $0xFFFFC000  }
0x19f: {  	[spmem:s2] =	stream.indirect.scatter.add.f32 [tilespmem:s14], [sflag:$0x4], $0x80, s25, s12, $0xb8;
	[tilespmem:$0x1CC00] =	vst v63  }
0x1a0: {  	_ =	swait.ge [sflag:s17], $0x4000  }
0x1a1: {  	[sflag:s17] =	ssyncset.done $0x0  }
0x1a2: {  	[sflag:s17] =	ssyncadd.s32 $0xFFFFC000  }
0x1a3: {  	[tilespmem:s13], [sflag:$0x1] =	stream.indirect.gather [hbm4b:s4+s12], $0x80, s26, s12, $0xb8;
	[tilespmem:$0x1CC00] =	vst v63  }
0x1a4: {  	_ =	swait.ge [sflag:s18], $0x4000  }
0x1a5: {  	[sflag:s18] =	ssyncset.done $0x0  }
0x1a6: {  	[sflag:s18] =	ssyncadd.s32 $0xFFFFC000  }
0x1a7: {  	[tilespmem:s14], [sflag:$0x2] =	stream.indirect.gather [hbm4b:s4+s12], $0x80, s28, s12, $0xb8;
	[tilespmem:$0x1CC00] =	vst v63  }
0x1a8: {  	_ =	swait.ge [sflag:s15], $0x4000  }
0x1a9: {  	[sflag:s15] =	ssyncset.done $0x0  }
0x1aa: {  	[sflag:s15] =	ssyncadd.s32 $0xFFFFC000  }
0x1ab: {  	[spmem:s2] =	stream.indirect.scatter.add.f32 [tilespmem:s13], [sflag:$0x3], $0x80, s29, s12, $0xb8;
	[tilespmem:$0x1CC00] =	vst v63  }
0x1ac: {  	_ =	swait.ge [sflag:s16], $0x4000  }
0x1ad: {  	[sflag:s16] =	ssyncset.done $0x0  }
0x1ae: {  	[sflag:s16] =	ssyncadd.s32 $0xFFFFC000  }
0x1af: {  	[spmem:s2] =	stream.indirect.scatter.add.f32 [tilespmem:s14], [sflag:$0x4], $0x80, s30, s12, $0xb8;
	[tilespmem:$0x1CC00] =	vst v63  }
0x1b0: {  	_ =	swait.ge [sflag:s17], $0x4000  }
0x1b1: {  	[sflag:s17] =	ssyncset.done $0x0  }
0x1b2: {  	[sflag:s17] =	ssyncadd.s32 $0xFFFFC000  }
0x1b3: {  	[tilespmem:s13], [sflag:$0x1] =	stream.indirect.gather [hbm4b:s4+s12], $0x80, s31, s12, $0xb8;
	[tilespmem:$0x1CC00] =	vst v63  }
0x1b4: {  	_ =	swait.ge [sflag:s18], $0x4000  }
0x1b5: {  	[sflag:s18] =	ssyncset.done $0x0  }
0x1b6: {  	[sflag:s18] =	ssyncadd.s32 $0xFFFFC000  }
0x1b7: {  	[tilespmem:s14], [sflag:$0x2] =	stream.indirect.gather [hbm4b:s4+s12], $0x80, s1, s12, $0xb8;
	[tilespmem:$0x1CC00] =	vst v63  }
0x1b8: {  	_ =	swait.ge [sflag:s15], $0x4000  }
0x1b9: {  	[sflag:s15] =	ssyncset.done $0x0  }
0x1ba: {  	[sflag:s15] =	ssyncadd.s32 $0xFFFFC000  }
0x1bb: {  	[spmem:s2] =	stream.indirect.scatter.add.f32 [tilespmem:s13], [sflag:$0x3], $0x80, s0, s12, $0xb8;
	[tilespmem:$0x1CC00] =	vst v63  }
0x1bc: {  	_ =	swait.ge [sflag:s16], $0x4000  }
0x1bd: {  	[sflag:s16] =	ssyncset.done $0x0  }
0x1be: {  	[sflag:s16] =	ssyncadd.s32 $0xFFFFC000  }
0x1bf: {  	[spmem:s2] =	stream.indirect.scatter.add.f32 [tilespmem:s14], [sflag:$0x4], $0x80, s5, s12, $0xb8;
	[tilespmem:$0x1CC00] =	vst v63  }
0x1c0: {  	_ =	swait.ge [sflag:s17], $0x4000  }
0x1c1: {  	[sflag:s17] =	ssyncset.done $0x0  }
0x1c2: {  	[sflag:s17] =	ssyncadd.s32 $0xFFFFC000  }
0x1c3: {  	_ =	swait.ge [sflag:s18], $0x4000  }
0x1c4: {  	[sflag:s18] =	ssyncset.done $0x0  }
0x1c5: {  	[sflag:s18] =	ssyncadd.s32 $0xFFFFC000  }
0x1c6: {  	[bflag:$0x0] =	sbarrier.arrive $0xFFFF  }
0x1c7: {  	s7 =	rddreg [dreg:$0x14]  }
0x1c8: {  	s9 =	rddreg [dreg:$0x15]  }
0x1c9: {  	s8 =	rddreg [dreg:$0x17]  }
0x1ca: {  	[hbm:s9], [sflag:s7] =	dma.local [spmem:s8], $0x2780  }
0x1cb: {  	_ =	swait.ge [sflag:s10], $0x2780  }
0x1cc: {  	s6 =	rddreg [dreg:$0x18]  }
0x1cd: {  	s9 =	sadd.s32 $0x1, s6;
	s6 =	rddreg [dreg:$0x16]  }
0x1ce: {  	p0 =	sne.s32 s9, s6  }
.Ltmp1:
0x1cf: {  	_ = 	snop;
	(pc) =	sbr.rel @p0 .LBB2_1-.Ltmp1, $3  }
0x1d0: {  	_ =	sdelay $0x1  }
0x1d1: {  	[sflag:s10] =	ssyncset.done $0x0  }
0x1d2: {  	[sflag:s10] =	ssyncadd.s32 $0xFFFFD880  }
0x1d3: {  	_ =	sfence.sel $0x180000  }
0x1d4: {  	[bflag:$0x0] =	sbarrier.arrive $0xFFFF  }
0x1d5: {  	_ =	strace $0x9000004A  }
0x1d6: {  	s0 =	stileid.u32;
	[bflag:$0x2] =	sbarrier.arrive $0xFFFF  }
0x1d7: {  	p0 =	sne.s32 s0, $0x0;
	s0 =	rddreg [dreg:$0x2]  }
0x1d8: {  	s0 =	sadd.s32 @!p0 $0x100000, s0  }
0x1d9: {  	[sflag:s0] =	ssyncadd.tile.s32 @!p0 $0x1;
	_ =	shalt  }
.Lfunc_end2:
_tile_overlayer_lowered:
.L_overlay_start_2:
0x1da: {  	(tag) =	ssettag $0x2  }
0x1db: {  	s0 =	rddreg [dreg:$0x0];
	s2 =	stileid.u32  }
0x1dc: {  	s1 =	rddreg [dreg:$0x1];
	p0 =	sne.s32 s2, $0x0  }
0x1dd: {  	s3 =	rddreg [dreg:$0x2];
	[bflag:$0x3] =	sbarrier.arrive $0xFFFF;
	s2 =	simm.s32 @!p0 $0x1C05  }
0x1de: {  	[timem:s3], [sflag:s2] =	dma.local @!p0 [hbm:s0], s1  }
0x1df: {  	s0 =	simm.s32 @!p0 $0x5  }
0x1e0: {  	_ =	swait.ge @!p0 [sflag:s0], s1  }
0x1e1: {  	s1 =	ssub.s32 @!p0 $0x0, s1;
	[sflag:s0] =	ssyncset.done @!p0 $0x0  }
0x1e2: {  	[sflag:s0] =	ssyncadd.s32 @!p0 s1  }
0x1e3: {  	[bflag:$0x3] =	sbarrier.arrive $0xFFFF  }
0x1e4: {  	_ =	shalt  }

// kernel: kernel.14.cloned.1.call-start
scs
__scs_entry_jumppad:
0x0: {  	(pc) =	sbr.rel $0x88, $3  }
0x1: {  	(tag) =	ssettag $0x0;
	lr =	simm.s32 $0x1  }
0x2: {  	[smem:$0x3F99] =	sst lr;
	_ =	strace $0xD0000000  }
0x3: {  	_ = 	snop  }
0x4: {  	_ = 	snop  }
0x5: {  	_ = 	snop  }
0x6: {  	_ = 	snop  }
0x7: {  	_ = 	snop  }
__scs_overlays_trampoline_lowered:
0x8: {  	[smem:$0x3FA8] =	sst s0  }
0x9: {  	[smem:$0x3FA9] =	sst s1  }
0xa: {  	[smem:$0x3FAA] =	sst s2  }
0xb: {  	[smem:$0x3FAB] =	sst s3  }
0xc: {  	[smem:$0x3FAC] =	sst s4  }
0xd: {  	[smem:$0x3FAD] =	sst s5  }
0xe: {  	[smem:$0x3FAE] =	sst s6  }
0xf: {  	[smem:$0x3FAF] =	sst s7  }
0x10: {  	[smem:$0x3FB0] =	sst s8  }
0x11: {  	[smem:$0x3FB1] =	sst s9;
	s0 =	simm.s32 @!p0 $0x0  }
0x12: {  	s1 =	sld [smem:$0x3F97];
	s0 =	simm.s32 @p0 $0x1  }
0x13: {  	[smem:$0x3FB2] =	sst s0;
	s0 =	simm.s32 @!p1 $0x0  }
0x14: {  	s2 =	sld [smem:$0x3F96];
	s0 =	simm.s32 @p1 $0x1  }
0x15: {  	[smem:$0x3FB3] =	sst s0;
	s0 =	simm.s32 @!p2 $0x0  }
0x16: {  	s3 =	sld [smem:$0x3FDB];
	s0 =	simm.s32 @p2 $0x1  }
0x17: {  	s4 =	simm.s32 $0x1BF5;
	[smem:$0x3FB5] =	sst s0  }
0x18: {  	s0 =	sld [smem:$0x3F98];
	_ =	swait.ge [sflag:s4], $0x0  }
0x19: {  	s7 =	sld [smem:$0x3F99]  }
0x1a: {  	s8 =	sadd.s32 $0xFFFFE003, lr  }
0x1b: {  	s9 =	sadd.s32 $0xFFFFFEF7, lr;
	s5 =	simm.s32 $0xFFFFFFFF;
	p2 =	slt.u32 s8, $0xFFFFF086  }
0x1c: {  	p1 =	slt.u32 s9, $0xF7A;
	s5 =	simm.s32 @!p2 $0x0  }
0x1d: {  	s5 =	simm.s32 @p1 $0x1;
	p0 =	seq.s32 s7, s2  }
0x1e: {  	s7 =	smul.u32 @!p0 $0xF7A, s2;
	p2 =	seq.s32 @!p0 s5, $0x0  }
0x1f: {  	s9 =	smul.u32 $0xF7A, s1;
	s8 =	simm.s32 @!p0 $0x1BF5;
	p2 =	por !p2, p0  }
0x20: {  	[sflag:s8] =	ssyncset.s32 @!p0 $0xFFFFF086;
	s6 =	sadd.s32 @!p0 s3, s7;
	s7 =	simm.s32 @!p0 $0x108  }
0x21: {  	s3 =	sadd.s32 s3, s9;
	s6 =	sadd.s32 @!p0 $0x88, s6;
	s7 =	simm.s32 @p2 $0x1082  }
0x22: {  	[simem:s7], [sflag:s8] =	dma.local @!p0 [hbm:s6], $0xF7A  }
0x23: {  	s9 =	sor.u32 $0xD0000000, s2;
	s6 =	simm.s32 $0x108;
	_ =	swait.ge @!p0 [sflag:s8], $0x0  }
0x24: {  	s3 =	sadd.s32 $0x88, s3;
	s6 =	simm.s32 @!p1 $0x1082;
	[sflag:s4] =	ssyncset.s32 $0xFFFFF086  }
0x25: {  	[simem:s6], [sflag:s4] =	dma.local [hbm:s3], $0xF7A  }
0x26: {  	[smem:$0x3F99] =	sst s1;
	(tag) =	ssettag s2;
	_ =	strace s9  }
0x27: {  	s1 =	sld [smem:$0x3FA9]  }
0x28: {  	s2 =	sld [smem:$0x3FAA]  }
0x29: {  	s4 =	sld [smem:$0x3FAC]  }
0x2a: {  	p0 =	seq.s32 s5, $0x0;
	s5 =	sld [smem:$0x3FAD]  }
0x2b: {  	s6 =	sld [smem:$0x3FAE]  }
0x2c: {  	s7 =	sld [smem:$0x3FAF]  }
0x2d: {  	s3 =	simm.s32 $0x108;
	s8 =	sld [smem:$0x3FB0]  }
0x2e: {  	s3 =	simm.s32 @!p0 $0x1082;
	s9 =	sld [smem:$0x3FB1]  }
0x2f: {  	lr =	sadd.s32 s0, s3;
	s0 =	sld [smem:$0x3FA8]  }
0x30: {  	s3 =	sld [smem:$0x3FAB]  }
0x31: {  	[smem:$0x3FB4] =	sst s10  }
0x32: {  	s10 =	sld [smem:$0x3FB2];
	_ =	sdelay $0x3  }
0x33: {  	p0 =	seq.s32 s10, $0x1;
	s10 =	sld [smem:$0x3FB4];
	_ =	sdelay $0x3  }
0x34: {  	[smem:$0x3FB4] =	sst s10  }
0x35: {  	s10 =	sld [smem:$0x3FB3];
	_ =	sdelay $0x3  }
0x36: {  	p1 =	seq.s32 s10, $0x1;
	s10 =	sld [smem:$0x3FB4];
	_ =	sdelay $0x3  }
0x37: {  	[smem:$0x3FB4] =	sst s10  }
0x38: {  	s10 =	sld [smem:$0x3FB5]  }
0x39: {  	_ = 	snop;
	(pc) =	sbr.ind lr, $3  }
0x3a: {  	_ = 	snop  }
0x3b: {  	_ = 	snop  }
0x3c: {  	p2 =	seq.s32 s10, $0x1;
	s10 =	sld [smem:$0x3FB4]  }
0x3d: {  	_ =	shalt  }
0x3e: {  	_ =	shalt  }
0x3f: {  	_ =	shalt  }
0x40: {  	_ =	shalt  }
0x41: {  	_ =	shalt  }
0x42: {  	_ =	shalt  }
0x43: {  	_ =	shalt  }
0x44: {  	_ =	shalt  }
0x45: {  	_ =	shalt  }
0x46: {  	_ =	shalt  }
0x47: {  	_ =	shalt  }
0x48: {  	_ =	shalt  }
0x49: {  	_ =	shalt  }
0x4a: {  	_ =	shalt  }
0x4b: {  	_ =	shalt  }
0x4c: {  	_ =	shalt  }
0x4d: {  	_ =	shalt  }
0x4e: {  	_ =	shalt  }
0x4f: {  	_ =	shalt  }
0x50: {  	_ =	shalt  }
0x51: {  	_ =	shalt  }
0x52: {  	_ =	shalt  }
0x53: {  	_ =	shalt  }
0x54: {  	_ =	shalt  }
0x55: {  	_ =	shalt  }
0x56: {  	_ =	shalt  }
0x57: {  	_ =	shalt  }
0x58: {  	_ =	shalt  }
0x59: {  	_ =	shalt  }
0x5a: {  	_ =	shalt  }
0x5b: {  	_ =	shalt  }
0x5c: {  	_ =	shalt  }
0x5d: {  	_ =	shalt  }
0x5e: {  	_ =	shalt  }
0x5f: {  	_ =	shalt  }
0x60: {  	_ =	shalt  }
0x61: {  	_ =	shalt  }
0x62: {  	_ =	shalt  }
0x63: {  	_ =	shalt  }
0x64: {  	_ =	shalt  }
0x65: {  	_ =	shalt  }
0x66: {  	_ =	shalt  }
0x67: {  	_ =	shalt  }
0x68: {  	_ =	shalt  }
0x69: {  	_ =	shalt  }
0x6a: {  	_ =	shalt  }
0x6b: {  	_ =	shalt  }
0x6c: {  	_ =	shalt  }
0x6d: {  	_ =	shalt  }
0x6e: {  	_ =	shalt  }
0x6f: {  	_ =	shalt  }
0x70: {  	_ =	shalt  }
0x71: {  	_ =	shalt  }
0x72: {  	_ =	shalt  }
0x73: {  	_ =	shalt  }
0x74: {  	_ =	shalt  }
0x75: {  	_ =	shalt  }
0x76: {  	_ =	shalt  }
0x77: {  	_ =	shalt  }
0x78: {  	_ =	shalt  }
0x79: {  	_ =	shalt  }
0x7a: {  	_ =	shalt  }
0x7b: {  	_ =	shalt  }
0x7c: {  	_ =	shalt  }
0x7d: {  	_ =	shalt  }
0x7e: {  	_ =	shalt  }
0x7f: {  	_ =	shalt  }
0x80: {  	_ =	shalt  }
0x81: {  	_ =	shalt  }
0x82: {  	_ =	shalt  }
0x83: {  	_ =	shalt  }
0x84: {  	_ =	shalt  }
0x85: {  	_ =	shalt  }
0x86: {  	_ =	shalt  }
0x87: {  	_ =	shalt  }
.Lfunc_end0:
.L_simem_size_0:
called_computation.2_lowered:
.L_overlay_start_0:
0x88: {  	s2 =	sld [smem:$0x3FD9]  }
0x89: {  	s3 =	sld [smem:$0x3FFE];
	_ =	sdelay $0x1  }
0x8a: {  	s1 =	srdreg.scid  }
0x8b: {  	s0 =	sand.u32 $0x1, s1  }
0x8c: {  	s16 =	sshll.u32 s0, $0xA;
	s2 =	sadd.s32 s3, s2  }
0x8d: {  	s2 =	sadd.s32 s2, s16  }
0x8e: {  	[smem:$0x3FC0] =	sst s2  }
0x8f: {  	_ = 	snop  }
0x90: {  	(tm) =	ssettm $0x1  }
0x91: {  	s17 =	sld [smem:$0x3FFB];
	_ =	sdelay $0x3  }
0x92: {  	_ =	strace s17  }
0x93: {  	s2 =	sld [smem:$0x3FFC];
	_ =	sdelay $0x3  }
0x94: {  	_ =	strace s2  }
0x95: {  	s2 =	sld [smem:$0x3FFD];
	_ =	sdelay $0x3  }
0x96: {  	_ =	strace s2  }
0x97: {  	_ =	strace $0x8FFFFFFF  }
0x98: {  	s18 =	sld [smem:$0x3FDB];
	_ =	sdelay $0x1  }
0x99: {  	s19 =	simm.s32 $_scs_section_size  }
0x9a: {  	s4 =	simm.s32 $_size__tile_overlayer_lowered;
	s5 =	simm.s32 $_tile_overlayer_lowered  }
0x9b: {  	s22 =	simm.s32 $0x1BFF;
	s21 =	sshll.u32 s5, $0x1;
	s2 =	sadd.s32 s19, s18  }
0x9c: {  	s6 =	simm.s32 $0x0;
	s20 =	sshll.u32 s4, $0x1;
	s4 =	sadd.s32 s21, s2  }
0x9d: {  	[timem:s6], [sflag:s22] =	dma.local [hbm:s4], s20  }
0x9e: {  	_ =	swait.ge [sflag:s22], s20  }
0x9f: {  	s3 =	ssub.s32 $0x0, s20;
	[sflag:s22] =	ssyncset.done $0x0  }
0xa0: {  	[sflag:s22] =	ssyncadd.s32 s3;
	_ =	sdelay $0x1  }
0xa1: {  	s23 =	simm.s32 $0x1B8B  }
0xa2: {  	_ =	swait.ge [sflag:s23], $0x1  }
0xa3: {  	[sflag:s23] =	ssyncset.done $0x0  }
0xa4: {  	s25 =	simm.s32 $0x1B8E;
	s24 =	sld [smem:$0x3FFE];
	[sflag:s23] =	ssyncadd.s32 $0xFFFFFFFF  }
0xa5: {  	s26 =	simm.s32 $execute0_lowered;
	[smem:$0x3FD2] =	sst s25  }
0xa6: {  	s4 =	sshll.u32 s26, $0x1;
	_ =	strace $0x8000004C;
	[dreg:$0x1] =	wrdreg $0xFFFFFFFF  }
0xa7: {  	s28 =	simm.s32 $_size_execute0_lowered;
	s2 =	sadd.s32 s2, s4;
	[dreg:$0x0] =	wrdreg $0x0  }
0xa8: {  	s4 =	sshll.u32 s28, $0x1;
	[dreg:$0x2] =	wrdreg s2  }
0xa9: {  	[dreg:$0x3] =	wrdreg s4  }
0xaa: {  	[dreg:$0x4] =	wrdreg $0xC0  }
0xab: {  	_ =	task [dreg:s6], $0x5FFFF  }
0xac: {  	[dreg:$0x1] =	wrdreg $0xFFFFFFFF  }
0xad: {  	[dreg:$0x0] =	wrdreg $0x60  }
0xae: {  	[dreg:$0x2] =	wrdreg s24  }
0xaf: {  	[dreg:$0x3] =	wrdreg $0x90000  }
0xb0: {  	[dreg:$0x4] =	wrdreg $0x9  }
0xb1: {  	_ =	task.clear_ibuf [dreg:s6], $0x5FFFF;
	_ =	strace $0x9000004C  }
0xb2: {  	s29 =	simm.s32 $0x9;
	_ =	strace $0x8000004E  }
0xb3: {  	_ =	swait.ge [sflag:s29], $0x1  }
0xb4: {  	[sflag:s29] =	ssyncadd.s32 $0xFFFFFFFF  }
0xb5: {  	_ =	strace $0x9000004E  }
0xb6: {  	_ =	sfence  }
0xb7: {  	s30 =	sld [smem:$0x0];
	_ =	sdelay $0x2  }
0xb8: {  	s31 =	sshll.u32 s1, $0xD;
	s1 =	sshrl.u32 s1, $0x2  }
0xb9: {  	s3 =	sand.u32 $0x4000, s31;
	s1 =	sadd.s32 s1, s30  }
0xba: {  	s0 =	sor.u32 s3, s0;
	s1 =	sshll.u32 s1, $0x11  }
0xbb: {  	s0 =	sor.u32 s1, s0  }
0xbc: {  	s0 =	sadd.s32 $0x8F2B, s0  }
0xbd: {  	[sflag:s0] =	ssyncadd.remote.s32 $0x1  }
0xbe: {  	_ =	sfence.sel $0xFFFF  }
0xbf: {  	[dreg:$0x0] =	wrdreg $0xFFFFFFFF;
	(pc) =	sbr.abs _section_cstart, $3  }
0xc0: {  	[dreg:$0x1] =	wrdreg $0xFFFFFFFF  }
0xc1: {  	_ =	task.clear_ibuf [dreg:s6], $0x2FFFF;
	_ =	strace $0x9FFFFFFF  }
0xc2: {  	(tm) =	ssettm $0x7FFFFFFF  }
0xc3: {  	_ =	shalt  }
tec
execute0_lowered:
.L_overlay_start_1:
0x0: {  	(tag) =	ssettag $0x1  }
0x1: {  	s0 =	srdreg.scid;
	s1 =	rddreg [dreg:$0x0]  }
0x2: {  	s10 =	stileid.u32;
	s2 =	rddreg [dreg:$0x1];
	s3 =	simm.s32 $0x0  }
0x3: {  	s12 =	simm.s32 $0x880;
	s14 =	simm.s32 $0x100;
	s15 =	simm.s32 $0x180  }
0x4: {  	s16 =	simm.s32 $0x900;
	s17 =	simm.s32 $0x980;
	s18 =	simm.s32 $0x200  }
0x5: {  	s19 =	simm.s32 $0x280;
	[smem:$0x7FF] =	sst s3;
	s9 =	sadd.s32 $0xC600, s1  }
0x6: {  	s20 =	simm.s32 $0xA00;
	_ =	strace $0x8000004D;
	[dreg:$0x13] =	wrdreg s9  }
0x7: {  	s21 =	simm.s32 $0xA80;
	s22 =	simm.s32 $0x300;
	[dreg:$0x5] =	wrdreg s12  }
0x8: {  	s23 =	simm.s32 $0x380;
	s28 =	simm.s32 $0x680;
	[dreg:$0x6] =	wrdreg s14  }
0x9: {  	s29 =	simm.s32 $0xE00;
	s5 =	smul.u32 $0x5000, s10;
	[dreg:$0x7] =	wrdreg s15  }
0xa: {  	s30 =	simm.s32 $0xE80;
	s6 =	smul.u32 $0xA00, s10;
	[dreg:$0x8] =	wrdreg s16  }
0xb: {  	s31 =	simm.s32 $0x700;
	s8 =	smul.u32 $0x13C00, s10;
	[dreg:$0x9] =	wrdreg s17  }
0xc: {  	s0 =	sand.u32 $0x1, s0;
	s26 =	smul.u32 $0x4F000, s10;
	[dreg:$0xa] =	wrdreg s18  }
0xd: {  	s13 =	sshll.u32 s10, $0x6;
	s4 =	smul.u32 $0x50000, s0;
	[dreg:$0xb] =	wrdreg s19  }
0xe: {  	s10 =	simm.s32 $0x5;
	s24 =	smul.u32 $0x13C000, s0;
	[dreg:$0xc] =	wrdreg s20  }
0xf: {  	s0 =	ssub.s32 $0x2, s0;
	s12 =	simm.s32 $0x80;
	[dreg:$0xd] =	wrdreg s21  }
0x10: {  	s14 =	simm.s32 $0x5000;
	[dreg:$0xe] =	wrdreg s22;
	s15 =	simm.s32 $0x1  }
0x11: {  	[dreg:$0xf] =	wrdreg s23;
	s16 =	simm.s32 $0x2;
	s17 =	simm.s32 $0x3  }
0x12: {  	s18 =	simm.s32 $0x4;
	s19 =	simm.s32 $0x480;
	s20 =	simm.s32 $0xC00  }
0x13: {  	s21 =	simm.s32 $0xC80;
	s22 =	simm.s32 $0x500;
	s23 =	simm.s32 $0x580  }
0x14: {  	s6 =	sadd.s32 s6, s1;
	s25 =	sshrl.u32 s0, $0x1;
	s4 =	sadd.s32 s4, s5  }
0x15: {  	s5 =	sadd.s32 s8, s24;
	s0 =	ssub.s32 s0, s25;
	s8 =	sshrl.u32 s26, $0x2  }
0x16: {  	s9 =	sadd.s32 $0x1E00, s6;
	s24 =	simm.s32 $0xB00;
	s25 =	simm.s32 $0xB80  }
0x17: {  	s26 =	simm.s32 $0x400;
	s7 =	sshrl.u32 s4, $0x3;
	[dreg:$0x4] =	wrdreg s9  }
0x18: {  	s4 =	sadd.s32 $0xEE00, s1;
	s5 =	sshrl.u32 s5, $0x3;
	[dreg:$0x10] =	wrdreg s24  }
0x19: {  	s11 =	sadd.s32 s8, s2;
	s0 =	smax.u32 s0, $0x1;
	[dreg:$0x11] =	wrdreg s25  }
0x1a: {  	[dreg:$0x12] =	wrdreg s26;
	s24 =	simm.s32 $0xD00;
	s25 =	simm.s32 $0xD80  }
0x1b: {  	s26 =	simm.s32 $0x600;
	s9 =	simm.s32 $0x0;
	s7 =	sadd.s32 s7, s1  }
0x1c: {  	s1 =	sadd.s32 s5, s1;
	[dreg:$0x16] =	wrdreg s0;
	s8 =	sshrl.u32 s11, $0x3  }
0x1d: {  	s11 =	simm.s32 $0x800;
	s7 =	sadd.s32 $0x5DE00, s7;
	[dreg:$0x17] =	wrdreg s8  }
0x1e: {  	s0 =	simm.s32 $0xF00;
	s1 =	sadd.s32 $0xC0000, s1;
	[dreg:$0x3] =	wrdreg s7  }
0x1f: {  	s5 =	simm.s32 $0xF80;
	s7 =	sor.u32 $0x1C05, s13;
	[dreg:$0x15] =	wrdreg s1  }
0x20: {  	s13 =	simm.s32 $0x1000;
	s1 =	simm.s32 $0x780;
	[dreg:$0x14] =	wrdreg s7  }
.LBB2_1:
0x21: {  	[dreg:$0x18] =	wrdreg s9  }
0x22: {  	s6 =	rddreg [dreg:$0x13]  }
0x23: {  	[spmem:s8], [sflag:s7] =	dma.local [hbm:s6], $0x2780  }
0x24: {  	_ =	swait.ge [sflag:s10], $0x2780  }
0x25: {  	[sflag:s10] =	ssyncset.done $0x0  }
0x26: {  	[sflag:s10] =	ssyncadd.s32 $0xFFFFD880  }
0x27: {  	[bflag:$0x0] =	sbarrier.arrive $0xFFFF  }
0x28: {  	s9 =	rddreg [dreg:$0x3]  }
0x29: {  	s6 =	sadd.s32 $0x0, s9  }
0x2a: {  	[tilespmem:s3], [sflag:$0x5] =	stream.linear.gather [hbm4b:s6+s3], $0x800, $0x38;
	[tilespmem:$0x1CC00] =	vst v63  }
0x2b: {  	_ =	swait.ge [sflag:s10], $0x800  }
0x2c: {  	s7 =	rddreg [dreg:$0x4];
	[sflag:s10] =	ssyncset.done $0x0  }
0x2d: {  	[sflag:s10] =	ssyncadd.s32 $0xFFFFF800;
	s6 =	sadd.s32 $0x0, s7  }
0x2e: {  	[tilespmem:s11], [sflag:$0x5] =	stream.linear.gather [hbm4b:s6+s3], $0x800, $0x38;
	[tilespmem:$0x1CC00] =	vst v63  }
0x2f: {  	_ =	swait.ge [sflag:s10], $0x800  }
0x30: {  	[sflag:s10] =	ssyncset.done $0x0  }
0x31: {  	[sflag:s10] =	ssyncadd.s32 $0xFFFFF800  }
0x32: {  	[tilespmem:s13], [sflag:$0x1] =	stream.indirect.gather [hbm4b:s4+s12], $0x80, s3, s12, $0xb8;
	[tilespmem:$0x1CC00] =	vst v63  }
0x33: {  	_ = 	snop  }
0x34: {  	[tilespmem:s14], [sflag:$0x2] =	stream.indirect.gather [hbm4b:s4+s12], $0x80, s12, s12, $0xb8;
	[tilespmem:$0x1CC00] =	vst v63  }
0x35: {  	_ =	swait.ge [sflag:s15], $0x4000  }
0x36: {  	[sflag:s15] =	ssyncset.done $0x0  }
0x37: {  	[sflag:s15] =	ssyncadd.s32 $0xFFFFC000  }
0x38: {  	[spmem:s2] =	stream.indirect.scatter.add.f32 [tilespmem:s13], [sflag:$0x3], $0x80, s11, s12, $0xb8;
	[tilespmem:$0x1CC00] =	vst v63  }
0x39: {  	_ =	swait.ge [sflag:s16], $0x4000  }
0x3a: {  	[sflag:s16] =	ssyncset.done $0x0  }
0x3b: {  	s8 =	rddreg [dreg:$0x5];
	[sflag:s16] =	ssyncadd.s32 $0xFFFFC000  }
0x3c: {  	[spmem:s2] =	stream.indirect.scatter.add.f32 [tilespmem:s14], [sflag:$0x4], $0x80, s8, s12, $0xb8;
	[tilespmem:$0x1CC00] =	vst v63  }
0x3d: {  	_ =	swait.ge [sflag:s17], $0x4000  }
0x3e: {  	[sflag:s17] =	ssyncset.done $0x0  }
0x3f: {  	s9 =	rddreg [dreg:$0x6];
	[sflag:s17] =	ssyncadd.s32 $0xFFFFC000  }
0x40: {  	[tilespmem:s13], [sflag:$0x1] =	stream.indirect.gather [hbm4b:s4+s12], $0x80, s9, s12, $0xb8;
	[tilespmem:$0x1CC00] =	vst v63  }
0x41: {  	_ =	swait.ge [sflag:s18], $0x4000  }
0x42: {  	[sflag:s18] =	ssyncset.done $0x0  }
0x43: {  	s7 =	rddreg [dreg:$0x7];
	[sflag:s18] =	ssyncadd.s32 $0xFFFFC000  }
0x44: {  	[tilespmem:s14], [sflag:$0x2] =	stream.indirect.gather [hbm4b:s4+s12], $0x80, s7, s12, $0xb8;
	[tilespmem:$0x1CC00] =	vst v63  }
0x45: {  	_ =	swait.ge [sflag:s15], $0x4000  }
0x46: {  	[sflag:s15] =	ssyncset.done $0x0  }
0x47: {  	s8 =	rddreg [dreg:$0x8];
	[sflag:s15] =	ssyncadd.s32 $0xFFFFC000  }
0x48: {  	[spmem:s2] =	stream.indirect.scatter.add.f32 [tilespmem:s13], [sflag:$0x3], $0x80, s8, s12, $0xb8;
	[tilespmem:$0x1CC00] =	vst v63  }
0x49: {  	_ =	swait.ge [sflag:s16], $0x4000  }
0x4a: {  	[sflag:s16] =	ssyncset.done $0x0  }
0x4b: {  	s9 =	rddreg [dreg:$0x9];
	[sflag:s16] =	ssyncadd.s32 $0xFFFFC000  }
0x4c: {  	[spmem:s2] =	stream.indirect.scatter.add.f32 [tilespmem:s14], [sflag:$0x4], $0x80, s9, s12, $0xb8;
	[tilespmem:$0x1CC00] =	vst v63  }
0x4d: {  	_ =	swait.ge [sflag:s17], $0x4000  }
0x4e: {  	[sflag:s17] =	ssyncset.done $0x0  }
0x4f: {  	s7 =	rddreg [dreg:$0xa];
	[sflag:s17] =	ssyncadd.s32 $0xFFFFC000  }
0x50: {  	[tilespmem:s13], [sflag:$0x1] =	stream.indirect.gather [hbm4b:s4+s12], $0x80, s7, s12, $0xb8;
	[tilespmem:$0x1CC00] =	vst v63  }
0x51: {  	_ =	swait.ge [sflag:s18], $0x4000  }
0x52: {  	[sflag:s18] =	ssyncset.done $0x0  }
0x53: {  	s8 =	rddreg [dreg:$0xb];
	[sflag:s18] =	ssyncadd.s32 $0xFFFFC000  }
0x54: {  	[tilespmem:s14], [sflag:$0x2] =	stream.indirect.gather [hbm4b:s4+s12], $0x80, s8, s12, $0xb8;
	[tilespmem:$0x1CC00] =	vst v63  }
0x55: {  	_ =	swait.ge [sflag:s15], $0x4000  }
0x56: {  	[sflag:s15] =	ssyncset.done $0x0  }
0x57: {  	s9 =	rddreg [dreg:$0xc];
	[sflag:s15] =	ssyncadd.s32 $0xFFFFC000  }
0x58: {  	[spmem:s2] =	stream.indirect.scatter.add.f32 [tilespmem:s13], [sflag:$0x3], $0x80, s9, s12, $0xb8;
	[tilespmem:$0x1CC00] =	vst v63  }
0x59: {  	_ =	swait.ge [sflag:s16], $0x4000  }
0x5a: {  	[sflag:s16] =	ssyncset.done $0x0  }
0x5b: {  	s7 =	rddreg [dreg:$0xd];
	[sflag:s16] =	ssyncadd.s32 $0xFFFFC000  }
0x5c: {  	[spmem:s2] =	stream.indirect.scatter.add.f32 [tilespmem:s14], [sflag:$0x4], $0x80, s7, s12, $0xb8;
	[tilespmem:$0x1CC00] =	vst v63  }
0x5d: {  	_ =	swait.ge [sflag:s17], $0x4000  }
0x5e: {  	[sflag:s17] =	ssyncset.done $0x0  }
0x5f: {  	s8 =	rddreg [dreg:$0xe];
	[sflag:s17] =	ssyncadd.s32 $0xFFFFC000  }
0x60: {  	[tilespmem:s13], [sflag:$0x1] =	stream.indirect.gather [hbm4b:s4+s12], $0x80, s8, s12, $0xb8;
	[tilespmem:$0x1CC00] =	vst v63  }
0x61: {  	_ =	swait.ge [sflag:s18], $0x4000  }
0x62: {  	[sflag:s18] =	ssyncset.done $0x0  }
0x63: {  	s9 =	rddreg [dreg:$0xf];
	[sflag:s18] =	ssyncadd.s32 $0xFFFFC000  }
0x64: {  	[tilespmem:s14], [sflag:$0x2] =	stream.indirect.gather [hbm4b:s4+s12], $0x80, s9, s12, $0xb8;
	[tilespmem:$0x1CC00] =	vst v63  }
0x65: {  	_ =	swait.ge [sflag:s15], $0x4000  }
0x66: {  	[sflag:s15] =	ssyncset.done $0x0  }
0x67: {  	s7 =	rddreg [dreg:$0x10];
	[sflag:s15] =	ssyncadd.s32 $0xFFFFC000  }
0x68: {  	[spmem:s2] =	stream.indirect.scatter.add.f32 [tilespmem:s13], [sflag:$0x3], $0x80, s7, s12, $0xb8;
	[tilespmem:$0x1CC00] =	vst v63  }
0x69: {  	_ =	swait.ge [sflag:s16], $0x4000  }
0x6a: {  	[sflag:s16] =	ssyncset.done $0x0  }
0x6b: {  	s8 =	rddreg [dreg:$0x11];
	[sflag:s16] =	ssyncadd.s32 $0xFFFFC000  }
0x6c: {  	[spmem:s2] =	stream.indirect.scatter.add.f32 [tilespmem:s14], [sflag:$0x4], $0x80, s8, s12, $0xb8;
	[tilespmem:$0x1CC00] =	vst v63  }
0x6d: {  	_ =	swait.ge [sflag:s17], $0x4000  }
0x6e: {  	[sflag:s17] =	ssyncset.done $0x0  }
0x6f: {  	s9 =	rddreg [dreg:$0x12];
	[sflag:s17] =	ssyncadd.s32 $0xFFFFC000  }
0x70: {  	[tilespmem:s13], [sflag:$0x1] =	stream.indirect.gather [hbm4b:s4+s12], $0x80, s9, s12, $0xb8;
	[tilespmem:$0x1CC00] =	vst v63  }
0x71: {  	_ =	swait.ge [sflag:s18], $0x4000  }
0x72: {  	[sflag:s18] =	ssyncset.done $0x0  }
0x73: {  	[sflag:s18] =	ssyncadd.s32 $0xFFFFC000  }
0x74: {  	[tilespmem:s14], [sflag:$0x2] =	stream.indirect.gather [hbm4b:s4+s12], $0x80, s19, s12, $0xb8;
	[tilespmem:$0x1CC00] =	vst v63  }
0x75: {  	_ =	swait.ge [sflag:s15], $0x4000  }
0x76: {  	[sflag:s15] =	ssyncset.done $0x0  }
0x77: {  	[sflag:s15] =	ssyncadd.s32 $0xFFFFC000  }
0x78: {  	[spmem:s2] =	stream.indirect.scatter.add.f32 [tilespmem:s13], [sflag:$0x3], $0x80, s20, s12, $0xb8;
	[tilespmem:$0x1CC00] =	vst v63  }
0x79: {  	_ =	swait.ge [sflag:s16], $0x4000  }
0x7a: {  	[sflag:s16] =	ssyncset.done $0x0  }
0x7b: {  	[sflag:s16] =	ssyncadd.s32 $0xFFFFC000  }
0x7c: {  	[spmem:s2] =	stream.indirect.scatter.add.f32 [tilespmem:s14], [sflag:$0x4], $0x80, s21, s12, $0xb8;
	[tilespmem:$0x1CC00] =	vst v63  }
0x7d: {  	_ =	swait.ge [sflag:s17], $0x4000  }
0x7e: {  	[sflag:s17] =	ssyncset.done $0x0  }
0x7f: {  	[sflag:s17] =	ssyncadd.s32 $0xFFFFC000  }
0x80: {  	[tilespmem:s13], [sflag:$0x1] =	stream.indirect.gather [hbm4b:s4+s12], $0x80, s22, s12, $0xb8;
	[tilespmem:$0x1CC00] =	vst v63  }
0x81: {  	_ =	swait.ge [sflag:s18], $0x4000  }
0x82: {  	[sflag:s18] =	ssyncset.done $0x0  }
0x83: {  	[sflag:s18] =	ssyncadd.s32 $0xFFFFC000  }
0x84: {  	[tilespmem:s14], [sflag:$0x2] =	stream.indirect.gather [hbm4b:s4+s12], $0x80, s23, s12, $0xb8;
	[tilespmem:$0x1CC00] =	vst v63  }
0x85: {  	_ =	swait.ge [sflag:s15], $0x4000  }
0x86: {  	[sflag:s15] =	ssyncset.done $0x0  }
0x87: {  	[sflag:s15] =	ssyncadd.s32 $0xFFFFC000  }
0x88: {  	[spmem:s2] =	stream.indirect.scatter.add.f32 [tilespmem:s13], [sflag:$0x3], $0x80, s24, s12, $0xb8;
	[tilespmem:$0x1CC00] =	vst v63  }
0x89: {  	_ =	swait.ge [sflag:s16], $0x4000  }
0x8a: {  	[sflag:s16] =	ssyncset.done $0x0  }
0x8b: {  	[sflag:s16] =	ssyncadd.s32 $0xFFFFC000  }
0x8c: {  	[spmem:s2] =	stream.indirect.scatter.add.f32 [tilespmem:s14], [sflag:$0x4], $0x80, s25, s12, $0xb8;
	[tilespmem:$0x1CC00] =	vst v63  }
0x8d: {  	_ =	swait.ge [sflag:s17], $0x4000  }
0x8e: {  	[sflag:s17] =	ssyncset.done $0x0  }
0x8f: {  	[sflag:s17] =	ssyncadd.s32 $0xFFFFC000  }
0x90: {  	[tilespmem:s13], [sflag:$0x1] =	stream.indirect.gather [hbm4b:s4+s12], $0x80, s26, s12, $0xb8;
	[tilespmem:$0x1CC00] =	vst v63  }
0x91: {  	_ =	swait.ge [sflag:s18], $0x4000  }
0x92: {  	[sflag:s18] =	ssyncset.done $0x0  }
0x93: {  	[sflag:s18] =	ssyncadd.s32 $0xFFFFC000  }
0x94: {  	[tilespmem:s14], [sflag:$0x2] =	stream.indirect.gather [hbm4b:s4+s12], $0x80, s28, s12, $0xb8;
	[tilespmem:$0x1CC00] =	vst v63  }
0x95: {  	_ =	swait.ge [sflag:s15], $0x4000  }
0x96: {  	[sflag:s15] =	ssyncset.done $0x0  }
0x97: {  	[sflag:s15] =	ssyncadd.s32 $0xFFFFC000  }
0x98: {  	[spmem:s2] =	stream.indirect.scatter.add.f32 [tilespmem:s13], [sflag:$0x3], $0x80, s29, s12, $0xb8;
	[tilespmem:$0x1CC00] =	vst v63  }
0x99: {  	_ =	swait.ge [sflag:s16], $0x4000  }
0x9a: {  	[sflag:s16] =	ssyncset.done $0x0  }
0x9b: {  	[sflag:s16] =	ssyncadd.s32 $0xFFFFC000  }
0x9c: {  	[spmem:s2] =	stream.indirect.scatter.add.f32 [tilespmem:s14], [sflag:$0x4], $0x80, s30, s12, $0xb8;
	[tilespmem:$0x1CC00] =	vst v63  }
0x9d: {  	_ =	swait.ge [sflag:s17], $0x4000  }
0x9e: {  	[sflag:s17] =	ssyncset.done $0x0  }
0x9f: {  	[sflag:s17] =	ssyncadd.s32 $0xFFFFC000  }
0xa0: {  	[tilespmem:s13], [sflag:$0x1] =	stream.indirect.gather [hbm4b:s4+s12], $0x80, s31, s12, $0xb8;
	[tilespmem:$0x1CC00] =	vst v63  }
0xa1: {  	_ =	swait.ge [sflag:s18], $0x4000  }
0xa2: {  	[sflag:s18] =	ssyncset.done $0x0  }
0xa3: {  	[sflag:s18] =	ssyncadd.s32 $0xFFFFC000  }
0xa4: {  	[tilespmem:s14], [sflag:$0x2] =	stream.indirect.gather [hbm4b:s4+s12], $0x80, s1, s12, $0xb8;
	[tilespmem:$0x1CC00] =	vst v63  }
0xa5: {  	_ =	swait.ge [sflag:s15], $0x4000  }
0xa6: {  	[sflag:s15] =	ssyncset.done $0x0  }
0xa7: {  	[sflag:s15] =	ssyncadd.s32 $0xFFFFC000  }
0xa8: {  	[spmem:s2] =	stream.indirect.scatter.add.f32 [tilespmem:s13], [sflag:$0x3], $0x80, s0, s12, $0xb8;
	[tilespmem:$0x1CC00] =	vst v63  }
0xa9: {  	_ =	swait.ge [sflag:s16], $0x4000  }
0xaa: {  	[sflag:s16] =	ssyncset.done $0x0  }
0xab: {  	[sflag:s16] =	ssyncadd.s32 $0xFFFFC000  }
0xac: {  	[spmem:s2] =	stream.indirect.scatter.add.f32 [tilespmem:s14], [sflag:$0x4], $0x80, s5, s12, $0xb8;
	[tilespmem:$0x1CC00] =	vst v63  }
0xad: {  	_ =	swait.ge [sflag:s17], $0x4000  }
0xae: {  	[sflag:s17] =	ssyncset.done $0x0  }
0xaf: {  	[sflag:s17] =	ssyncadd.s32 $0xFFFFC000  }
0xb0: {  	s6 =	simm.s32 $0x200;
	_ =	swait.ge [sflag:s18], $0x4000  }
0xb1: {  	s8 =	simm.s32 $0x100;
	s9 =	rddreg [dreg:$0x3];
	[sflag:s18] =	ssyncset.done $0x0  }
.LBB2_2:
0xb2: {  	[sflag:s18] =	ssyncadd.s32 $0xFFFFC000;
	s9 =	sadd.s32 s8, s9  }
0xb3: {  	[tilespmem:s3], [sflag:$0x5] =	stream.linear.gather [hbm4b:s9+s3], $0x800, $0x38;
	[tilespmem:$0x1CC00] =	vst v63  }
0xb4: {  	_ =	swait.ge [sflag:s10], $0x800  }
0xb5: {  	s9 =	rddreg [dreg:$0x4];
	[sflag:s10] =	ssyncset.done $0x0  }
0xb6: {  	[sflag:s10] =	ssyncadd.s32 $0xFFFFF800;
	s9 =	sadd.s32 s8, s9  }
0xb7: {  	[tilespmem:s11], [sflag:$0x5] =	stream.linear.gather [hbm4b:s9+s3], $0x800, $0x38;
	[tilespmem:$0x1CC00] =	vst v63  }
0xb8: {  	_ =	swait.ge [sflag:s10], $0x800  }
0xb9: {  	[sflag:s10] =	ssyncset.done $0x0  }
0xba: {  	[sflag:s10] =	ssyncadd.s32 $0xFFFFF800  }
0xbb: {  	[tilespmem:s13], [sflag:$0x1] =	stream.indirect.gather [hbm4b:s4+s12], $0x80, s3, s12, $0xb8;
	[tilespmem:$0x1CC00] =	vst v63  }
0xbc: {  	_ = 	snop  }
0xbd: {  	[tilespmem:s14], [sflag:$0x2] =	stream.indirect.gather [hbm4b:s4+s12], $0x80, s12, s12, $0xb8;
	[tilespmem:$0x1CC00] =	vst v63  }
0xbe: {  	_ =	swait.ge [sflag:s15], $0x4000  }
0xbf: {  	[sflag:s15] =	ssyncset.done $0x0  }
0xc0: {  	[sflag:s15] =	ssyncadd.s32 $0xFFFFC000  }
0xc1: {  	[spmem:s2] =	stream.indirect.scatter.add.f32 [tilespmem:s13], [sflag:$0x3], $0x80, s11, s12, $0xb8;
	[tilespmem:$0x1CC00] =	vst v63  }
0xc2: {  	_ =	swait.ge [sflag:s16], $0x4000  }
0xc3: {  	[sflag:s16] =	ssyncset.done $0x0  }
0xc4: {  	s9 =	rddreg [dreg:$0x5];
	[sflag:s16] =	ssyncadd.s32 $0xFFFFC000  }
0xc5: {  	[spmem:s2] =	stream.indirect.scatter.add.f32 [tilespmem:s14], [sflag:$0x4], $0x80, s9, s12, $0xb8;
	[tilespmem:$0x1CC00] =	vst v63  }
0xc6: {  	_ =	swait.ge [sflag:s17], $0x4000  }
0xc7: {  	[sflag:s17] =	ssyncset.done $0x0  }
0xc8: {  	s9 =	rddreg [dreg:$0x6];
	[sflag:s17] =	ssyncadd.s32 $0xFFFFC000  }
0xc9: {  	[tilespmem:s13], [sflag:$0x1] =	stream.indirect.gather [hbm4b:s4+s12], $0x80, s9, s12, $0xb8;
	[tilespmem:$0x1CC00] =	vst v63  }
0xca: {  	_ =	swait.ge [sflag:s18], $0x4000  }
0xcb: {  	[sflag:s18] =	ssyncset.done $0x0  }
0xcc: {  	s9 =	rddreg [dreg:$0x7];
	[sflag:s18] =	ssyncadd.s32 $0xFFFFC000  }
0xcd: {  	[tilespmem:s14], [sflag:$0x2] =	stream.indirect.gather [hbm4b:s4+s12], $0x80, s9, s12, $0xb8;
	[tilespmem:$0x1CC00] =	vst v63  }
0xce: {  	_ =	swait.ge [sflag:s15], $0x4000  }
0xcf: {  	[sflag:s15] =	ssyncset.done $0x0  }
0xd0: {  	s9 =	rddreg [dreg:$0x8];
	[sflag:s15] =	ssyncadd.s32 $0xFFFFC000  }
0xd1: {  	[spmem:s2] =	stream.indirect.scatter.add.f32 [tilespmem:s13], [sflag:$0x3], $0x80, s9, s12, $0xb8;
	[tilespmem:$0x1CC00] =	vst v63  }
0xd2: {  	_ =	swait.ge [sflag:s16], $0x4000  }
0xd3: {  	[sflag:s16] =	ssyncset.done $0x0  }
0xd4: {  	s9 =	rddreg [dreg:$0x9];
	[sflag:s16] =	ssyncadd.s32 $0xFFFFC000  }
0xd5: {  	[spmem:s2] =	stream.indirect.scatter.add.f32 [tilespmem:s14], [sflag:$0x4], $0x80, s9, s12, $0xb8;
	[tilespmem:$0x1CC00] =	vst v63  }
0xd6: {  	_ =	swait.ge [sflag:s17], $0x4000  }
0xd7: {  	[sflag:s17] =	ssyncset.done $0x0  }
0xd8: {  	s9 =	rddreg [dreg:$0xa];
	[sflag:s17] =	ssyncadd.s32 $0xFFFFC000  }
0xd9: {  	[tilespmem:s13], [sflag:$0x1] =	stream.indirect.gather [hbm4b:s4+s12], $0x80, s9, s12, $0xb8;
	[tilespmem:$0x1CC00] =	vst v63  }
0xda: {  	_ =	swait.ge [sflag:s18], $0x4000  }
0xdb: {  	[sflag:s18] =	ssyncset.done $0x0  }
0xdc: {  	s9 =	rddreg [dreg:$0xb];
	[sflag:s18] =	ssyncadd.s32 $0xFFFFC000  }
0xdd: {  	[tilespmem:s14], [sflag:$0x2] =	stream.indirect.gather [hbm4b:s4+s12], $0x80, s9, s12, $0xb8;
	[tilespmem:$0x1CC00] =	vst v63  }
0xde: {  	_ =	swait.ge [sflag:s15], $0x4000  }
0xdf: {  	[sflag:s15] =	ssyncset.done $0x0  }
0xe0: {  	s9 =	rddreg [dreg:$0xc];
	[sflag:s15] =	ssyncadd.s32 $0xFFFFC000  }
0xe1: {  	[spmem:s2] =	stream.indirect.scatter.add.f32 [tilespmem:s13], [sflag:$0x3], $0x80, s9, s12, $0xb8;
	[tilespmem:$0x1CC00] =	vst v63  }
0xe2: {  	_ =	swait.ge [sflag:s16], $0x4000  }
0xe3: {  	[sflag:s16] =	ssyncset.done $0x0  }
0xe4: {  	s9 =	rddreg [dreg:$0xd];
	[sflag:s16] =	ssyncadd.s32 $0xFFFFC000  }
0xe5: {  	[spmem:s2] =	stream.indirect.scatter.add.f32 [tilespmem:s14], [sflag:$0x4], $0x80, s9, s12, $0xb8;
	[tilespmem:$0x1CC00] =	vst v63  }
0xe6: {  	_ =	swait.ge [sflag:s17], $0x4000  }
0xe7: {  	[sflag:s17] =	ssyncset.done $0x0  }
0xe8: {  	s9 =	rddreg [dreg:$0xe];
	[sflag:s17] =	ssyncadd.s32 $0xFFFFC000  }
0xe9: {  	[tilespmem:s13], [sflag:$0x1] =	stream.indirect.gather [hbm4b:s4+s12], $0x80, s9, s12, $0xb8;
	[tilespmem:$0x1CC00] =	vst v63  }
0xea: {  	_ =	swait.ge [sflag:s18], $0x4000  }
0xeb: {  	[sflag:s18] =	ssyncset.done $0x0  }
0xec: {  	s9 =	rddreg [dreg:$0xf];
	[sflag:s18] =	ssyncadd.s32 $0xFFFFC000  }
0xed: {  	[tilespmem:s14], [sflag:$0x2] =	stream.indirect.gather [hbm4b:s4+s12], $0x80, s9, s12, $0xb8;
	[tilespmem:$0x1CC00] =	vst v63  }
0xee: {  	_ =	swait.ge [sflag:s15], $0x4000  }
0xef: {  	[sflag:s15] =	ssyncset.done $0x0  }
0xf0: {  	s9 =	rddreg [dreg:$0x10];
	[sflag:s15] =	ssyncadd.s32 $0xFFFFC000  }
0xf1: {  	[spmem:s2] =	stream.indirect.scatter.add.f32 [tilespmem:s13], [sflag:$0x3], $0x80, s9, s12, $0xb8;
	[tilespmem:$0x1CC00] =	vst v63  }
0xf2: {  	_ =	swait.ge [sflag:s16], $0x4000  }
0xf3: {  	[sflag:s16] =	ssyncset.done $0x0  }
0xf4: {  	s9 =	rddreg [dreg:$0x11];
	[sflag:s16] =	ssyncadd.s32 $0xFFFFC000  }
0xf5: {  	[spmem:s2] =	stream.indirect.scatter.add.f32 [tilespmem:s14], [sflag:$0x4], $0x80, s9, s12, $0xb8;
	[tilespmem:$0x1CC00] =	vst v63  }
0xf6: {  	_ =	swait.ge [sflag:s17], $0x4000  }
0xf7: {  	[sflag:s17] =	ssyncset.done $0x0  }
0xf8: {  	s9 =	rddreg [dreg:$0x12];
	[sflag:s17] =	ssyncadd.s32 $0xFFFFC000  }
0xf9: {  	[tilespmem:s13], [sflag:$0x1] =	stream.indirect.gather [hbm4b:s4+s12], $0x80, s9, s12, $0xb8;
	[tilespmem:$0x1CC00] =	vst v63  }
0xfa: {  	_ =	swait.ge [sflag:s18], $0x4000  }
0xfb: {  	[sflag:s18] =	ssyncset.done $0x0  }
0xfc: {  	[sflag:s18] =	ssyncadd.s32 $0xFFFFC000  }
0xfd: {  	[tilespmem:s14], [sflag:$0x2] =	stream.indirect.gather [hbm4b:s4+s12], $0x80, s19, s12, $0xb8;
	[tilespmem:$0x1CC00] =	vst v63  }
0xfe: {  	_ =	swait.ge [sflag:s15], $0x4000  }
0xff: {  	[sflag:s15] =	ssyncset.done $0x0  }
0x100: {  	[sflag:s15] =	ssyncadd.s32 $0xFFFFC000  }
0x101: {  	[spmem:s2] =	stream.indirect.scatter.add.f32 [tilespmem:s13], [sflag:$0x3], $0x80, s20, s12, $0xb8;
	[tilespmem:$0x1CC00] =	vst v63  }
0x102: {  	_ =	swait.ge [sflag:s16], $0x4000  }
0x103: {  	[sflag:s16] =	ssyncset.done $0x0  }
0x104: {  	[sflag:s16] =	ssyncadd.s32 $0xFFFFC000  }
0x105: {  	[spmem:s2] =	stream.indirect.scatter.add.f32 [tilespmem:s14], [sflag:$0x4], $0x80, s21, s12, $0xb8;
	[tilespmem:$0x1CC00] =	vst v63  }
0x106: {  	_ =	swait.ge [sflag:s17], $0x4000  }
0x107: {  	[sflag:s17] =	ssyncset.done $0x0  }
0x108: {  	[sflag:s17] =	ssyncadd.s32 $0xFFFFC000  }
0x109: {  	[tilespmem:s13], [sflag:$0x1] =	stream.indirect.gather [hbm4b:s4+s12], $0x80, s22, s12, $0xb8;
	[tilespmem:$0x1CC00] =	vst v63  }
0x10a: {  	_ =	swait.ge [sflag:s18], $0x4000  }
0x10b: {  	[sflag:s18] =	ssyncset.done $0x0  }
0x10c: {  	[sflag:s18] =	ssyncadd.s32 $0xFFFFC000  }
0x10d: {  	[tilespmem:s14], [sflag:$0x2] =	stream.indirect.gather [hbm4b:s4+s12], $0x80, s23, s12, $0xb8;
	[tilespmem:$0x1CC00] =	vst v63  }
0x10e: {  	_ =	swait.ge [sflag:s15], $0x4000  }
0x10f: {  	[sflag:s15] =	ssyncset.done $0x0  }
0x110: {  	[sflag:s15] =	ssyncadd.s32 $0xFFFFC000  }
0x111: {  	[spmem:s2] =	stream.indirect.scatter.add.f32 [tilespmem:s13], [sflag:$0x3], $0x80, s24, s12, $0xb8;
	[tilespmem:$0x1CC00] =	vst v63  }
0x112: {  	_ =	swait.ge [sflag:s16], $0x4000  }
0x113: {  	[sflag:s16] =	ssyncset.done $0x0  }
0x114: {  	[sflag:s16] =	ssyncadd.s32 $0xFFFFC000  }
0x115: {  	[spmem:s2] =	stream.indirect.scatter.add.f32 [tilespmem:s14], [sflag:$0x4], $0x80, s25, s12, $0xb8;
	[tilespmem:$0x1CC00] =	vst v63  }
0x116: {  	_ =	swait.ge [sflag:s17], $0x4000  }
0x117: {  	[sflag:s17] =	ssyncset.done $0x0  }
0x118: {  	[sflag:s17] =	ssyncadd.s32 $0xFFFFC000  }
0x119: {  	[tilespmem:s13], [sflag:$0x1] =	stream.indirect.gather [hbm4b:s4+s12], $0x80, s26, s12, $0xb8;
	[tilespmem:$0x1CC00] =	vst v63  }
0x11a: {  	_ =	swait.ge [sflag:s18], $0x4000  }
0x11b: {  	[sflag:s18] =	ssyncset.done $0x0  }
0x11c: {  	[sflag:s18] =	ssyncadd.s32 $0xFFFFC000  }
0x11d: {  	[tilespmem:s14], [sflag:$0x2] =	stream.indirect.gather [hbm4b:s4+s12], $0x80, s28, s12, $0xb8;
	[tilespmem:$0x1CC00] =	vst v63  }
0x11e: {  	_ =	swait.ge [sflag:s15], $0x4000  }
0x11f: {  	[sflag:s15] =	ssyncset.done $0x0  }
0x120: {  	[sflag:s15] =	ssyncadd.s32 $0xFFFFC000  }
0x121: {  	[spmem:s2] =	stream.indirect.scatter.add.f32 [tilespmem:s13], [sflag:$0x3], $0x80, s29, s12, $0xb8;
	[tilespmem:$0x1CC00] =	vst v63  }
0x122: {  	_ =	swait.ge [sflag:s16], $0x4000  }
0x123: {  	[sflag:s16] =	ssyncset.done $0x0  }
0x124: {  	[sflag:s16] =	ssyncadd.s32 $0xFFFFC000  }
0x125: {  	[spmem:s2] =	stream.indirect.scatter.add.f32 [tilespmem:s14], [sflag:$0x4], $0x80, s30, s12, $0xb8;
	[tilespmem:$0x1CC00] =	vst v63  }
0x126: {  	_ =	swait.ge [sflag:s17], $0x4000  }
0x127: {  	[sflag:s17] =	ssyncset.done $0x0  }
0x128: {  	[sflag:s17] =	ssyncadd.s32 $0xFFFFC000  }
0x129: {  	[tilespmem:s13], [sflag:$0x1] =	stream.indirect.gather [hbm4b:s4+s12], $0x80, s31, s12, $0xb8;
	[tilespmem:$0x1CC00] =	vst v63  }
0x12a: {  	_ =	swait.ge [sflag:s18], $0x4000  }
0x12b: {  	[sflag:s18] =	ssyncset.done $0x0  }
0x12c: {  	[sflag:s18] =	ssyncadd.s32 $0xFFFFC000  }
0x12d: {  	[tilespmem:s14], [sflag:$0x2] =	stream.indirect.gather [hbm4b:s4+s12], $0x80, s1, s12, $0xb8;
	[tilespmem:$0x1CC00] =	vst v63  }
0x12e: {  	_ =	swait.ge [sflag:s15], $0x4000  }
0x12f: {  	[sflag:s15] =	ssyncset.done $0x0  }
0x130: {  	[sflag:s15] =	ssyncadd.s32 $0xFFFFC000  }
0x131: {  	[spmem:s2] =	stream.indirect.scatter.add.f32 [tilespmem:s13], [sflag:$0x3], $0x80, s0, s12, $0xb8;
	[tilespmem:$0x1CC00] =	vst v63  }
0x132: {  	_ =	swait.ge [sflag:s16], $0x4000  }
0x133: {  	[sflag:s16] =	ssyncset.done $0x0  }
0x134: {  	p0 =	sne.s32 s6, $0x900;
	[sflag:s16] =	ssyncadd.s32 $0xFFFFC000  }
0x135: {  	[spmem:s2] =	stream.indirect.scatter.add.f32 [tilespmem:s14], [sflag:$0x4], $0x80, s5, s12, $0xb8;
	[tilespmem:$0x1CC00] =	vst v63  }
.Ltmp0:
0x136: {  	_ =	swait.ge [sflag:s17], $0x4000;
	(pc) =	sbr.rel @p0 .LBB2_2-.Ltmp0, $4  }
0x137: {  	[sflag:s17] =	ssyncset.done $0x0  }
0x138: {  	[sflag:s17] =	ssyncadd.s32 $0xFFFFC000  }
0x139: {  	s7 =	smov.u32 s6;
	s6 =	sadd.s32 $0x100, s6;
	_ =	swait.ge [sflag:s18], $0x4000  }
0x13a: {  	s8 =	smov.u32 s7;
	s9 =	rddreg [dreg:$0x3];
	[sflag:s18] =	ssyncset.done $0x0  }
0x13b: {  	[sflag:s18] =	ssyncadd.s32 $0xFFFFC000;
	s6 =	sadd.s32 s8, s9  }
0x13c: {  	[tilespmem:s3], [sflag:$0x5] =	stream.linear.gather [hbm4b:s6+s3], $0x800, $0x38;
	[tilespmem:$0x1CC00] =	vst v63  }
0x13d: {  	_ =	swait.ge [sflag:s10], $0x800  }
0x13e: {  	s9 =	rddreg [dreg:$0x4];
	[sflag:s10] =	ssyncset.done $0x0  }
0x13f: {  	s6 =	sadd.s32 s8, s9;
	[sflag:s10] =	ssyncadd.s32 $0xFFFFF800  }
0x140: {  	[tilespmem:s11], [sflag:$0x5] =	stream.linear.gather [hbm4b:s6+s3], $0x800, $0x38;
	[tilespmem:$0x1CC00] =	vst v63  }
0x141: {  	_ =	swait.ge [sflag:s10], $0x800  }
0x142: {  	[sflag:s10] =	ssyncset.done $0x0  }
0x143: {  	[sflag:s10] =	ssyncadd.s32 $0xFFFFF800  }
0x144: {  	[tilespmem:s13], [sflag:$0x1] =	stream.indirect.gather [hbm4b:s4+s12], $0x80, s3, s12, $0xb8;
	[tilespmem:$0x1CC00] =	vst v63  }
0x145: {  	_ = 	snop  }
0x146: {  	[tilespmem:s14], [sflag:$0x2] =	stream.indirect.gather [hbm4b:s4+s12], $0x80, s12, s12, $0xb8;
	[tilespmem:$0x1CC00] =	vst v63  }
0x147: {  	_ =	swait.ge [sflag:s15], $0x4000  }
0x148: {  	[sflag:s15] =	ssyncset.done $0x0  }
0x149: {  	[sflag:s15] =	ssyncadd.s32 $0xFFFFC000  }
0x14a: {  	[spmem:s2] =	stream.indirect.scatter.add.f32 [tilespmem:s13], [sflag:$0x3], $0x80, s11, s12, $0xb8;
	[tilespmem:$0x1CC00] =	vst v63  }
0x14b: {  	_ =	swait.ge [sflag:s16], $0x4000  }
0x14c: {  	[sflag:s16] =	ssyncset.done $0x0  }
0x14d: {  	s7 =	rddreg [dreg:$0x5];
	[sflag:s16] =	ssyncadd.s32 $0xFFFFC000  }
0x14e: {  	[spmem:s2] =	stream.indirect.scatter.add.f32 [tilespmem:s14], [sflag:$0x4], $0x80, s7, s12, $0xb8;
	[tilespmem:$0x1CC00] =	vst v63  }
0x14f: {  	_ =	swait.ge [sflag:s17], $0x4000  }
0x150: {  	[sflag:s17] =	ssyncset.done $0x0  }
0x151: {  	s8 =	rddreg [dreg:$0x6];
	[sflag:s17] =	ssyncadd.s32 $0xFFFFC000  }
0x152: {  	[tilespmem:s13], [sflag:$0x1] =	stream.indirect.gather [hbm4b:s4+s12], $0x80, s8, s12, $0xb8;
	[tilespmem:$0x1CC00] =	vst v63  }
0x153: {  	_ =	swait.ge [sflag:s18], $0x4000  }
0x154: {  	[sflag:s18] =	ssyncset.done $0x0  }
0x155: {  	s9 =	rddreg [dreg:$0x7];
	[sflag:s18] =	ssyncadd.s32 $0xFFFFC000  }
0x156: {  	[tilespmem:s14], [sflag:$0x2] =	stream.indirect.gather [hbm4b:s4+s12], $0x80, s9, s12, $0xb8;
	[tilespmem:$0x1CC00] =	vst v63  }
0x157: {  	_ =	swait.ge [sflag:s15], $0x4000  }
0x158: {  	[sflag:s15] =	ssyncset.done $0x0  }
0x159: {  	s7 =	rddreg [dreg:$0x8];
	[sflag:s15] =	ssyncadd.s32 $0xFFFFC000  }
0x15a: {  	[spmem:s2] =	stream.indirect.scatter.add.f32 [tilespmem:s13], [sflag:$0x3], $0x80, s7, s12, $0xb8;
	[tilespmem:$0x1CC00] =	vst v63  }
0x15b: {  	_ =	swait.ge [sflag:s16], $0x4000  }
0x15c: {  	[sflag:s16] =	ssyncset.done $0x0  }
0x15d: {  	s8 =	rddreg [dreg:$0x9];
	[sflag:s16] =	ssyncadd.s32 $0xFFFFC000  }
0x15e: {  	[spmem:s2] =	stream.indirect.scatter.add.f32 [tilespmem:s14], [sflag:$0x4], $0x80, s8, s12, $0xb8;
	[tilespmem:$0x1CC00] =	vst v63  }
0x15f: {  	_ =	swait.ge [sflag:s17], $0x4000  }
0x160: {  	[sflag:s17] =	ssyncset.done $0x0  }
0x161: {  	s9 =	rddreg [dreg:$0xa];
	[sflag:s17] =	ssyncadd.s32 $0xFFFFC000  }
0x162: {  	[tilespmem:s13], [sflag:$0x1] =	stream.indirect.gather [hbm4b:s4+s12], $0x80, s9, s12, $0xb8;
	[tilespmem:$0x1CC00] =	vst v63  }
0x163: {  	_ =	swait.ge [sflag:s18], $0x4000  }
0x164: {  	[sflag:s18] =	ssyncset.done $0x0  }
0x165: {  	s7 =	rddreg [dreg:$0xb];
	[sflag:s18] =	ssyncadd.s32 $0xFFFFC000  }
0x166: {  	[tilespmem:s14], [sflag:$0x2] =	stream.indirect.gather [hbm4b:s4+s12], $0x80, s7, s12, $0xb8;
	[tilespmem:$0x1CC00] =	vst v63  }
0x167: {  	_ =	swait.ge [sflag:s15], $0x4000  }
0x168: {  	[sflag:s15] =	ssyncset.done $0x0  }
0x169: {  	s8 =	rddreg [dreg:$0xc];
	[sflag:s15] =	ssyncadd.s32 $0xFFFFC000  }
0x16a: {  	[spmem:s2] =	stream.indirect.scatter.add.f32 [tilespmem:s13], [sflag:$0x3], $0x80, s8, s12, $0xb8;
	[tilespmem:$0x1CC00] =	vst v63  }
0x16b: {  	_ =	swait.ge [sflag:s16], $0x4000  }
0x16c: {  	[sflag:s16] =	ssyncset.done $0x0  }
0x16d: {  	s9 =	rddreg [dreg:$0xd];
	[sflag:s16] =	ssyncadd.s32 $0xFFFFC000  }
0x16e: {  	[spmem:s2] =	stream.indirect.scatter.add.f32 [tilespmem:s14], [sflag:$0x4], $0x80, s9, s12, $0xb8;
	[tilespmem:$0x1CC00] =	vst v63  }
0x16f: {  	_ =	swait.ge [sflag:s17], $0x4000  }
0x170: {  	[sflag:s17] =	ssyncset.done $0x0  }
0x171: {  	s7 =	rddreg [dreg:$0xe];
	[sflag:s17] =	ssyncadd.s32 $0xFFFFC000  }
0x172: {  	[tilespmem:s13], [sflag:$0x1] =	stream.indirect.gather [hbm4b:s4+s12], $0x80, s7, s12, $0xb8;
	[tilespmem:$0x1CC00] =	vst v63  }
0x173: {  	_ =	swait.ge [sflag:s18], $0x4000  }
0x174: {  	[sflag:s18] =	ssyncset.done $0x0  }
0x175: {  	s8 =	rddreg [dreg:$0xf];
	[sflag:s18] =	ssyncadd.s32 $0xFFFFC000  }
0x176: {  	[tilespmem:s14], [sflag:$0x2] =	stream.indirect.gather [hbm4b:s4+s12], $0x80, s8, s12, $0xb8;
	[tilespmem:$0x1CC00] =	vst v63  }
0x177: {  	_ =	swait.ge [sflag:s15], $0x4000  }
0x178: {  	[sflag:s15] =	ssyncset.done $0x0  }
0x179: {  	s9 =	rddreg [dreg:$0x10];
	[sflag:s15] =	ssyncadd.s32 $0xFFFFC000  }
0x17a: {  	[spmem:s2] =	stream.indirect.scatter.add.f32 [tilespmem:s13], [sflag:$0x3], $0x80, s9, s12, $0xb8;
	[tilespmem:$0x1CC00] =	vst v63  }
0x17b: {  	_ =	swait.ge [sflag:s16], $0x4000  }
0x17c: {  	[sflag:s16] =	ssyncset.done $0x0  }
0x17d: {  	s7 =	rddreg [dreg:$0x11];
	[sflag:s16] =	ssyncadd.s32 $0xFFFFC000  }
0x17e: {  	[spmem:s2] =	stream.indirect.scatter.add.f32 [tilespmem:s14], [sflag:$0x4], $0x80, s7, s12, $0xb8;
	[tilespmem:$0x1CC00] =	vst v63  }
0x17f: {  	_ =	swait.ge [sflag:s17], $0x4000  }
0x180: {  	[sflag:s17] =	ssyncset.done $0x0  }
0x181: {  	s8 =	rddreg [dreg:$0x12];
	[sflag:s17] =	ssyncadd.s32 $0xFFFFC000  }
0x182: {  	[tilespmem:s13], [sflag:$0x1] =	stream.indirect.gather [hbm4b:s4+s12], $0x80, s8, s12, $0xb8;
	[tilespmem:$0x1CC00] =	vst v63  }
0x183: {  	_ =	swait.ge [sflag:s18], $0x4000  }
0x184: {  	[sflag:s18] =	ssyncset.done $0x0  }
0x185: {  	[sflag:s18] =	ssyncadd.s32 $0xFFFFC000  }
0x186: {  	[tilespmem:s14], [sflag:$0x2] =	stream.indirect.gather [hbm4b:s4+s12], $0x80, s19, s12, $0xb8;
	[tilespmem:$0x1CC00] =	vst v63  }
0x187: {  	_ =	swait.ge [sflag:s15], $0x4000  }
0x188: {  	[sflag:s15] =	ssyncset.done $0x0  }
0x189: {  	[sflag:s15] =	ssyncadd.s32 $0xFFFFC000  }
0x18a: {  	[spmem:s2] =	stream.indirect.scatter.add.f32 [tilespmem:s13], [sflag:$0x3], $0x80, s20, s12, $0xb8;
	[tilespmem:$0x1CC00] =	vst v63  }
0x18b: {  	_ =	swait.ge [sflag:s16], $0x4000  }
0x18c: {  	[sflag:s16] =	ssyncset.done $0x0  }
0x18d: {  	[sflag:s16] =	ssyncadd.s32 $0xFFFFC000  }
0x18e: {  	[spmem:s2] =	stream.indirect.scatter.add.f32 [tilespmem:s14], [sflag:$0x4], $0x80, s21, s12, $0xb8;
	[tilespmem:$0x1CC00] =	vst v63  }
0x18f: {  	_ =	swait.ge [sflag:s17], $0x4000  }
0x190: {  	[sflag:s17] =	ssyncset.done $0x0  }
0x191: {  	[sflag:s17] =	ssyncadd.s32 $0xFFFFC000  }
0x192: {  	[tilespmem:s13], [sflag:$0x1] =	stream.indirect.gather [hbm4b:s4+s12], $0x80, s22, s12, $0xb8;
	[tilespmem:$0x1CC00] =	vst v63  }
0x193: {  	_ =	swait.ge [sflag:s18], $0x4000  }
0x194: {  	[sflag:s18] =	ssyncset.done $0x0  }
0x195: {  	[sflag:s18] =	ssyncadd.s32 $0xFFFFC000  }
0x196: {  	[tilespmem:s14], [sflag:$0x2] =	stream.indirect.gather [hbm4b:s4+s12], $0x80, s23, s12, $0xb8;
	[tilespmem:$0x1CC00] =	vst v63  }
0x197: {  	_ =	swait.ge [sflag:s15], $0x4000  }
0x198: {  	[sflag:s15] =	ssyncset.done $0x0  }
0x199: {  	[sflag:s15] =	ssyncadd.s32 $0xFFFFC000  }
0x19a: {  	[spmem:s2] =	stream.indirect.scatter.add.f32 [tilespmem:s13], [sflag:$0x3], $0x80, s24, s12, $0xb8;
	[tilespmem:$0x1CC00] =	vst v63  }
0x19b: {  	_ =	swait.ge [sflag:s16], $0x4000  }
0x19c: {  	[sflag:s16] =	ssyncset.done $0x0  }
0x19d: {  	[sflag:s16] =	ssyncadd.s32 $0xFFFFC000  }
0x19e: {  	[spmem:s2] =	stream.indirect.scatter.add.f32 [tilespmem:s14], [sflag:$0x4], $0x80, s25, s12, $0xb8;
	[tilespmem:$0x1CC00] =	vst v63  }
0x19f: {  	_ =	swait.ge [sflag:s17], $0x4000  }
0x1a0: {  	[sflag:s17] =	ssyncset.done $0x0  }
0x1a1: {  	[sflag:s17] =	ssyncadd.s32 $0xFFFFC000  }
0x1a2: {  	[tilespmem:s13], [sflag:$0x1] =	stream.indirect.gather [hbm4b:s4+s12], $0x80, s26, s12, $0xb8;
	[tilespmem:$0x1CC00] =	vst v63  }
0x1a3: {  	_ =	swait.ge [sflag:s18], $0x4000  }
0x1a4: {  	[sflag:s18] =	ssyncset.done $0x0  }
0x1a5: {  	[sflag:s18] =	ssyncadd.s32 $0xFFFFC000  }
0x1a6: {  	[tilespmem:s14], [sflag:$0x2] =	stream.indirect.gather [hbm4b:s4+s12], $0x80, s28, s12, $0xb8;
	[tilespmem:$0x1CC00] =	vst v63  }
0x1a7: {  	_ =	swait.ge [sflag:s15], $0x4000  }
0x1a8: {  	[sflag:s15] =	ssyncset.done $0x0  }
0x1a9: {  	[sflag:s15] =	ssyncadd.s32 $0xFFFFC000  }
0x1aa: {  	[spmem:s2] =	stream.indirect.scatter.add.f32 [tilespmem:s13], [sflag:$0x3], $0x80, s29, s12, $0xb8;
	[tilespmem:$0x1CC00] =	vst v63  }
0x1ab: {  	_ =	swait.ge [sflag:s16], $0x4000  }
0x1ac: {  	[sflag:s16] =	ssyncset.done $0x0  }
0x1ad: {  	[sflag:s16] =	ssyncadd.s32 $0xFFFFC000  }
0x1ae: {  	[spmem:s2] =	stream.indirect.scatter.add.f32 [tilespmem:s14], [sflag:$0x4], $0x80, s30, s12, $0xb8;
	[tilespmem:$0x1CC00] =	vst v63  }
0x1af: {  	_ =	swait.ge [sflag:s17], $0x4000  }
0x1b0: {  	[sflag:s17] =	ssyncset.done $0x0  }
0x1b1: {  	[sflag:s17] =	ssyncadd.s32 $0xFFFFC000  }
0x1b2: {  	[tilespmem:s13], [sflag:$0x1] =	stream.indirect.gather [hbm4b:s4+s12], $0x80, s31, s12, $0xb8;
	[tilespmem:$0x1CC00] =	vst v63  }
0x1b3: {  	_ =	swait.ge [sflag:s18], $0x4000  }
0x1b4: {  	[sflag:s18] =	ssyncset.done $0x0  }
0x1b5: {  	[sflag:s18] =	ssyncadd.s32 $0xFFFFC000  }
0x1b6: {  	[tilespmem:s14], [sflag:$0x2] =	stream.indirect.gather [hbm4b:s4+s12], $0x80, s1, s12, $0xb8;
	[tilespmem:$0x1CC00] =	vst v63  }
0x1b7: {  	_ =	swait.ge [sflag:s15], $0x4000  }
0x1b8: {  	[sflag:s15] =	ssyncset.done $0x0  }
0x1b9: {  	[sflag:s15] =	ssyncadd.s32 $0xFFFFC000  }
0x1ba: {  	[spmem:s2] =	stream.indirect.scatter.add.f32 [tilespmem:s13], [sflag:$0x3], $0x80, s0, s12, $0xb8;
	[tilespmem:$0x1CC00] =	vst v63  }
0x1bb: {  	_ =	swait.ge [sflag:s16], $0x4000  }
0x1bc: {  	[sflag:s16] =	ssyncset.done $0x0  }
0x1bd: {  	[sflag:s16] =	ssyncadd.s32 $0xFFFFC000  }
0x1be: {  	[spmem:s2] =	stream.indirect.scatter.add.f32 [tilespmem:s14], [sflag:$0x4], $0x80, s5, s12, $0xb8;
	[tilespmem:$0x1CC00] =	vst v63  }
0x1bf: {  	_ =	swait.ge [sflag:s17], $0x4000  }
0x1c0: {  	[sflag:s17] =	ssyncset.done $0x0  }
0x1c1: {  	[sflag:s17] =	ssyncadd.s32 $0xFFFFC000  }
0x1c2: {  	_ =	swait.ge [sflag:s18], $0x4000  }
0x1c3: {  	[sflag:s18] =	ssyncset.done $0x0  }
0x1c4: {  	[sflag:s18] =	ssyncadd.s32 $0xFFFFC000  }
0x1c5: {  	[bflag:$0x0] =	sbarrier.arrive $0xFFFF  }
0x1c6: {  	s7 =	rddreg [dreg:$0x14]  }
0x1c7: {  	s9 =	rddreg [dreg:$0x15]  }
0x1c8: {  	s8 =	rddreg [dreg:$0x17]  }
0x1c9: {  	[hbm:s9], [sflag:s7] =	dma.local [spmem:s8], $0x2780  }
0x1ca: {  	_ =	swait.ge [sflag:s10], $0x2780  }
0x1cb: {  	s6 =	rddreg [dreg:$0x18]  }
0x1cc: {  	s9 =	sadd.s32 $0x1, s6;
	s6 =	rddreg [dreg:$0x16]  }
0x1cd: {  	p0 =	sne.s32 s9, s6  }
.Ltmp1:
0x1ce: {  	_ = 	snop;
	(pc) =	sbr.rel @p0 .LBB2_1-.Ltmp1, $3  }
0x1cf: {  	_ =	sdelay $0x1  }
0x1d0: {  	[sflag:s10] =	ssyncset.done $0x0  }
0x1d1: {  	[sflag:s10] =	ssyncadd.s32 $0xFFFFD880  }
0x1d2: {  	_ =	sfence.sel $0x180000  }
0x1d3: {  	[bflag:$0x0] =	sbarrier.arrive $0xFFFF  }
0x1d4: {  	_ =	strace $0x9000004D  }
0x1d5: {  	s0 =	stileid.u32;
	[bflag:$0x2] =	sbarrier.arrive $0xFFFF  }
0x1d6: {  	p0 =	sne.s32 s0, $0x0;
	s0 =	rddreg [dreg:$0x2]  }
0x1d7: {  	s0 =	sadd.s32 @!p0 $0x100000, s0  }
0x1d8: {  	[sflag:s0] =	ssyncadd.tile.s32 @!p0 $0x1;
	_ =	shalt  }
.Lfunc_end2:
_tile_overlayer_lowered:
.L_overlay_start_2:
0x1d9: {  	(tag) =	ssettag $0x2  }
0x1da: {  	s0 =	rddreg [dreg:$0x0];
	s2 =	stileid.u32  }
0x1db: {  	s1 =	rddreg [dreg:$0x1];
	p0 =	sne.s32 s2, $0x0  }
0x1dc: {  	s3 =	rddreg [dreg:$0x2];
	[bflag:$0x3] =	sbarrier.arrive $0xFFFF;
	s2 =	simm.s32 @!p0 $0x1C05  }
0x1dd: {  	[timem:s3], [sflag:s2] =	dma.local @!p0 [hbm:s0], s1  }
0x1de: {  	s0 =	simm.s32 @!p0 $0x5  }
0x1df: {  	_ =	swait.ge @!p0 [sflag:s0], s1  }
0x1e0: {  	s1 =	ssub.s32 @!p0 $0x0, s1;
	[sflag:s0] =	ssyncset.done @!p0 $0x0  }
0x1e1: {  	[sflag:s0] =	ssyncadd.s32 @!p0 s1  }
0x1e2: {  	[bflag:$0x3] =	sbarrier.arrive $0xFFFF  }
0x1e3: {  	_ =	shalt  }

// kernel: kernel.8.cloned.1.call-start
scs
__scs_entry_jumppad:
0x0: {  	(pc) =	sbr.rel $0x88, $3  }
0x1: {  	(tag) =	ssettag $0x0;
	lr =	simm.s32 $0x1  }
0x2: {  	[smem:$0x3F99] =	sst lr;
	_ =	strace $0xD0000000  }
0x3: {  	_ = 	snop  }
0x4: {  	_ = 	snop  }
0x5: {  	_ = 	snop  }
0x6: {  	_ = 	snop  }
0x7: {  	_ = 	snop  }
__scs_overlays_trampoline_lowered:
0x8: {  	[smem:$0x3FA8] =	sst s0  }
0x9: {  	[smem:$0x3FA9] =	sst s1  }
0xa: {  	[smem:$0x3FAA] =	sst s2  }
0xb: {  	[smem:$0x3FAB] =	sst s3  }
0xc: {  	[smem:$0x3FAC] =	sst s4  }
0xd: {  	[smem:$0x3FAD] =	sst s5  }
0xe: {  	[smem:$0x3FAE] =	sst s6  }
0xf: {  	[smem:$0x3FAF] =	sst s7  }
0x10: {  	[smem:$0x3FB0] =	sst s8  }
0x11: {  	[smem:$0x3FB1] =	sst s9;
	s0 =	simm.s32 @!p0 $0x0  }
0x12: {  	s1 =	sld [smem:$0x3F97];
	s0 =	simm.s32 @p0 $0x1  }
0x13: {  	[smem:$0x3FB2] =	sst s0;
	s0 =	simm.s32 @!p1 $0x0  }
0x14: {  	s2 =	sld [smem:$0x3F96];
	s0 =	simm.s32 @p1 $0x1  }
0x15: {  	[smem:$0x3FB3] =	sst s0;
	s0 =	simm.s32 @!p2 $0x0  }
0x16: {  	s3 =	sld [smem:$0x3FDB];
	s0 =	simm.s32 @p2 $0x1  }
0x17: {  	s4 =	simm.s32 $0x1BF5;
	[smem:$0x3FB5] =	sst s0  }
0x18: {  	s0 =	sld [smem:$0x3F98];
	_ =	swait.ge [sflag:s4], $0x0  }
0x19: {  	s7 =	sld [smem:$0x3F99]  }
0x1a: {  	s8 =	sadd.s32 $0xFFFFE003, lr  }
0x1b: {  	s9 =	sadd.s32 $0xFFFFFEF7, lr;
	s5 =	simm.s32 $0xFFFFFFFF;
	p2 =	slt.u32 s8, $0xFFFFF086  }
0x1c: {  	p1 =	slt.u32 s9, $0xF7A;
	s5 =	simm.s32 @!p2 $0x0  }
0x1d: {  	s5 =	simm.s32 @p1 $0x1;
	p0 =	seq.s32 s7, s2  }
0x1e: {  	s7 =	smul.u32 @!p0 $0xF7A, s2;
	p2 =	seq.s32 @!p0 s5, $0x0  }
0x1f: {  	s9 =	smul.u32 $0xF7A, s1;
	s8 =	simm.s32 @!p0 $0x1BF5;
	p2 =	por !p2, p0  }
0x20: {  	[sflag:s8] =	ssyncset.s32 @!p0 $0xFFFFF086;
	s6 =	sadd.s32 @!p0 s3, s7;
	s7 =	simm.s32 @!p0 $0x108  }
0x21: {  	s3 =	sadd.s32 s3, s9;
	s6 =	sadd.s32 @!p0 $0x88, s6;
	s7 =	simm.s32 @p2 $0x1082  }
0x22: {  	[simem:s7], [sflag:s8] =	dma.local @!p0 [hbm:s6], $0xF7A  }
0x23: {  	s9 =	sor.u32 $0xD0000000, s2;
	s6 =	simm.s32 $0x108;
	_ =	swait.ge @!p0 [sflag:s8], $0x0  }
0x24: {  	s3 =	sadd.s32 $0x88, s3;
	s6 =	simm.s32 @!p1 $0x1082;
	[sflag:s4] =	ssyncset.s32 $0xFFFFF086  }
0x25: {  	[simem:s6], [sflag:s4] =	dma.local [hbm:s3], $0xF7A  }
0x26: {  	[smem:$0x3F99] =	sst s1;
	(tag) =	ssettag s2;
	_ =	strace s9  }
0x27: {  	s1 =	sld [smem:$0x3FA9]  }
0x28: {  	s2 =	sld [smem:$0x3FAA]  }
0x29: {  	s4 =	sld [smem:$0x3FAC]  }
0x2a: {  	p0 =	seq.s32 s5, $0x0;
	s5 =	sld [smem:$0x3FAD]  }
0x2b: {  	s6 =	sld [smem:$0x3FAE]  }
0x2c: {  	s7 =	sld [smem:$0x3FAF]  }
0x2d: {  	s3 =	simm.s32 $0x108;
	s8 =	sld [smem:$0x3FB0]  }
0x2e: {  	s3 =	simm.s32 @!p0 $0x1082;
	s9 =	sld [smem:$0x3FB1]  }
0x2f: {  	lr =	sadd.s32 s0, s3;
	s0 =	sld [smem:$0x3FA8]  }
0x30: {  	s3 =	sld [smem:$0x3FAB]  }
0x31: {  	[smem:$0x3FB4] =	sst s10  }
0x32: {  	s10 =	sld [smem:$0x3FB2];
	_ =	sdelay $0x3  }
0x33: {  	p0 =	seq.s32 s10, $0x1;
	s10 =	sld [smem:$0x3FB4];
	_ =	sdelay $0x3  }
0x34: {  	[smem:$0x3FB4] =	sst s10  }
0x35: {  	s10 =	sld [smem:$0x3FB3];
	_ =	sdelay $0x3  }
0x36: {  	p1 =	seq.s32 s10, $0x1;
	s10 =	sld [smem:$0x3FB4];
	_ =	sdelay $0x3  }
0x37: {  	[smem:$0x3FB4] =	sst s10  }
0x38: {  	s10 =	sld [smem:$0x3FB5]  }
0x39: {  	_ = 	snop;
	(pc) =	sbr.ind lr, $3  }
0x3a: {  	_ = 	snop  }
0x3b: {  	_ = 	snop  }
0x3c: {  	p2 =	seq.s32 s10, $0x1;
	s10 =	sld [smem:$0x3FB4]  }
0x3d: {  	_ =	shalt  }
0x3e: {  	_ =	shalt  }
0x3f: {  	_ =	shalt  }
0x40: {  	_ =	shalt  }
0x41: {  	_ =	shalt  }
0x42: {  	_ =	shalt  }
0x43: {  	_ =	shalt  }
0x44: {  	_ =	shalt  }
0x45: {  	_ =	shalt  }
0x46: {  	_ =	shalt  }
0x47: {  	_ =	shalt  }
0x48: {  	_ =	shalt  }
0x49: {  	_ =	shalt  }
0x4a: {  	_ =	shalt  }
0x4b: {  	_ =	shalt  }
0x4c: {  	_ =	shalt  }
0x4d: {  	_ =	shalt  }
0x4e: {  	_ =	shalt  }
0x4f: {  	_ =	shalt  }
0x50: {  	_ =	shalt  }
0x51: {  	_ =	shalt  }
0x52: {  	_ =	shalt  }
0x53: {  	_ =	shalt  }
0x54: {  	_ =	shalt  }
0x55: {  	_ =	shalt  }
0x56: {  	_ =	shalt  }
0x57: {  	_ =	shalt  }
0x58: {  	_ =	shalt  }
0x59: {  	_ =	shalt  }
0x5a: {  	_ =	shalt  }
0x5b: {  	_ =	shalt  }
0x5c: {  	_ =	shalt  }
0x5d: {  	_ =	shalt  }
0x5e: {  	_ =	shalt  }
0x5f: {  	_ =	shalt  }
0x60: {  	_ =	shalt  }
0x61: {  	_ =	shalt  }
0x62: {  	_ =	shalt  }
0x63: {  	_ =	shalt  }
0x64: {  	_ =	shalt  }
0x65: {  	_ =	shalt  }
0x66: {  	_ =	shalt  }
0x67: {  	_ =	shalt  }
0x68: {  	_ =	shalt  }
0x69: {  	_ =	shalt  }
0x6a: {  	_ =	shalt  }
0x6b: {  	_ =	shalt  }
0x6c: {  	_ =	shalt  }
0x6d: {  	_ =	shalt  }
0x6e: {  	_ =	shalt  }
0x6f: {  	_ =	shalt  }
0x70: {  	_ =	shalt  }
0x71: {  	_ =	shalt  }
0x72: {  	_ =	shalt  }
0x73: {  	_ =	shalt  }
0x74: {  	_ =	shalt  }
0x75: {  	_ =	shalt  }
0x76: {  	_ =	shalt  }
0x77: {  	_ =	shalt  }
0x78: {  	_ =	shalt  }
0x79: {  	_ =	shalt  }
0x7a: {  	_ =	shalt  }
0x7b: {  	_ =	shalt  }
0x7c: {  	_ =	shalt  }
0x7d: {  	_ =	shalt  }
0x7e: {  	_ =	shalt  }
0x7f: {  	_ =	shalt  }
0x80: {  	_ =	shalt  }
0x81: {  	_ =	shalt  }
0x82: {  	_ =	shalt  }
0x83: {  	_ =	shalt  }
0x84: {  	_ =	shalt  }
0x85: {  	_ =	shalt  }
0x86: {  	_ =	shalt  }
0x87: {  	_ =	shalt  }
.Lfunc_end0:
.L_simem_size_0:
called_computation_lowered:
.L_overlay_start_0:
0x88: {  	s2 =	sld [smem:$0x3FD9]  }
0x89: {  	s3 =	sld [smem:$0x3FFE];
	_ =	sdelay $0x1  }
0x8a: {  	s1 =	srdreg.scid  }
0x8b: {  	s0 =	sand.u32 $0x1, s1  }
0x8c: {  	s16 =	sshll.u32 s0, $0xA;
	s2 =	sadd.s32 s3, s2  }
0x8d: {  	s2 =	sadd.s32 s2, s16  }
0x8e: {  	[smem:$0x3FC0] =	sst s2  }
0x8f: {  	_ = 	snop  }
0x90: {  	(tm) =	ssettm $0x1  }
0x91: {  	s17 =	sld [smem:$0x3FFB];
	_ =	sdelay $0x3  }
0x92: {  	_ =	strace s17  }
0x93: {  	s2 =	sld [smem:$0x3FFC];
	_ =	sdelay $0x3  }
0x94: {  	_ =	strace s2  }
0x95: {  	s2 =	sld [smem:$0x3FFD];
	_ =	sdelay $0x3  }
0x96: {  	_ =	strace s2  }
0x97: {  	_ =	strace $0x8FFFFFFF  }
0x98: {  	s18 =	sld [smem:$0x3FDB];
	_ =	sdelay $0x1  }
0x99: {  	s19 =	simm.s32 $_scs_section_size  }
0x9a: {  	s4 =	simm.s32 $_size__tile_overlayer_lowered;
	s5 =	simm.s32 $_tile_overlayer_lowered  }
0x9b: {  	s22 =	simm.s32 $0x1BFF;
	s21 =	sshll.u32 s5, $0x1;
	s2 =	sadd.s32 s19, s18  }
0x9c: {  	s6 =	simm.s32 $0x0;
	s20 =	sshll.u32 s4, $0x1;
	s4 =	sadd.s32 s21, s2  }
0x9d: {  	[timem:s6], [sflag:s22] =	dma.local [hbm:s4], s20  }
0x9e: {  	_ =	swait.ge [sflag:s22], s20  }
0x9f: {  	s3 =	ssub.s32 $0x0, s20;
	[sflag:s22] =	ssyncset.done $0x0  }
0xa0: {  	[sflag:s22] =	ssyncadd.s32 s3;
	_ =	sdelay $0x1  }
0xa1: {  	s23 =	simm.s32 $0x1B8B  }
0xa2: {  	_ =	swait.ge [sflag:s23], $0x1  }
0xa3: {  	[sflag:s23] =	ssyncset.done $0x0  }
0xa4: {  	s25 =	simm.s32 $0x1B8E;
	s24 =	sld [smem:$0x3FFE];
	[sflag:s23] =	ssyncadd.s32 $0xFFFFFFFF  }
0xa5: {  	s26 =	simm.s32 $execute0_lowered;
	[smem:$0x3FD2] =	sst s25  }
0xa6: {  	s4 =	sshll.u32 s26, $0x1;
	_ =	strace $0x80000046;
	[dreg:$0x1] =	wrdreg $0xFFFFFFFF  }
0xa7: {  	s28 =	simm.s32 $_size_execute0_lowered;
	s2 =	sadd.s32 s2, s4;
	[dreg:$0x0] =	wrdreg $0x0  }
0xa8: {  	s4 =	sshll.u32 s28, $0x1;
	[dreg:$0x2] =	wrdreg s2  }
0xa9: {  	[dreg:$0x3] =	wrdreg s4  }
0xaa: {  	[dreg:$0x4] =	wrdreg $0xC0  }
0xab: {  	_ =	task [dreg:s6], $0x5FFFF  }
0xac: {  	[dreg:$0x1] =	wrdreg $0xFFFFFFFF  }
0xad: {  	[dreg:$0x0] =	wrdreg $0x60  }
0xae: {  	[dreg:$0x2] =	wrdreg s24  }
0xaf: {  	[dreg:$0x3] =	wrdreg $0x48000  }
0xb0: {  	[dreg:$0x4] =	wrdreg $0x9  }
0xb1: {  	_ =	task.clear_ibuf [dreg:s6], $0x5FFFF;
	_ =	strace $0x90000046  }
0xb2: {  	s29 =	simm.s32 $0x9;
	_ =	strace $0x80000048  }
0xb3: {  	_ =	swait.ge [sflag:s29], $0x1  }
0xb4: {  	[sflag:s29] =	ssyncadd.s32 $0xFFFFFFFF  }
0xb5: {  	_ =	strace $0x90000048  }
0xb6: {  	_ =	sfence  }
0xb7: {  	s30 =	sld [smem:$0x0];
	_ =	sdelay $0x2  }
0xb8: {  	s31 =	sshll.u32 s1, $0xD;
	s1 =	sshrl.u32 s1, $0x2  }
0xb9: {  	s3 =	sand.u32 $0x4000, s31;
	s1 =	sadd.s32 s1, s30  }
0xba: {  	s0 =	sor.u32 s3, s0;
	s1 =	sshll.u32 s1, $0x11  }
0xbb: {  	s0 =	sor.u32 s1, s0  }
0xbc: {  	s0 =	sadd.s32 $0x8F2B, s0  }
0xbd: {  	[sflag:s0] =	ssyncadd.remote.s32 $0x1  }
0xbe: {  	_ =	sfence.sel $0xFFFF  }
0xbf: {  	[dreg:$0x0] =	wrdreg $0xFFFFFFFF;
	(pc) =	sbr.abs _section_cstart, $3  }
0xc0: {  	[dreg:$0x1] =	wrdreg $0xFFFFFFFF  }
0xc1: {  	_ =	task.clear_ibuf [dreg:s6], $0x2FFFF;
	_ =	strace $0x9FFFFFFF  }
0xc2: {  	(tm) =	ssettm $0x7FFFFFFF  }
0xc3: {  	_ =	shalt  }
tec
execute0_lowered:
.L_overlay_start_1:
0x0: {  	(tag) =	ssettag $0x1  }
0x1: {  	s0 =	srdreg.scid;
	s1 =	rddreg [dreg:$0x0]  }
0x2: {  	s8 =	stileid.u32;
	s2 =	rddreg [dreg:$0x1]  }
0x3: {  	s3 =	simm.s32 $0x0;
	s11 =	simm.s32 $0x2;
	s12 =	simm.s32 $0x800  }
0x4: {  	s13 =	simm.s32 $0x80;
	s14 =	simm.s32 $0x100;
	s15 =	simm.s32 $0x180  }
0x5: {  	s16 =	simm.s32 $0x200;
	s17 =	simm.s32 $0x280;
	s18 =	simm.s32 $0x300  }
0x6: {  	s19 =	simm.s32 $0x380;
	s20 =	simm.s32 $0x400;
	s21 =	simm.s32 $0x480  }
0x7: {  	s22 =	simm.s32 $0x500;
	s23 =	simm.s32 $0x580;
	s4 =	smul.u32 $0x5000, s8  }
0x8: {  	s28 =	simm.s32 $0x780;
	s29 =	simm.s32 $0x1;
	s6 =	smul.u32 $0x13C00, s8  }
0x9: {  	s30 =	simm.s32 $0x0;
	s0 =	sand.u32 $0x1, s0;
	s7 =	smul.u32 $0x4F000, s8  }
0xa: {  	[smem:$0x7FF] =	sst s3;
	s25 =	sadd.s32 $0xBE00, s1;
	s5 =	smul.u32 $0x2800, s0  }
0xb: {  	s31 =	sshll.u32 s8, $0x6;
	s24 =	smul.u32 $0x13C000, s0;
	_ =	strace $0x80000047  }
0xc: {  	[dreg:$0x3] =	wrdreg s25;
	s0 =	ssub.s32 $0x2, s0;
	s25 =	simm.s32 $0x680  }
0xd: {  	s26 =	sshrl.u32 s0, $0x1;
	s7 =	sshrl.u32 s7, $0x2;
	s4 =	sadd.s32 s5, s4  }
0xe: {  	s6 =	sadd.s32 s6, s24;
	s5 =	sadd.s32 $0xC600, s1;
	s0 =	ssub.s32 s0, s26  }
0xf: {  	s10 =	sadd.s32 s7, s2;
	s24 =	simm.s32 $0x600;
	s26 =	simm.s32 $0x700  }
0x10: {  	s4 =	sshrl.u32 s4, $0x3;
	s6 =	sshrl.u32 s6, $0x3;
	s8 =	smax.u32 s0, $0x1  }
0x11: {  	s10 =	sshrl.u32 s10, $0x3;
	s9 =	sadd.s32 s4, s1;
	s1 =	sadd.s32 s6, s1  }
0x12: {  	s6 =	sor.u32 $0x1C02, s31;
	s7 =	sadd.s32 $0xEE00, s1;
	s9 =	sadd.s32 $0x1E00, s9  }
.LBB2_1:
0x13: {  	[spmem:s10], [sflag:s6] =	dma.local [hbm:s5], $0x2780  }
0x14: {  	_ =	swait.ge [sflag:s11], $0x2780  }
0x15: {  	[sflag:s11] =	ssyncset.done $0x0  }
0x16: {  	s0 =	rddreg [dreg:$0x3];
	[sflag:s11] =	ssyncadd.s32 $0xFFFFD880  }
0x17: {  	[tilespmem:s12], [sflag:$0x2] =	stream.linear.gather [hbm4b:s0+s3], $0x4000, $0x38;
	[tilespmem:$0x18400] =	vst v63  }
0x18: {  	_ =	swait.ge [sflag:s11], $0x4000  }
0x19: {  	[sflag:s11] =	ssyncset.done $0x0  }
0x1a: {  	[sflag:s11] =	ssyncadd.s32 $0xFFFFC000  }
0x1b: {  	s4 =	sadd.s32 $0x0, s9;
	[bflag:$0x0] =	sbarrier.arrive $0xFFFF  }
0x1c: {  	[tilespmem:s3], [sflag:$0x2] =	stream.linear.gather [hbm4b:s4+s3], $0x800, $0x38;
	[tilespmem:$0x18400] =	vst v63  }
0x1d: {  	_ =	swait.ge [sflag:s11], $0x800  }
0x1e: {  	[sflag:s11] =	ssyncset.done $0x0  }
0x1f: {  	[sflag:s11] =	ssyncadd.s32 $0xFFFFF800  }
0x20: {  	[spmem:s2] =	stream.indirect.scatter.add.f32 [tilespmem:s12], [sflag:$0x1], $0x80, s3, s13, $0xb8;
	[tilespmem:$0x18400] =	vst v63  }
0x21: {  	_ = 	snop  }
0x22: {  	[spmem:s2] =	stream.indirect.scatter.add.f32 [tilespmem:s12], [sflag:$0x1], $0x80, s13, s13, $0xb8;
	[tilespmem:$0x18400] =	vst v63  }
0x23: {  	_ = 	snop  }
0x24: {  	[spmem:s2] =	stream.indirect.scatter.add.f32 [tilespmem:s12], [sflag:$0x1], $0x80, s14, s13, $0xb8;
	[tilespmem:$0x18400] =	vst v63  }
0x25: {  	_ = 	snop  }
0x26: {  	[spmem:s2] =	stream.indirect.scatter.add.f32 [tilespmem:s12], [sflag:$0x1], $0x80, s15, s13, $0xb8;
	[tilespmem:$0x18400] =	vst v63  }
0x27: {  	_ = 	snop  }
0x28: {  	[spmem:s2] =	stream.indirect.scatter.add.f32 [tilespmem:s12], [sflag:$0x1], $0x80, s16, s13, $0xb8;
	[tilespmem:$0x18400] =	vst v63  }
0x29: {  	_ = 	snop  }
0x2a: {  	[spmem:s2] =	stream.indirect.scatter.add.f32 [tilespmem:s12], [sflag:$0x1], $0x80, s17, s13, $0xb8;
	[tilespmem:$0x18400] =	vst v63  }
0x2b: {  	_ = 	snop  }
0x2c: {  	[spmem:s2] =	stream.indirect.scatter.add.f32 [tilespmem:s12], [sflag:$0x1], $0x80, s18, s13, $0xb8;
	[tilespmem:$0x18400] =	vst v63  }
0x2d: {  	_ = 	snop  }
0x2e: {  	[spmem:s2] =	stream.indirect.scatter.add.f32 [tilespmem:s12], [sflag:$0x1], $0x80, s19, s13, $0xb8;
	[tilespmem:$0x18400] =	vst v63  }
0x2f: {  	_ = 	snop  }
0x30: {  	[spmem:s2] =	stream.indirect.scatter.add.f32 [tilespmem:s12], [sflag:$0x1], $0x80, s20, s13, $0xb8;
	[tilespmem:$0x18400] =	vst v63  }
0x31: {  	_ = 	snop  }
0x32: {  	[spmem:s2] =	stream.indirect.scatter.add.f32 [tilespmem:s12], [sflag:$0x1], $0x80, s21, s13, $0xb8;
	[tilespmem:$0x18400] =	vst v63  }
0x33: {  	_ = 	snop  }
0x34: {  	[spmem:s2] =	stream.indirect.scatter.add.f32 [tilespmem:s12], [sflag:$0x1], $0x80, s22, s13, $0xb8;
	[tilespmem:$0x18400] =	vst v63  }
0x35: {  	_ = 	snop  }
0x36: {  	[spmem:s2] =	stream.indirect.scatter.add.f32 [tilespmem:s12], [sflag:$0x1], $0x80, s23, s13, $0xb8;
	[tilespmem:$0x18400] =	vst v63  }
0x37: {  	_ = 	snop  }
0x38: {  	[spmem:s2] =	stream.indirect.scatter.add.f32 [tilespmem:s12], [sflag:$0x1], $0x80, s24, s13, $0xb8;
	[tilespmem:$0x18400] =	vst v63  }
0x39: {  	_ = 	snop  }
0x3a: {  	[spmem:s2] =	stream.indirect.scatter.add.f32 [tilespmem:s12], [sflag:$0x1], $0x80, s25, s13, $0xb8;
	[tilespmem:$0x18400] =	vst v63  }
0x3b: {  	_ = 	snop  }
0x3c: {  	[spmem:s2] =	stream.indirect.scatter.add.f32 [tilespmem:s12], [sflag:$0x1], $0x80, s26, s13, $0xb8;
	[tilespmem:$0x18400] =	vst v63  }
0x3d: {  	_ = 	snop  }
0x3e: {  	[spmem:s2] =	stream.indirect.scatter.add.f32 [tilespmem:s12], [sflag:$0x1], $0x80, s28, s13, $0xb8;
	[tilespmem:$0x18400] =	vst v63  }
0x3f: {  	_ =	swait.ge [sflag:s29], $0x4000  }
0x40: {  	[sflag:s29] =	ssyncset.done $0x0  }
0x41: {  	[sflag:s29] =	ssyncadd.s32 $0xFFFFC000  }
0x42: {  	_ =	swait.ge [sflag:s29], $0x4000  }
0x43: {  	[sflag:s29] =	ssyncset.done $0x0  }
0x44: {  	[sflag:s29] =	ssyncadd.s32 $0xFFFFC000  }
0x45: {  	_ =	swait.ge [sflag:s29], $0x4000  }
0x46: {  	[sflag:s29] =	ssyncset.done $0x0  }
0x47: {  	[sflag:s29] =	ssyncadd.s32 $0xFFFFC000  }
0x48: {  	_ =	swait.ge [sflag:s29], $0x4000  }
0x49: {  	[sflag:s29] =	ssyncset.done $0x0  }
0x4a: {  	[sflag:s29] =	ssyncadd.s32 $0xFFFFC000  }
0x4b: {  	_ =	swait.ge [sflag:s29], $0x4000  }
0x4c: {  	[sflag:s29] =	ssyncset.done $0x0  }
0x4d: {  	[sflag:s29] =	ssyncadd.s32 $0xFFFFC000  }
0x4e: {  	_ =	swait.ge [sflag:s29], $0x4000  }
0x4f: {  	[sflag:s29] =	ssyncset.done $0x0  }
0x50: {  	[sflag:s29] =	ssyncadd.s32 $0xFFFFC000  }
0x51: {  	_ =	swait.ge [sflag:s29], $0x4000  }
0x52: {  	[sflag:s29] =	ssyncset.done $0x0  }
0x53: {  	[sflag:s29] =	ssyncadd.s32 $0xFFFFC000  }
0x54: {  	_ =	swait.ge [sflag:s29], $0x4000  }
0x55: {  	[sflag:s29] =	ssyncset.done $0x0  }
0x56: {  	[sflag:s29] =	ssyncadd.s32 $0xFFFFC000  }
0x57: {  	_ =	swait.ge [sflag:s29], $0x4000  }
0x58: {  	[sflag:s29] =	ssyncset.done $0x0  }
0x59: {  	[sflag:s29] =	ssyncadd.s32 $0xFFFFC000  }
0x5a: {  	_ =	swait.ge [sflag:s29], $0x4000  }
0x5b: {  	[sflag:s29] =	ssyncset.done $0x0  }
0x5c: {  	[sflag:s29] =	ssyncadd.s32 $0xFFFFC000  }
0x5d: {  	_ =	swait.ge [sflag:s29], $0x4000  }
0x5e: {  	[sflag:s29] =	ssyncset.done $0x0  }
0x5f: {  	[sflag:s29] =	ssyncadd.s32 $0xFFFFC000  }
0x60: {  	_ =	swait.ge [sflag:s29], $0x4000  }
0x61: {  	[sflag:s29] =	ssyncset.done $0x0  }
0x62: {  	[sflag:s29] =	ssyncadd.s32 $0xFFFFC000  }
0x63: {  	_ =	swait.ge [sflag:s29], $0x4000  }
0x64: {  	[sflag:s29] =	ssyncset.done $0x0  }
0x65: {  	[sflag:s29] =	ssyncadd.s32 $0xFFFFC000  }
0x66: {  	_ =	swait.ge [sflag:s29], $0x4000  }
0x67: {  	[sflag:s29] =	ssyncset.done $0x0  }
0x68: {  	[sflag:s29] =	ssyncadd.s32 $0xFFFFC000  }
0x69: {  	_ =	swait.ge [sflag:s29], $0x4000  }
0x6a: {  	[sflag:s29] =	ssyncset.done $0x0  }
0x6b: {  	[sflag:s29] =	ssyncadd.s32 $0xFFFFC000  }
0x6c: {  	_ =	swait.ge [sflag:s29], $0x4000  }
0x6d: {  	s31 =	simm.s32 $0x100;
	s1 =	simm.s32 $0x200;
	[sflag:s29] =	ssyncset.done $0x0  }
.LBB2_2:
0x6e: {  	s4 =	sadd.s32 s31, s9  }
0x6f: {  	[sflag:s29] =	ssyncadd.s32 $0xFFFFC000;
	s31 =	smov.u32 s1;
	s0 =	sadd.s32 $0x100, s1  }
0x70: {  	[tilespmem:s3], [sflag:$0x2] =	stream.linear.gather [hbm4b:s4+s3], $0x800, $0x38;
	[tilespmem:$0x18400] =	vst v63  }
0x71: {  	p0 =	sne.s32 s1, $0x400;
	_ =	swait.ge [sflag:s11], $0x800  }
0x72: {  	[sflag:s11] =	ssyncset.done $0x0  }
0x73: {  	[sflag:s11] =	ssyncadd.s32 $0xFFFFF800  }
0x74: {  	[spmem:s2] =	stream.indirect.scatter.add.f32 [tilespmem:s12], [sflag:$0x1], $0x80, s3, s13, $0xb8;
	[tilespmem:$0x18400] =	vst v63  }
0x75: {  	_ = 	snop  }
0x76: {  	[spmem:s2] =	stream.indirect.scatter.add.f32 [tilespmem:s12], [sflag:$0x1], $0x80, s13, s13, $0xb8;
	[tilespmem:$0x18400] =	vst v63  }
0x77: {  	_ = 	snop  }
0x78: {  	[spmem:s2] =	stream.indirect.scatter.add.f32 [tilespmem:s12], [sflag:$0x1], $0x80, s14, s13, $0xb8;
	[tilespmem:$0x18400] =	vst v63  }
0x79: {  	_ = 	snop  }
0x7a: {  	[spmem:s2] =	stream.indirect.scatter.add.f32 [tilespmem:s12], [sflag:$0x1], $0x80, s15, s13, $0xb8;
	[tilespmem:$0x18400] =	vst v63  }
0x7b: {  	_ = 	snop  }
0x7c: {  	[spmem:s2] =	stream.indirect.scatter.add.f32 [tilespmem:s12], [sflag:$0x1], $0x80, s16, s13, $0xb8;
	[tilespmem:$0x18400] =	vst v63  }
0x7d: {  	_ = 	snop  }
0x7e: {  	[spmem:s2] =	stream.indirect.scatter.add.f32 [tilespmem:s12], [sflag:$0x1], $0x80, s17, s13, $0xb8;
	[tilespmem:$0x18400] =	vst v63  }
0x7f: {  	_ = 	snop  }
0x80: {  	[spmem:s2] =	stream.indirect.scatter.add.f32 [tilespmem:s12], [sflag:$0x1], $0x80, s18, s13, $0xb8;
	[tilespmem:$0x18400] =	vst v63  }
0x81: {  	_ = 	snop  }
0x82: {  	[spmem:s2] =	stream.indirect.scatter.add.f32 [tilespmem:s12], [sflag:$0x1], $0x80, s19, s13, $0xb8;
	[tilespmem:$0x18400] =	vst v63  }
0x83: {  	_ = 	snop  }
0x84: {  	[spmem:s2] =	stream.indirect.scatter.add.f32 [tilespmem:s12], [sflag:$0x1], $0x80, s20, s13, $0xb8;
	[tilespmem:$0x18400] =	vst v63  }
0x85: {  	_ = 	snop  }
0x86: {  	[spmem:s2] =	stream.indirect.scatter.add.f32 [tilespmem:s12], [sflag:$0x1], $0x80, s21, s13, $0xb8;
	[tilespmem:$0x18400] =	vst v63  }
0x87: {  	_ = 	snop  }
0x88: {  	[spmem:s2] =	stream.indirect.scatter.add.f32 [tilespmem:s12], [sflag:$0x1], $0x80, s22, s13, $0xb8;
	[tilespmem:$0x18400] =	vst v63  }
0x89: {  	_ = 	snop  }
0x8a: {  	[spmem:s2] =	stream.indirect.scatter.add.f32 [tilespmem:s12], [sflag:$0x1], $0x80, s23, s13, $0xb8;
	[tilespmem:$0x18400] =	vst v63  }
0x8b: {  	_ = 	snop  }
0x8c: {  	[spmem:s2] =	stream.indirect.scatter.add.f32 [tilespmem:s12], [sflag:$0x1], $0x80, s24, s13, $0xb8;
	[tilespmem:$0x18400] =	vst v63  }
0x8d: {  	_ = 	snop  }
0x8e: {  	[spmem:s2] =	stream.indirect.scatter.add.f32 [tilespmem:s12], [sflag:$0x1], $0x80, s25, s13, $0xb8;
	[tilespmem:$0x18400] =	vst v63  }
0x8f: {  	_ = 	snop  }
0x90: {  	[spmem:s2] =	stream.indirect.scatter.add.f32 [tilespmem:s12], [sflag:$0x1], $0x80, s26, s13, $0xb8;
	[tilespmem:$0x18400] =	vst v63  }
0x91: {  	_ = 	snop  }
0x92: {  	[spmem:s2] =	stream.indirect.scatter.add.f32 [tilespmem:s12], [sflag:$0x1], $0x80, s28, s13, $0xb8;
	[tilespmem:$0x18400] =	vst v63  }
0x93: {  	_ =	swait.ge [sflag:s29], $0x4000  }
0x94: {  	[sflag:s29] =	ssyncset.done $0x0  }
0x95: {  	[sflag:s29] =	ssyncadd.s32 $0xFFFFC000  }
0x96: {  	_ =	swait.ge [sflag:s29], $0x4000  }
0x97: {  	[sflag:s29] =	ssyncset.done $0x0  }
0x98: {  	[sflag:s29] =	ssyncadd.s32 $0xFFFFC000  }
0x99: {  	_ =	swait.ge [sflag:s29], $0x4000  }
0x9a: {  	[sflag:s29] =	ssyncset.done $0x0  }
0x9b: {  	[sflag:s29] =	ssyncadd.s32 $0xFFFFC000  }
0x9c: {  	_ =	swait.ge [sflag:s29], $0x4000  }
0x9d: {  	[sflag:s29] =	ssyncset.done $0x0  }
0x9e: {  	[sflag:s29] =	ssyncadd.s32 $0xFFFFC000  }
0x9f: {  	_ =	swait.ge [sflag:s29], $0x4000  }
0xa0: {  	[sflag:s29] =	ssyncset.done $0x0  }
0xa1: {  	[sflag:s29] =	ssyncadd.s32 $0xFFFFC000  }
0xa2: {  	_ =	swait.ge [sflag:s29], $0x4000  }
0xa3: {  	[sflag:s29] =	ssyncset.done $0x0  }
0xa4: {  	[sflag:s29] =	ssyncadd.s32 $0xFFFFC000  }
0xa5: {  	_ =	swait.ge [sflag:s29], $0x4000  }
0xa6: {  	[sflag:s29] =	ssyncset.done $0x0  }
0xa7: {  	[sflag:s29] =	ssyncadd.s32 $0xFFFFC000  }
0xa8: {  	_ =	swait.ge [sflag:s29], $0x4000  }
0xa9: {  	[sflag:s29] =	ssyncset.done $0x0  }
0xaa: {  	[sflag:s29] =	ssyncadd.s32 $0xFFFFC000  }
0xab: {  	_ =	swait.ge [sflag:s29], $0x4000  }
0xac: {  	[sflag:s29] =	ssyncset.done $0x0  }
0xad: {  	[sflag:s29] =	ssyncadd.s32 $0xFFFFC000  }
0xae: {  	_ =	swait.ge [sflag:s29], $0x4000  }
0xaf: {  	[sflag:s29] =	ssyncset.done $0x0  }
0xb0: {  	[sflag:s29] =	ssyncadd.s32 $0xFFFFC000  }
0xb1: {  	_ =	swait.ge [sflag:s29], $0x4000  }
0xb2: {  	[sflag:s29] =	ssyncset.done $0x0  }
0xb3: {  	[sflag:s29] =	ssyncadd.s32 $0xFFFFC000  }
0xb4: {  	_ =	swait.ge [sflag:s29], $0x4000  }
0xb5: {  	[sflag:s29] =	ssyncset.done $0x0  }
0xb6: {  	[sflag:s29] =	ssyncadd.s32 $0xFFFFC000  }
0xb7: {  	_ =	swait.ge [sflag:s29], $0x4000  }
0xb8: {  	[sflag:s29] =	ssyncset.done $0x0  }
0xb9: {  	[sflag:s29] =	ssyncadd.s32 $0xFFFFC000  }
0xba: {  	_ =	swait.ge [sflag:s29], $0x4000  }
0xbb: {  	[sflag:s29] =	ssyncset.done $0x0  }
0xbc: {  	[sflag:s29] =	ssyncadd.s32 $0xFFFFC000  }
.Ltmp0:
0xbd: {  	_ =	swait.ge [sflag:s29], $0x4000;
	(pc) =	sbr.rel @p0 .LBB2_2-.Ltmp0, $4  }
0xbe: {  	[sflag:s29] =	ssyncset.done $0x0  }
0xbf: {  	[sflag:s29] =	ssyncadd.s32 $0xFFFFC000  }
0xc0: {  	_ =	swait.ge [sflag:s29], $0x4000  }
0xc1: {  	s1 =	smov.u32 s0;
	[sflag:s29] =	ssyncset.done $0x0  }
0xc2: {  	s0 =	sadd.s32 s31, s9;
	[sflag:s29] =	ssyncadd.s32 $0xFFFFC000  }
0xc3: {  	[tilespmem:s3], [sflag:$0x2] =	stream.linear.gather [hbm4b:s0+s3], $0x800, $0x38;
	[tilespmem:$0x18400] =	vst v63  }
0xc4: {  	_ =	swait.ge [sflag:s11], $0x800  }
0xc5: {  	[sflag:s11] =	ssyncset.done $0x0  }
0xc6: {  	[sflag:s11] =	ssyncadd.s32 $0xFFFFF800  }
0xc7: {  	[spmem:s2] =	stream.indirect.scatter.add.f32 [tilespmem:s12], [sflag:$0x1], $0x80, s3, s13, $0xb8;
	[tilespmem:$0x18400] =	vst v63  }
0xc8: {  	_ = 	snop  }
0xc9: {  	[spmem:s2] =	stream.indirect.scatter.add.f32 [tilespmem:s12], [sflag:$0x1], $0x80, s13, s13, $0xb8;
	[tilespmem:$0x18400] =	vst v63  }
0xca: {  	_ = 	snop  }
0xcb: {  	[spmem:s2] =	stream.indirect.scatter.add.f32 [tilespmem:s12], [sflag:$0x1], $0x80, s14, s13, $0xb8;
	[tilespmem:$0x18400] =	vst v63  }
0xcc: {  	_ = 	snop  }
0xcd: {  	[spmem:s2] =	stream.indirect.scatter.add.f32 [tilespmem:s12], [sflag:$0x1], $0x80, s15, s13, $0xb8;
	[tilespmem:$0x18400] =	vst v63  }
0xce: {  	_ = 	snop  }
0xcf: {  	[spmem:s2] =	stream.indirect.scatter.add.f32 [tilespmem:s12], [sflag:$0x1], $0x80, s16, s13, $0xb8;
	[tilespmem:$0x18400] =	vst v63  }
0xd0: {  	_ = 	snop  }
0xd1: {  	[spmem:s2] =	stream.indirect.scatter.add.f32 [tilespmem:s12], [sflag:$0x1], $0x80, s17, s13, $0xb8;
	[tilespmem:$0x18400] =	vst v63  }
0xd2: {  	_ = 	snop  }
0xd3: {  	[spmem:s2] =	stream.indirect.scatter.add.f32 [tilespmem:s12], [sflag:$0x1], $0x80, s18, s13, $0xb8;
	[tilespmem:$0x18400] =	vst v63  }
0xd4: {  	_ = 	snop  }
0xd5: {  	[spmem:s2] =	stream.indirect.scatter.add.f32 [tilespmem:s12], [sflag:$0x1], $0x80, s19, s13, $0xb8;
	[tilespmem:$0x18400] =	vst v63  }
0xd6: {  	_ = 	snop  }
0xd7: {  	[spmem:s2] =	stream.indirect.scatter.add.f32 [tilespmem:s12], [sflag:$0x1], $0x80, s20, s13, $0xb8;
	[tilespmem:$0x18400] =	vst v63  }
0xd8: {  	_ = 	snop  }
0xd9: {  	[spmem:s2] =	stream.indirect.scatter.add.f32 [tilespmem:s12], [sflag:$0x1], $0x80, s21, s13, $0xb8;
	[tilespmem:$0x18400] =	vst v63  }
0xda: {  	_ = 	snop  }
0xdb: {  	[spmem:s2] =	stream.indirect.scatter.add.f32 [tilespmem:s12], [sflag:$0x1], $0x80, s22, s13, $0xb8;
	[tilespmem:$0x18400] =	vst v63  }
0xdc: {  	_ = 	snop  }
0xdd: {  	[spmem:s2] =	stream.indirect.scatter.add.f32 [tilespmem:s12], [sflag:$0x1], $0x80, s23, s13, $0xb8;
	[tilespmem:$0x18400] =	vst v63  }
0xde: {  	_ = 	snop  }
0xdf: {  	[spmem:s2] =	stream.indirect.scatter.add.f32 [tilespmem:s12], [sflag:$0x1], $0x80, s24, s13, $0xb8;
	[tilespmem:$0x18400] =	vst v63  }
0xe0: {  	_ = 	snop  }
0xe1: {  	[spmem:s2] =	stream.indirect.scatter.add.f32 [tilespmem:s12], [sflag:$0x1], $0x80, s25, s13, $0xb8;
	[tilespmem:$0x18400] =	vst v63  }
0xe2: {  	_ = 	snop  }
0xe3: {  	[spmem:s2] =	stream.indirect.scatter.add.f32 [tilespmem:s12], [sflag:$0x1], $0x80, s26, s13, $0xb8;
	[tilespmem:$0x18400] =	vst v63  }
0xe4: {  	_ = 	snop  }
0xe5: {  	[spmem:s2] =	stream.indirect.scatter.add.f32 [tilespmem:s12], [sflag:$0x1], $0x80, s28, s13, $0xb8;
	[tilespmem:$0x18400] =	vst v63  }
0xe6: {  	_ =	swait.ge [sflag:s29], $0x4000  }
0xe7: {  	[sflag:s29] =	ssyncset.done $0x0  }
0xe8: {  	[sflag:s29] =	ssyncadd.s32 $0xFFFFC000  }
0xe9: {  	_ =	swait.ge [sflag:s29], $0x4000  }
0xea: {  	[sflag:s29] =	ssyncset.done $0x0  }
0xeb: {  	[sflag:s29] =	ssyncadd.s32 $0xFFFFC000  }
0xec: {  	_ =	swait.ge [sflag:s29], $0x4000  }
0xed: {  	[sflag:s29] =	ssyncset.done $0x0  }
0xee: {  	[sflag:s29] =	ssyncadd.s32 $0xFFFFC000  }
0xef: {  	_ =	swait.ge [sflag:s29], $0x4000  }
0xf0: {  	[sflag:s29] =	ssyncset.done $0x0  }
0xf1: {  	[sflag:s29] =	ssyncadd.s32 $0xFFFFC000  }
0xf2: {  	_ =	swait.ge [sflag:s29], $0x4000  }
0xf3: {  	[sflag:s29] =	ssyncset.done $0x0  }
0xf4: {  	[sflag:s29] =	ssyncadd.s32 $0xFFFFC000  }
0xf5: {  	_ =	swait.ge [sflag:s29], $0x4000  }
0xf6: {  	[sflag:s29] =	ssyncset.done $0x0  }
0xf7: {  	[sflag:s29] =	ssyncadd.s32 $0xFFFFC000  }
0xf8: {  	_ =	swait.ge [sflag:s29], $0x4000  }
0xf9: {  	[sflag:s29] =	ssyncset.done $0x0  }
0xfa: {  	[sflag:s29] =	ssyncadd.s32 $0xFFFFC000  }
0xfb: {  	_ =	swait.ge [sflag:s29], $0x4000  }
0xfc: {  	[sflag:s29] =	ssyncset.done $0x0  }
0xfd: {  	[sflag:s29] =	ssyncadd.s32 $0xFFFFC000  }
0xfe: {  	_ =	swait.ge [sflag:s29], $0x4000  }
0xff: {  	[sflag:s29] =	ssyncset.done $0x0  }
0x100: {  	[sflag:s29] =	ssyncadd.s32 $0xFFFFC000  }
0x101: {  	_ =	swait.ge [sflag:s29], $0x4000  }
0x102: {  	[sflag:s29] =	ssyncset.done $0x0  }
0x103: {  	[sflag:s29] =	ssyncadd.s32 $0xFFFFC000  }
0x104: {  	_ =	swait.ge [sflag:s29], $0x4000  }
0x105: {  	[sflag:s29] =	ssyncset.done $0x0  }
0x106: {  	[sflag:s29] =	ssyncadd.s32 $0xFFFFC000  }
0x107: {  	_ =	swait.ge [sflag:s29], $0x4000  }
0x108: {  	[sflag:s29] =	ssyncset.done $0x0  }
0x109: {  	[sflag:s29] =	ssyncadd.s32 $0xFFFFC000  }
0x10a: {  	_ =	swait.ge [sflag:s29], $0x4000  }
0x10b: {  	[sflag:s29] =	ssyncset.done $0x0  }
0x10c: {  	[sflag:s29] =	ssyncadd.s32 $0xFFFFC000  }
0x10d: {  	_ =	swait.ge [sflag:s29], $0x4000  }
0x10e: {  	[sflag:s29] =	ssyncset.done $0x0  }
0x10f: {  	[sflag:s29] =	ssyncadd.s32 $0xFFFFC000  }
0x110: {  	_ =	swait.ge [sflag:s29], $0x4000  }
0x111: {  	[sflag:s29] =	ssyncset.done $0x0  }
0x112: {  	[sflag:s29] =	ssyncadd.s32 $0xFFFFC000  }
0x113: {  	_ =	swait.ge [sflag:s29], $0x4000  }
0x114: {  	s30 =	sadd.s32 $0x1, s30;
	[sflag:s29] =	ssyncset.done $0x0  }
0x115: {  	p0 =	sne.s32 s30, s8;
	[sflag:s29] =	ssyncadd.s32 $0xFFFFC000  }
.Ltmp1:
0x116: {  	[bflag:$0x0] =	sbarrier.arrive $0xFFFF;
	(pc) =	sbr.rel @p0 .LBB2_1-.Ltmp1, $4  }
0x117: {  	[hbm:s7], [sflag:s6] =	dma.local [spmem:s10], $0x2780  }
0x118: {  	_ =	swait.ge [sflag:s11], $0x2780  }
0x119: {  	[sflag:s11] =	ssyncset.done $0x0  }
0x11a: {  	[sflag:s11] =	ssyncadd.s32 $0xFFFFD880  }
0x11b: {  	_ =	sfence.sel $0x180000  }
0x11c: {  	[bflag:$0x0] =	sbarrier.arrive $0xFFFF  }
0x11d: {  	_ =	strace $0x90000047  }
0x11e: {  	s0 =	stileid.u32;
	[bflag:$0x2] =	sbarrier.arrive $0xFFFF  }
0x11f: {  	p0 =	sne.s32 s0, $0x0;
	s0 =	rddreg [dreg:$0x2]  }
0x120: {  	s0 =	sadd.s32 @!p0 $0x100000, s0  }
0x121: {  	[sflag:s0] =	ssyncadd.tile.s32 @!p0 $0x1;
	_ =	shalt  }
.Lfunc_end2:
_tile_overlayer_lowered:
.L_overlay_start_2:
0x122: {  	(tag) =	ssettag $0x2  }
0x123: {  	s0 =	rddreg [dreg:$0x0];
	s2 =	stileid.u32  }
0x124: {  	s1 =	rddreg [dreg:$0x1];
	p0 =	sne.s32 s2, $0x0  }
0x125: {  	s3 =	rddreg [dreg:$0x2];
	[bflag:$0x3] =	sbarrier.arrive $0xFFFF;
	s2 =	simm.s32 @!p0 $0x1C02  }
0x126: {  	[timem:s3], [sflag:s2] =	dma.local @!p0 [hbm:s0], s1  }
0x127: {  	s0 =	simm.s32 @!p0 $0x2  }
0x128: {  	_ =	swait.ge @!p0 [sflag:s0], s1  }
0x129: {  	s1 =	ssub.s32 @!p0 $0x0, s1;
	[sflag:s0] =	ssyncset.done @!p0 $0x0  }
0x12a: {  	[sflag:s0] =	ssyncadd.s32 @!p0 s1  }
0x12b: {  	[bflag:$0x3] =	sbarrier.arrive $0xFFFF  }
0x12c: {  	_ =	shalt  }

</sc_bundles>
